<compile_context>
chip_gen: v7x
topology: tpu7x:2x2x1
jax: 0.10.2.dev20260603
libtpu: 0.0.44.dev20260713+nightly
codegen_flags: <defaults>
</compile_context>

<pallas_src>
import functools

import jax
import jax.numpy as jnp
from jax import lax
from jax.experimental import pallas as pl
from jax.experimental.pallas import tpu as pltpu
from jax.experimental.pallas import tpu_sc as plsc

N = 10000
E = 160000
IN_CH = 256
HID_CH = 256
OUT_CH = 128
NUM_GRAPHS = 64

NC = 2
NS = 16
NW = NC * NS
G = 128
EPT = 5120
NCHUNK = EPT // G
E_PAD = NW * EPT
N_PAD = 10240
RPT = N_PAD // NS
CB = 128
C0 = 64
C1 = 16
CMAX = max(C0, C1)

_mesh = plsc.VectorSubcoreMesh(
    core_axis_name="c", subcore_axis_name="s", num_cores=NC, num_subcores=NS
)


@functools.partial(
    pl.kernel,
    out_type=jax.ShapeDtypeStruct((NC * N_PAD,), jnp.float32),
    mesh=_mesh,
    scratch_types=[
        pltpu.VMEM((NCHUNK, G), jnp.int32),
        pltpu.VMEM((G,), jnp.float32),
        pltpu.VMEM((RPT,), jnp.float32),
        pltpu.VMEM_SHARED((N_PAD,), jnp.float32),
    ],
)
def _sc_degree(dst3, out, dst_v, ones_v, zbuf, deg_sh):
    cid = lax.axis_index("c")
    sid = lax.axis_index("s")
    wid = sid * NC + cid
    pltpu.sync_copy(dst3.at[wid], dst_v)

    def fill(i, carry):
        ones_v[pl.ds(i * 16, 16)] = jnp.ones((16,), jnp.float32)
        return carry

    lax.fori_loop(0, G // 16, fill, 0)

    def zrow(i, carry):
        zbuf[pl.ds(i * 16, 16)] = jnp.zeros((16,), jnp.float32)
        return carry

    lax.fori_loop(0, RPT // 16, zrow, 0)
    base = sid * RPT
    pltpu.sync_copy(zbuf, deg_sh.at[pl.ds(base, RPT)])
    plsc.subcore_barrier()

    def body(j, carry):
        pltpu.sync_copy(ones_v, deg_sh.at[dst_v.at[j]], add=True)
        return carry

    lax.fori_loop(0, NCHUNK, body, 0)
    plsc.subcore_barrier()
    pltpu.sync_copy(deg_sh.at[pl.ds(base, RPT)],
                    out.at[pl.ds(cid * N_PAD + base, RPT)])


def _agg_one(y, out_c, src_v, dst_v, buf0, buf1, acc_sh, sem0, sem1,
             cid, sid, nhalf):

    def zrow(i, carry):
        for c in range(CB // 16):
            buf0[i, pl.ds(c * 16, 16)] = jnp.zeros((16,), jnp.float32)
        return carry

    lax.fori_loop(0, G, zrow, 0)
    base = sid * RPT
    for k in range(RPT // G):
        pltpu.sync_copy(buf0, acc_sh.at[pl.ds(base + k * G, G)])
    plsc.subcore_barrier()

    def start_g(j, buf, sem):
        pltpu.async_copy(y.at[src_v.at[j]], buf, sem)

    def wait_g(j, buf, sem):
        pltpu.make_async_copy(y.at[src_v.at[j]], buf, sem).wait()

    start_g(0, buf0, sem0)

    def body(t, carry):
        j0 = t * 2
        j1 = j0 + 1
        wait_g(j0, buf0, sem0)
        start_g(j1, buf1, sem1)
        pltpu.sync_copy(buf0, acc_sh.at[dst_v.at[j0]], add=True)
        wait_g(j1, buf1, sem1)

        @pl.when(t < nhalf - 1)
        def _():
            start_g(j1 + 1, buf0, sem0)

        pltpu.sync_copy(buf1, acc_sh.at[dst_v.at[j1]], add=True)
        return carry

    lax.fori_loop(0, nhalf, body, 0)
    plsc.subcore_barrier()
    pltpu.sync_copy(acc_sh.at[pl.ds(base, RPT)], out_c.at[pl.ds(base, RPT)])


_SPMM_SCRATCH = [
    pltpu.VMEM((CMAX, G), jnp.int32),
    pltpu.VMEM((CMAX, G), jnp.int32),
    pltpu.VMEM((G, CB), jnp.float32),
    pltpu.VMEM((G, CB), jnp.float32),
    pltpu.VMEM_SHARED((N_PAD, CB), jnp.float32),
    pltpu.SemaphoreType.DMA,
    pltpu.SemaphoreType.DMA,
]


@functools.partial(
    pl.kernel,
    out_type=jax.ShapeDtypeStruct((NC, N_PAD, CB), jnp.float32),
    mesh=_mesh,
    scratch_types=_SPMM_SCRATCH,
)
def _sc_spmm(y, src4, dst4, out, src_v, dst_v, buf0, buf1, acc_sh, sem0, sem1):
    cid = lax.axis_index("c")
    sid = lax.axis_index("s")
    slab = cid * NS + sid
    pltpu.sync_copy(src4.at[slab], src_v)
    pltpu.sync_copy(dst4.at[slab], dst_v)
    nhalf = jnp.where(cid == 0, C0 // 2, C1 // 2)
    _agg_one(y, out.at[cid], src_v, dst_v, buf0, buf1, acc_sh, sem0, sem1,
             cid, sid, nhalf)


@functools.partial(
    pl.kernel,
    out_type=jax.ShapeDtypeStruct((2, NC, N_PAD, CB), jnp.float32),
    mesh=_mesh,
    scratch_types=_SPMM_SCRATCH,
)
def _sc_spmm2(ya, yb, src4, dst4, out,
              src_v, dst_v, buf0, buf1, acc_sh, sem0, sem1):
    cid = lax.axis_index("c")
    sid = lax.axis_index("s")
    slab = cid * NS + sid
    pltpu.sync_copy(src4.at[slab], src_v)
    pltpu.sync_copy(dst4.at[slab], dst_v)
    nhalf = jnp.where(cid == 0, C0 // 2, C1 // 2)
    _agg_one(ya, out.at[0, cid], src_v, dst_v, buf0, buf1, acc_sh, sem0, sem1,
             cid, sid, nhalf)
    _agg_one(yb, out.at[1, cid], src_v, dst_v, buf0, buf1, acc_sh, sem0, sem1,
             cid, sid, nhalf)


def _tc_prep(degp_ref, x_ref, w1_ref, d_ref, y1a_ref, y1b_ref):
    deg_row = degp_ref[0:1, :] + degp_ref[1:2, :] + 1.0
    d_row = lax.rsqrt(deg_row)
    d_col = jnp.transpose(jnp.broadcast_to(d_row, (8, N_PAD)))
    d = d_col[:N, 0:1]
    d_ref[...] = d
    h = jnp.dot(x_ref[...], w1_ref[...], preferred_element_type=jnp.float32)
    y = h * d
    y1a_ref[...] = y[:, :CB]
    y1b_ref[...] = y[:, CB:]


def _tc_mid(pa_ref, pb_ref, ya_ref, yb_ref, d_ref, b1_ref, w2_ref, y2_ref):
    d = d_ref[...]
    ha = pa_ref[0, :N, :] + pa_ref[1, :N, :] + ya_ref[...]
    hb = pb_ref[0, :N, :] + pb_ref[1, :N, :] + yb_ref[...]
    h = jnp.concatenate([ha, hb], axis=1) * d + b1_ref[...]
    h = jnp.maximum(h, 0.0)
    h2 = jnp.dot(h, w2_ref[...], preferred_element_type=jnp.float32)
    y2_ref[...] = h2 * d


def _tc_out(p2_ref, y2_ref, d_ref, b2_ref, batch_ref, pooled_ref):
    h = (p2_ref[0, :N, :] + p2_ref[1, :N, :] + y2_ref[...]) * d_ref[...]
    h = h + b2_ref[...]
    gids = lax.broadcasted_iota(jnp.int32, (NUM_GRAPHS, N), 0)
    onehot = (batch_ref[...] == gids).astype(jnp.float32)
    pooled_ref[...] = jnp.dot(onehot, h, preferred_element_type=jnp.float32)


def kernel(x, edge_index, batch, W1, b1, W2, b2):
    src = edge_index[0].astype(jnp.int32)
    dst = edge_index[1].astype(jnp.int32)
    src_p = jnp.concatenate(
        [src, jnp.zeros((E_PAD - E,), jnp.int32)]).reshape(NW, NCHUNK, G)
    dst_p = jnp.concatenate(
        [dst, jnp.full((E_PAD - E,), N, jnp.int32)]).reshape(NW, NCHUNK, G)
    degp = _sc_degree(dst_p).reshape(NC, N_PAD)

    d, y1a, y1b = pl.pallas_call(
        _tc_prep,
        out_shape=[
            jax.ShapeDtypeStruct((N, 1), jnp.float32),
            jax.ShapeDtypeStruct((N, CB), jnp.float32),
            jax.ShapeDtypeStruct((N, CB), jnp.float32),
        ],
    )(degp, x, W1)

    def slabify(flat, fill):
        f = flat.reshape(E_PAD // G, G)

        def pad(v, c):
            if c == CMAX:
                return v
            return jnp.concatenate(
                [v, jnp.full((NS, CMAX - c, G), fill, jnp.int32)], axis=1)

        a = pad(f[: NS * C0].reshape(NS, C0, G), C0)
        b = pad(f[NS * C0:].reshape(NS, C1, G), C1)
        return jnp.concatenate([a, b], axis=0)

    src_f = slabify(src_p, 0)
    dst_f = slabify(dst_p, N)
    pab = _sc_spmm2(y1a, y1b, src_f, dst_f)

    y2 = pl.pallas_call(
        _tc_mid,
        out_shape=jax.ShapeDtypeStruct((N, OUT_CH), jnp.float32),
    )(pab[0], pab[1], y1a, y1b, d, b1.reshape(1, HID_CH), W2)

    p2 = _sc_spmm(y2, src_f, dst_f)

    pooled = pl.pallas_call(
        _tc_out,
        out_shape=jax.ShapeDtypeStruct((NUM_GRAPHS, OUT_CH), jnp.float32),
    )(p2, y2, d, b2.reshape(1, OUT_CH), batch.astype(jnp.int32).reshape(1, N))
    return pooled

# --- scband reference (transcript-rebuilt; emitter-appended) ---
"""Pipeline reference for scband-gcnwith-pooling-63333587746872 (READ-ONLY COPY).

The authoritative reference and input builder live on the scoring server;
editing this copy changes nothing except your own understanding.
"""

import jax, jax.numpy as jnp
import numpy as np

N_NODES = 10000
N_EDGES = 160000
IN_CH = 256
HID_CH = 256
OUT_CH = 128
NUM_GRAPHS = 64


def setup_inputs(seed: int = 0) -> dict:
    key = jax.random.key(seed)
    k_x, k_ei, k_b, k_w1, k_b1, k_w2, k_b2 = jax.random.split(key, 7)
    x = jax.random.normal(k_x, (N_NODES, IN_CH), dtype=jnp.float32)
    edge_index = jax.random.randint(k_ei, (2, N_EDGES), 0, N_NODES, dtype=jnp.int64)
    batch = jnp.sort(jax.random.randint(k_b, (N_NODES,), 0, NUM_GRAPHS, dtype=jnp.int64))
    # GCNConv layer 1 params (in_channels -> hidden_channels)
    W1 = jax.random.normal(k_w1, (IN_CH, HID_CH), dtype=jnp.float32) * (1.0 / np.sqrt(IN_CH))
    b1 = jnp.zeros((HID_CH,), dtype=jnp.float32)
    # GCNConv layer 2 params (hidden_channels -> out_channels)
    W2 = jax.random.normal(k_w2, (HID_CH, OUT_CH), dtype=jnp.float32) * (1.0 / np.sqrt(HID_CH))
    b2 = jnp.zeros((OUT_CH,), dtype=jnp.float32)
    return {"x": x, "edge_index": edge_index, "batch": batch, "W1": W1, "b1": b1, "W2": W2, "b2": b2}


def gcn_conv(x, edge_index, W, b, n_nodes):
    # GCNConv: out = D^{-1/2} (A + I) D^{-1/2} X W + b
    src = edge_index[0]
    dst = edge_index[1]
    loop = jnp.arange(n_nodes, dtype=src.dtype)
    src = jnp.concatenate([src, loop])
    dst = jnp.concatenate([dst, loop])
    ones = jnp.ones_like(dst, dtype=x.dtype)
    deg = jax.ops.segment_sum(ones, dst, num_segments=n_nodes)
    d_inv_sqrt = jnp.where(deg > 0, jax.lax.rsqrt(deg), 0.0)
    coeff = d_inv_sqrt[src] * d_inv_sqrt[dst]
    h = x @ W
    msg = h[src] * coeff[:, None]
    out = jax.ops.segment_sum(msg, dst, num_segments=n_nodes)
    return out + b


def reference(x, edge_index, batch, W1, b1, W2, b2):
    # SimpleGCN forward (eval mode: dropout is identity)
    h = gcn_conv(x, edge_index, W1, b1, N_NODES)
    x_hidden = h  # detached clone in torch; predictor_type is None so unused downstream
    h = jax.nn.relu(h)
    h = gcn_conv(h, edge_index, W2, b2, N_NODES)
    # PoolingLayer: global sum pooling per graph (pool='sum', subset=False)
    pooled = jax.ops.segment_sum(h, batch, num_segments=NUM_GRAPHS)
    # predictor is Identity (predictor_type=None)
    return pooled

if __name__ == "__main__":
    import jax
    _d = setup_inputs()
    print(jax.jit(kernel)(*tuple(_d.values())))

</pallas_src>

<mosaic_0001>
#map = affine_map<(d0, d1) -> (0, 0, 0)>
#map1 = affine_map<(d0, d1) -> (0)>
module attributes {stable_mosaic.version = 14 : i64} {
  func.func @_sc_degree(%arg0: i32, %arg1: i32, %arg2: memref<32x40x128xi32, #tpu.memory_space<hbm>>, %arg3: memref<20480xf32, #tpu.memory_space<hbm>>, %arg4: memref<40x128xi32, #tpu.memory_space<vmem>>, %arg5: memref<128xf32, #tpu.memory_space<vmem>>, %arg6: memref<640xf32, #tpu.memory_space<vmem>>, %arg7: memref<10240xf32, #tpu.memory_space<vmem_shared>>) attributes {dimension_semantics = [#tpu.dimension_semantics<core_parallel>, #tpu.dimension_semantics<subcore_parallel>], iteration_bounds = array<i64: 2, 16>, scalar_prefetch = 0 : i64, scratch_operands = 4 : i64, tpu.core_type = #tpu.core_type<sc_vector_subcore>, window_params = [{transform_indices = #map}, {transform_indices = #map1}]} {
    %mul3A = arith.constant 2 : i32
    %mul3A_0 = arith.muli %arg1, %mul3A : i32
    %add3A = arith.addi %mul3A_0, %arg0 : i32
    "tpu.region"() ({
      %run_scoped3A = tpu.sem_alloc : memref<!tpu.dma_semaphore, #tpu.memory_space<semaphore_mem>>
      %dma_start3A = arith.constant 0 : i32
      %dma_start3A_24 = arith.constant 0 : i32
      %dma_start3A_25 = tpu.memref_slice %arg2[%add3A, %dma_start3A, %dma_start3A_24] : memref<32x40x128xi32, #tpu.memory_space<hbm>> -> memref<1x40x128xi32, #tpu.memory_space<hbm>>
      %dma_start3A_26 = tpu.memref_squeeze %dma_start3A_25 : memref<1x40x128xi32, #tpu.memory_space<hbm>> -> memref<40x128xi32, #tpu.memory_space<hbm>>
      %dma_start3A_27 = arith.constant 0 : i32
      %dma_start3A_28 = arith.constant 0 : i32
      %dma_start3A_29 = tpu.memref_slice %arg2[%add3A, %dma_start3A_27, %dma_start3A_28] : memref<32x40x128xi32, #tpu.memory_space<hbm>> -> memref<1x40x128xi32, #tpu.memory_space<hbm>>
      %dma_start3A_30 = tpu.memref_squeeze %dma_start3A_29 : memref<1x40x128xi32, #tpu.memory_space<hbm>> -> memref<40x128xi32, #tpu.memory_space<hbm>>
      tpu.enqueue_dma source(%dma_start3A_30 : memref<40x128xi32, #tpu.memory_space<hbm>>) target(%arg4 : memref<40x128xi32, #tpu.memory_space<vmem>>) target_semaphore(%run_scoped3A : memref<!tpu.dma_semaphore, #tpu.memory_space<semaphore_mem>>)
      %dma_wait3A = arith.constant 0 : i32
      %dma_wait3A_31 = arith.constant 0 : i32
      %dma_wait3A_32 = tpu.memref_slice %arg2[%add3A, %dma_wait3A, %dma_wait3A_31] : memref<32x40x128xi32, #tpu.memory_space<hbm>> -> memref<1x40x128xi32, #tpu.memory_space<hbm>>
      %dma_wait3A_33 = tpu.memref_squeeze %dma_wait3A_32 : memref<1x40x128xi32, #tpu.memory_space<hbm>> -> memref<40x128xi32, #tpu.memory_space<hbm>>
      %dma_wait3A_34 = arith.constant 0 : i32
      %dma_wait3A_35 = arith.constant 0 : i32
      %dma_wait3A_36 = tpu.memref_slice %arg2[%add3A, %dma_wait3A_34, %dma_wait3A_35] : memref<32x40x128xi32, #tpu.memory_space<hbm>> -> memref<1x40x128xi32, #tpu.memory_space<hbm>>
      %dma_wait3A_37 = tpu.memref_squeeze %dma_wait3A_36 : memref<1x40x128xi32, #tpu.memory_space<hbm>> -> memref<40x128xi32, #tpu.memory_space<hbm>>
      tpu.wait_dma2 semaphore(%run_scoped3A : memref<!tpu.dma_semaphore, #tpu.memory_space<semaphore_mem>>) src(%dma_wait3A_37 : memref<40x128xi32, #tpu.memory_space<hbm>>) dst(%arg4 : memref<40x128xi32, #tpu.memory_space<vmem>>)
      tpu.yield
    }) : () -> ()
    %scan3A = arith.constant 0 : i32
    %scan3A_1 = arith.constant 0 : i32
    %scan3A_2 = arith.constant 8 : i32
    %scan3A_3 = arith.addi %scan3A_1, %scan3A_2 : i32
    %scan3A_4 = arith.constant 1 : i32
    scf.for %scan3A_24 = %scan3A_1 to %scan3A_3 step %scan3A_4  : i32 {
      %broadcast_in_dim3A = arith.constant 1.000000e+00 : f32
      %broadcast_in_dim3A_25 = vector.broadcast %broadcast_in_dim3A : f32 to vector<16xf32>
      %mul3A_26 = arith.constant 16 : i32
      %mul3A_27 = arith.muli %scan3A_24, %mul3A_26 : i32
      %swap3A = arith.index_cast %mul3A_27 : i32 to index
      %swap3A_28 = tpu.vector_load %arg5[%swap3A] {strides = array<i32>} : memref<128xf32, #tpu.memory_space<vmem>>, vector<16xf32>,
      %swap3A_29 = vector.shape_cast %swap3A_28 : vector<16xf32> to vector<16xf32>
      %swap3A_30 = vector.shape_cast %broadcast_in_dim3A_25 : vector<16xf32> to vector<16xf32>
      tpu.vector_store %arg5[%swap3A], %swap3A_30 {strides = array<i32>} : memref<128xf32, #tpu.memory_space<vmem>>, vector<16xf32>,
    }
    %scan3A_5 = arith.constant 8 : i32
    %scan3A_6 = arith.constant 0 : i32
    %scan3A_7 = arith.constant 0 : i32
    %scan3A_8 = arith.constant 40 : i32
    %scan3A_9 = arith.addi %scan3A_7, %scan3A_8 : i32
    %scan3A_10 = arith.constant 1 : i32
    scf.for %scan3A_24 = %scan3A_7 to %scan3A_9 step %scan3A_10  : i32 {
      %broadcast_in_dim3A = arith.constant 0.000000e+00 : f32
      %broadcast_in_dim3A_25 = vector.broadcast %broadcast_in_dim3A : f32 to vector<16xf32>
      %mul3A_26 = arith.constant 16 : i32
      %mul3A_27 = arith.muli %scan3A_24, %mul3A_26 : i32
      %swap3A = arith.index_cast %mul3A_27 : i32 to index
      %swap3A_28 = tpu.vector_load %arg6[%swap3A] {strides = array<i32>} : memref<640xf32, #tpu.memory_space<vmem>>, vector<16xf32>,
      %swap3A_29 = vector.shape_cast %swap3A_28 : vector<16xf32> to vector<16xf32>
      %swap3A_30 = vector.shape_cast %broadcast_in_dim3A_25 : vector<16xf32> to vector<16xf32>
      tpu.vector_store %arg6[%swap3A], %swap3A_30 {strides = array<i32>} : memref<640xf32, #tpu.memory_space<vmem>>, vector<16xf32>,
    }
    %scan3A_11 = arith.constant 40 : i32
    %mul3A_12 = arith.constant 640 : i32
    %mul3A_13 = arith.muli %arg1, %mul3A_12 : i32
    "tpu.region"() ({
      %run_scoped3A = tpu.sem_alloc : memref<!tpu.dma_semaphore, #tpu.memory_space<semaphore_mem>>
      %dma_start3A = tpu.memref_slice %arg7[%mul3A_13] : memref<10240xf32, #tpu.memory_space<vmem_shared>> -> memref<640xf32, #tpu.memory_space<vmem_shared>>
      %dma_start3A_24 = tpu.memref_slice %arg7[%mul3A_13] : memref<10240xf32, #tpu.memory_space<vmem_shared>> -> memref<640xf32, #tpu.memory_space<vmem_shared>>
      tpu.enqueue_dma source(%arg6 : memref<640xf32, #tpu.memory_space<vmem>>) target(%dma_start3A_24 : memref<640xf32, #tpu.memory_space<vmem_shared>>) target_semaphore(%run_scoped3A : memref<!tpu.dma_semaphore, #tpu.memory_space<semaphore_mem>>)
      %dma_wait3A = tpu.memref_slice %arg7[%mul3A_13] : memref<10240xf32, #tpu.memory_space<vmem_shared>> -> memref<640xf32, #tpu.memory_space<vmem_shared>>
      %dma_wait3A_25 = tpu.memref_slice %arg7[%mul3A_13] : memref<10240xf32, #tpu.memory_space<vmem_shared>> -> memref<640xf32, #tpu.memory_space<vmem_shared>>
      tpu.wait_dma2 semaphore(%run_scoped3A : memref<!tpu.dma_semaphore, #tpu.memory_space<semaphore_mem>>) src(%arg6 : memref<640xf32, #tpu.memory_space<vmem>>) dst(%dma_wait3A_25 : memref<640xf32, #tpu.memory_space<vmem_shared>>)
      tpu.yield
    }) : () -> ()
    %barrier3A = arith.constant 0 : index
    tpu.barrier barrier_id(%barrier3A)
    %scan3A_14 = arith.constant 0 : i32
    %scan3A_15 = arith.constant 0 : i32
    %scan3A_16 = arith.constant 40 : i32
    %scan3A_17 = arith.addi %scan3A_15, %scan3A_16 : i32
    %scan3A_18 = arith.constant 1 : i32
    scf.for %scan3A_24 = %scan3A_15 to %scan3A_17 step %scan3A_18  : i32 {
      "tpu.region"() ({
        %run_scoped3A = tpu.sem_alloc : memref<!tpu.dma_semaphore, #tpu.memory_space<semaphore_mem>>
        %dma_start3A = arith.constant 0 : i32
        %dma_start3A_25 = tpu.memref_slice %arg4[%scan3A_24, %dma_start3A] : memref<40x128xi32, #tpu.memory_space<vmem>> -> memref<1x128xi32, #tpu.memory_space<vmem>>
        %dma_start3A_26 = tpu.memref_squeeze %dma_start3A_25 : memref<1x128xi32, #tpu.memory_space<vmem>> -> memref<128xi32, #tpu.memory_space<vmem>>
        %dma_start3A_27 = arith.constant 0 : i32
        %dma_start3A_28 = tpu.memref_slice %arg7[%dma_start3A_27] : memref<10240xf32, #tpu.memory_space<vmem_shared>> -> memref<10240xf32, #tpu.memory_space<vmem_shared>>
        tpu.enqueue_indirect_dma source(%arg5 : memref<128xf32, #tpu.memory_space<vmem>>) target(%dma_start3A_28 : memref<10240xf32, #tpu.memory_space<vmem_shared>>) offsets(%dma_start3A_26 : memref<128xi32, #tpu.memory_space<vmem>>) semaphore(%run_scoped3A : memref<!tpu.dma_semaphore, #tpu.memory_space<semaphore_mem>>) {add = true}
        %dma_wait3A = arith.constant 0 : i32
        %dma_wait3A_29 = tpu.memref_slice %arg4[%scan3A_24, %dma_wait3A] : memref<40x128xi32, #tpu.memory_space<vmem>> -> memref<1x128xi32, #tpu.memory_space<vmem>>
        %dma_wait3A_30 = tpu.memref_squeeze %dma_wait3A_29 : memref<1x128xi32, #tpu.memory_space<vmem>> -> memref<128xi32, #tpu.memory_space<vmem>>
        %dma_wait3A_31 = arith.constant 0 : i32
        %dma_wait3A_32 = tpu.memref_slice %arg7[%dma_wait3A_31] : memref<10240xf32, #tpu.memory_space<vmem_shared>> -> memref<10240xf32, #tpu.memory_space<vmem_shared>>
        tpu.wait_indirect_dma semaphore(%run_scoped3A : memref<!tpu.dma_semaphore, #tpu.memory_space<semaphore_mem>>) src(%arg5 : memref<128xf32, #tpu.memory_space<vmem>>) dst(%dma_wait3A_32 : memref<10240xf32, #tpu.memory_space<vmem_shared>>)
        tpu.yield
      }) : () -> ()
    }
    %scan3A_19 = arith.constant 40 : i32
    %barrier3A_20 = arith.constant 0 : index
    tpu.barrier barrier_id(%barrier3A_20)
    %mul3A_21 = arith.constant 10240 : i32
    %mul3A_22 = arith.muli %arg0, %mul3A_21 : i32
    %add3A_23 = arith.addi %mul3A_22, %mul3A_13 : i32
    "tpu.region"() ({
      %run_scoped3A = tpu.sem_alloc : memref<!tpu.dma_semaphore, #tpu.memory_space<semaphore_mem>>
      %dma_start3A = tpu.memref_slice %arg3[%add3A_23] : memref<20480xf32, #tpu.memory_space<hbm>> -> memref<640xf32, #tpu.memory_space<hbm>>
      %dma_start3A_24 = tpu.memref_slice %arg7[%mul3A_13] : memref<10240xf32, #tpu.memory_space<vmem_shared>> -> memref<640xf32, #tpu.memory_space<vmem_shared>>
      tpu.enqueue_dma source(%dma_start3A_24 : memref<640xf32, #tpu.memory_space<vmem_shared>>) target(%dma_start3A : memref<640xf32, #tpu.memory_space<hbm>>) target_semaphore(%run_scoped3A : memref<!tpu.dma_semaphore, #tpu.memory_space<semaphore_mem>>)
      %dma_wait3A = tpu.memref_slice %arg3[%add3A_23] : memref<20480xf32, #tpu.memory_space<hbm>> -> memref<640xf32, #tpu.memory_space<hbm>>
      %dma_wait3A_25 = tpu.memref_slice %arg7[%mul3A_13] : memref<10240xf32, #tpu.memory_space<vmem_shared>> -> memref<640xf32, #tpu.memory_space<vmem_shared>>
      tpu.wait_dma2 semaphore(%run_scoped3A : memref<!tpu.dma_semaphore, #tpu.memory_space<semaphore_mem>>) src(%dma_wait3A_25 : memref<640xf32, #tpu.memory_space<vmem_shared>>) dst(%dma_wait3A : memref<640xf32, #tpu.memory_space<hbm>>)
      tpu.yield
    }) : () -> ()
    return
  }
}

#map = affine_map<(d0, d1) -> (0, 0)>
#map1 = affine_map<(d0, d1) -> (0, 0, 0)>
module attributes {stable_mosaic.version = 14 : i64} {
  func.func @_sc_spmm(%arg0: i32, %arg1: i32, %arg2: memref<10000x128xf32, #tpu.memory_space<hbm>>, %arg3: memref<32x64x128xi32, #tpu.memory_space<hbm>>, %arg4: memref<32x64x128xi32, #tpu.memory_space<hbm>>, %arg5: memref<2x10240x128xf32, #tpu.memory_space<hbm>>, %arg6: memref<64x128xi32, #tpu.memory_space<vmem>>, %arg7: memref<64x128xi32, #tpu.memory_space<vmem>>, %arg8: memref<128x128xf32, #tpu.memory_space<vmem>>, %arg9: memref<128x128xf32, #tpu.memory_space<vmem>>, %arg10: memref<10240x128xf32, #tpu.memory_space<vmem_shared>>, %arg11: memref<!tpu.dma_semaphore, #tpu.memory_space<semaphore_mem>>, %arg12: memref<!tpu.dma_semaphore, #tpu.memory_space<semaphore_mem>>) attributes {dimension_semantics = [#tpu.dimension_semantics<core_parallel>, #tpu.dimension_semantics<subcore_parallel>], iteration_bounds = array<i64: 2, 16>, scalar_prefetch = 0 : i64, scratch_operands = 7 : i64, tpu.core_type = #tpu.core_type<sc_vector_subcore>, window_params = [{transform_indices = #map}, {transform_indices = #map1}, {transform_indices = #map1}, {transform_indices = #map1}]} {
    %mul3A = arith.constant 16 : i32
    %mul3A_0 = arith.muli %arg0, %mul3A : i32
    %add3A = arith.addi %mul3A_0, %arg1 : i32
    "tpu.region"() ({
      %run_scoped3A = tpu.sem_alloc : memref<!tpu.dma_semaphore, #tpu.memory_space<semaphore_mem>>
      %dma_start3A_36 = arith.constant 0 : i32
      %dma_start3A_37 = arith.constant 0 : i32
      %dma_start3A_38 = tpu.memref_slice %arg3[%add3A, %dma_start3A_36, %dma_start3A_37] : memref<32x64x128xi32, #tpu.memory_space<hbm>> -> memref<1x64x128xi32, #tpu.memory_space<hbm>>
      %dma_start3A_39 = tpu.memref_squeeze %dma_start3A_38 : memref<1x64x128xi32, #tpu.memory_space<hbm>> -> memref<64x128xi32, #tpu.memory_space<hbm>>
      %dma_start3A_40 = arith.constant 0 : i32
      %dma_start3A_41 = arith.constant 0 : i32
      %dma_start3A_42 = tpu.memref_slice %arg3[%add3A, %dma_start3A_40, %dma_start3A_41] : memref<32x64x128xi32, #tpu.memory_space<hbm>> -> memref<1x64x128xi32, #tpu.memory_space<hbm>>
      %dma_start3A_43 = tpu.memref_squeeze %dma_start3A_42 : memref<1x64x128xi32, #tpu.memory_space<hbm>> -> memref<64x128xi32, #tpu.memory_space<hbm>>
      tpu.enqueue_dma source(%dma_start3A_43 : memref<64x128xi32, #tpu.memory_space<hbm>>) target(%arg6 : memref<64x128xi32, #tpu.memory_space<vmem>>) target_semaphore(%run_scoped3A : memref<!tpu.dma_semaphore, #tpu.memory_space<semaphore_mem>>)
      %dma_wait3A = arith.constant 0 : i32
      %dma_wait3A_44 = arith.constant 0 : i32
      %dma_wait3A_45 = tpu.memref_slice %arg3[%add3A, %dma_wait3A, %dma_wait3A_44] : memref<32x64x128xi32, #tpu.memory_space<hbm>> -> memref<1x64x128xi32, #tpu.memory_space<hbm>>
      %dma_wait3A_46 = tpu.memref_squeeze %dma_wait3A_45 : memref<1x64x128xi32, #tpu.memory_space<hbm>> -> memref<64x128xi32, #tpu.memory_space<hbm>>
      %dma_wait3A_47 = arith.constant 0 : i32
      %dma_wait3A_48 = arith.constant 0 : i32
      %dma_wait3A_49 = tpu.memref_slice %arg3[%add3A, %dma_wait3A_47, %dma_wait3A_48] : memref<32x64x128xi32, #tpu.memory_space<hbm>> -> memref<1x64x128xi32, #tpu.memory_space<hbm>>
      %dma_wait3A_50 = tpu.memref_squeeze %dma_wait3A_49 : memref<1x64x128xi32, #tpu.memory_space<hbm>> -> memref<64x128xi32, #tpu.memory_space<hbm>>
      tpu.wait_dma2 semaphore(%run_scoped3A : memref<!tpu.dma_semaphore, #tpu.memory_space<semaphore_mem>>) src(%dma_wait3A_50 : memref<64x128xi32, #tpu.memory_space<hbm>>) dst(%arg6 : memref<64x128xi32, #tpu.memory_space<vmem>>)
      tpu.yield
    }) : () -> ()
    "tpu.region"() ({
      %run_scoped3A = tpu.sem_alloc : memref<!tpu.dma_semaphore, #tpu.memory_space<semaphore_mem>>
      %dma_start3A_36 = arith.constant 0 : i32
      %dma_start3A_37 = arith.constant 0 : i32
      %dma_start3A_38 = tpu.memref_slice %arg4[%add3A, %dma_start3A_36, %dma_start3A_37] : memref<32x64x128xi32, #tpu.memory_space<hbm>> -> memref<1x64x128xi32, #tpu.memory_space<hbm>>
      %dma_start3A_39 = tpu.memref_squeeze %dma_start3A_38 : memref<1x64x128xi32, #tpu.memory_space<hbm>> -> memref<64x128xi32, #tpu.memory_space<hbm>>
      %dma_start3A_40 = arith.constant 0 : i32
      %dma_start3A_41 = arith.constant 0 : i32
      %dma_start3A_42 = tpu.memref_slice %arg4[%add3A, %dma_start3A_40, %dma_start3A_41] : memref<32x64x128xi32, #tpu.memory_space<hbm>> -> memref<1x64x128xi32, #tpu.memory_space<hbm>>
      %dma_start3A_43 = tpu.memref_squeeze %dma_start3A_42 : memref<1x64x128xi32, #tpu.memory_space<hbm>> -> memref<64x128xi32, #tpu.memory_space<hbm>>
      tpu.enqueue_dma source(%dma_start3A_43 : memref<64x128xi32, #tpu.memory_space<hbm>>) target(%arg7 : memref<64x128xi32, #tpu.memory_space<vmem>>) target_semaphore(%run_scoped3A : memref<!tpu.dma_semaphore, #tpu.memory_space<semaphore_mem>>)
      %dma_wait3A = arith.constant 0 : i32
      %dma_wait3A_44 = arith.constant 0 : i32
      %dma_wait3A_45 = tpu.memref_slice %arg4[%add3A, %dma_wait3A, %dma_wait3A_44] : memref<32x64x128xi32, #tpu.memory_space<hbm>> -> memref<1x64x128xi32, #tpu.memory_space<hbm>>
      %dma_wait3A_46 = tpu.memref_squeeze %dma_wait3A_45 : memref<1x64x128xi32, #tpu.memory_space<hbm>> -> memref<64x128xi32, #tpu.memory_space<hbm>>
      %dma_wait3A_47 = arith.constant 0 : i32
      %dma_wait3A_48 = arith.constant 0 : i32
      %dma_wait3A_49 = tpu.memref_slice %arg4[%add3A, %dma_wait3A_47, %dma_wait3A_48] : memref<32x64x128xi32, #tpu.memory_space<hbm>> -> memref<1x64x128xi32, #tpu.memory_space<hbm>>
      %dma_wait3A_50 = tpu.memref_squeeze %dma_wait3A_49 : memref<1x64x128xi32, #tpu.memory_space<hbm>> -> memref<64x128xi32, #tpu.memory_space<hbm>>
      tpu.wait_dma2 semaphore(%run_scoped3A : memref<!tpu.dma_semaphore, #tpu.memory_space<semaphore_mem>>) src(%dma_wait3A_50 : memref<64x128xi32, #tpu.memory_space<hbm>>) dst(%arg7 : memref<64x128xi32, #tpu.memory_space<vmem>>)
      tpu.yield
    }) : () -> ()
    %eq3A = arith.constant 0 : i32
    %eq3A_1 = arith.cmpi eq, %arg0, %eq3A : i32
    %jit3A = arith.constant 32 : i32
    %jit3A_2 = arith.constant 8 : i32
    %select_n3A = arith.select %eq3A_1, %jit3A, %jit3A_2 : i32
    %scan3A = arith.constant 0 : i32
    %scan3A_3 = arith.constant 0 : i32
    %scan3A_4 = arith.constant 128 : i32
    %scan3A_5 = arith.addi %scan3A_3, %scan3A_4 : i32
    %scan3A_6 = arith.constant 1 : i32
    scf.for %scan3A_36 = %scan3A_3 to %scan3A_5 step %scan3A_6  : i32 {
      %broadcast_in_dim3A = arith.constant 0.000000e+00 : f32
      %broadcast_in_dim3A_37 = vector.broadcast %broadcast_in_dim3A : f32 to vector<16xf32>
      %swap3A = arith.index_cast %scan3A_36 : i32 to index
      %swap3A_38 = arith.constant 0 : index
      %swap3A_39 = tpu.vector_load %arg8[%swap3A, %swap3A_38] {strides = array<i32>} : memref<128x128xf32, #tpu.memory_space<vmem>>, vector<1x16xf32>,
      %swap3A_40 = vector.shape_cast %swap3A_39 : vector<1x16xf32> to vector<16xf32>
      %swap3A_41 = vector.shape_cast %broadcast_in_dim3A_37 : vector<16xf32> to vector<1x16xf32>
      tpu.vector_store %arg8[%swap3A, %swap3A_38], %swap3A_41 {strides = array<i32>} : memref<128x128xf32, #tpu.memory_space<vmem>>, vector<1x16xf32>,
      %broadcast_in_dim3A_42 = arith.constant 0.000000e+00 : f32
      %broadcast_in_dim3A_43 = vector.broadcast %broadcast_in_dim3A_42 : f32 to vector<16xf32>
      %swap3A_44 = arith.index_cast %scan3A_36 : i32 to index
      %swap3A_45 = arith.constant 16 : index
      %swap3A_46 = tpu.vector_load %arg8[%swap3A_44, %swap3A_45] {strides = array<i32>} : memref<128x128xf32, #tpu.memory_space<vmem>>, vector<1x16xf32>,
      %swap3A_47 = vector.shape_cast %swap3A_46 : vector<1x16xf32> to vector<16xf32>
      %swap3A_48 = vector.shape_cast %broadcast_in_dim3A_43 : vector<16xf32> to vector<1x16xf32>
      tpu.vector_store %arg8[%swap3A_44, %swap3A_45], %swap3A_48 {strides = array<i32>} : memref<128x128xf32, #tpu.memory_space<vmem>>, vector<1x16xf32>,
      %broadcast_in_dim3A_49 = arith.constant 0.000000e+00 : f32
      %broadcast_in_dim3A_50 = vector.broadcast %broadcast_in_dim3A_49 : f32 to vector<16xf32>
      %swap3A_51 = arith.index_cast %scan3A_36 : i32 to index
      %swap3A_52 = arith.constant 32 : index
      %swap3A_53 = tpu.vector_load %arg8[%swap3A_51, %swap3A_52] {strides = array<i32>} : memref<128x128xf32, #tpu.memory_space<vmem>>, vector<1x16xf32>,
      %swap3A_54 = vector.shape_cast %swap3A_53 : vector<1x16xf32> to vector<16xf32>
      %swap3A_55 = vector.shape_cast %broadcast_in_dim3A_50 : vector<16xf32> to vector<1x16xf32>
      tpu.vector_store %arg8[%swap3A_51, %swap3A_52], %swap3A_55 {strides = array<i32>} : memref<128x128xf32, #tpu.memory_space<vmem>>, vector<1x16xf32>,
      %broadcast_in_dim3A_56 = arith.constant 0.000000e+00 : f32
      %broadcast_in_dim3A_57 = vector.broadcast %broadcast_in_dim3A_56 : f32 to vector<16xf32>
      %swap3A_58 = arith.index_cast %scan3A_36 : i32 to index
      %swap3A_59 = arith.constant 48 : index
      %swap3A_60 = tpu.vector_load %arg8[%swap3A_58, %swap3A_59] {strides = array<i32>} : memref<128x128xf32, #tpu.memory_space<vmem>>, vector<1x16xf32>,
      %swap3A_61 = vector.shape_cast %swap3A_60 : vector<1x16xf32> to vector<16xf32>
      %swap3A_62 = vector.shape_cast %broadcast_in_dim3A_57 : vector<16xf32> to vector<1x16xf32>
      tpu.vector_store %arg8[%swap3A_58, %swap3A_59], %swap3A_62 {strides = array<i32>} : memref<128x128xf32, #tpu.memory_space<vmem>>, vector<1x16xf32>,
      %broadcast_in_dim3A_63 = arith.constant 0.000000e+00 : f32
      %broadcast_in_dim3A_64 = vector.broadcast %broadcast_in_dim3A_63 : f32 to vector<16xf32>
      %swap3A_65 = arith.index_cast %scan3A_36 : i32 to index
      %swap3A_66 = arith.constant 64 : index
      %swap3A_67 = tpu.vector_load %arg8[%swap3A_65, %swap3A_66] {strides = array<i32>} : memref<128x128xf32, #tpu.memory_space<vmem>>, vector<1x16xf32>,
      %swap3A_68 = vector.shape_cast %swap3A_67 : vector<1x16xf32> to vector<16xf32>
      %swap3A_69 = vector.shape_cast %broadcast_in_dim3A_64 : vector<16xf32> to vector<1x16xf32>
      tpu.vector_store %arg8[%swap3A_65, %swap3A_66], %swap3A_69 {strides = array<i32>} : memref<128x128xf32, #tpu.memory_space<vmem>>, vector<1x16xf32>,
      %broadcast_in_dim3A_70 = arith.constant 0.000000e+00 : f32
      %broadcast_in_dim3A_71 = vector.broadcast %broadcast_in_dim3A_70 : f32 to vector<16xf32>
      %swap3A_72 = arith.index_cast %scan3A_36 : i32 to index
      %swap3A_73 = arith.constant 80 : index
      %swap3A_74 = tpu.vector_load %arg8[%swap3A_72, %swap3A_73] {strides = array<i32>} : memref<128x128xf32, #tpu.memory_space<vmem>>, vector<1x16xf32>,
      %swap3A_75 = vector.shape_cast %swap3A_74 : vector<1x16xf32> to vector<16xf32>
      %swap3A_76 = vector.shape_cast %broadcast_in_dim3A_71 : vector<16xf32> to vector<1x16xf32>
      tpu.vector_store %arg8[%swap3A_72, %swap3A_73], %swap3A_76 {strides = array<i32>} : memref<128x128xf32, #tpu.memory_space<vmem>>, vector<1x16xf32>,
      %broadcast_in_dim3A_77 = arith.constant 0.000000e+00 : f32
      %broadcast_in_dim3A_78 = vector.broadcast %broadcast_in_dim3A_77 : f32 to vector<16xf32>
      %swap3A_79 = arith.index_cast %scan3A_36 : i32 to index
      %swap3A_80 = arith.constant 96 : index
      %swap3A_81 = tpu.vector_load %arg8[%swap3A_79, %swap3A_80] {strides = array<i32>} : memref<128x128xf32, #tpu.memory_space<vmem>>, vector<1x16xf32>,
      %swap3A_82 = vector.shape_cast %swap3A_81 : vector<1x16xf32> to vector<16xf32>
      %swap3A_83 = vector.shape_cast %broadcast_in_dim3A_78 : vector<16xf32> to vector<1x16xf32>
      tpu.vector_store %arg8[%swap3A_79, %swap3A_80], %swap3A_83 {strides = array<i32>} : memref<128x128xf32, #tpu.memory_space<vmem>>, vector<1x16xf32>,
      %broadcast_in_dim3A_84 = arith.constant 0.000000e+00 : f32
      %broadcast_in_dim3A_85 = vector.broadcast %broadcast_in_dim3A_84 : f32 to vector<16xf32>
      %swap3A_86 = arith.index_cast %scan3A_36 : i32 to index
      %swap3A_87 = arith.constant 112 : index
      %swap3A_88 = tpu.vector_load %arg8[%swap3A_86, %swap3A_87] {strides = array<i32>} : memref<128x128xf32, #tpu.memory_space<vmem>>, vector<1x16xf32>,
      %swap3A_89 = vector.shape_cast %swap3A_88 : vector<1x16xf32> to vector<16xf32>
      %swap3A_90 = vector.shape_cast %broadcast_in_dim3A_85 : vector<16xf32> to vector<1x16xf32>
      tpu.vector_store %arg8[%swap3A_86, %swap3A_87], %swap3A_90 {strides = array<i32>} : memref<128x128xf32, #tpu.memory_space<vmem>>, vector<1x16xf32>,
    }
    %scan3A_7 = arith.constant 128 : i32
    %mul3A_8 = arith.constant 640 : i32
    %mul3A_9 = arith.muli %arg1, %mul3A_8 : i32
    %add3A_10 = arith.constant 0 : i32
    %add3A_11 = arith.addi %mul3A_9, %add3A_10 : i32
    "tpu.region"() ({
      %run_scoped3A = tpu.sem_alloc : memref<!tpu.dma_semaphore, #tpu.memory_space<semaphore_mem>>
      %dma_start3A_36 = arith.constant 0 : i32
      %dma_start3A_37 = tpu.memref_slice %arg10[%add3A_11, %dma_start3A_36] : memref<10240x128xf32, #tpu.memory_space<vmem_shared>> -> memref<128x128xf32, #tpu.memory_space<vmem_shared>>
      %dma_start3A_38 = arith.constant 0 : i32
      %dma_start3A_39 = tpu.memref_slice %arg10[%add3A_11, %dma_start3A_38] : memref<10240x128xf32, #tpu.memory_space<vmem_shared>> -> memref<128x128xf32, #tpu.memory_space<vmem_shared>>
      tpu.enqueue_dma source(%arg8 : memref<128x128xf32, #tpu.memory_space<vmem>>) target(%dma_start3A_39 : memref<128x128xf32, #tpu.memory_space<vmem_shared>>) target_semaphore(%run_scoped3A : memref<!tpu.dma_semaphore, #tpu.memory_space<semaphore_mem>>)
      %dma_wait3A = arith.constant 0 : i32
      %dma_wait3A_40 = tpu.memref_slice %arg10[%add3A_11, %dma_wait3A] : memref<10240x128xf32, #tpu.memory_space<vmem_shared>> -> memref<128x128xf32, #tpu.memory_space<vmem_shared>>
      %dma_wait3A_41 = arith.constant 0 : i32
      %dma_wait3A_42 = tpu.memref_slice %arg10[%add3A_11, %dma_wait3A_41] : memref<10240x128xf32, #tpu.memory_space<vmem_shared>> -> memref<128x128xf32, #tpu.memory_space<vmem_shared>>
      tpu.wait_dma2 semaphore(%run_scoped3A : memref<!tpu.dma_semaphore, #tpu.memory_space<semaphore_mem>>) src(%arg8 : memref<128x128xf32, #tpu.memory_space<vmem>>) dst(%dma_wait3A_42 : memref<128x128xf32, #tpu.memory_space<vmem_shared>>)
      tpu.yield
    }) : () -> ()
    %add3A_12 = arith.constant 128 : i32
    %add3A_13 = arith.addi %mul3A_9, %add3A_12 : i32
    "tpu.region"() ({
      %run_scoped3A = tpu.sem_alloc : memref<!tpu.dma_semaphore, #tpu.memory_space<semaphore_mem>>
      %dma_start3A_36 = arith.constant 0 : i32
      %dma_start3A_37 = tpu.memref_slice %arg10[%add3A_13, %dma_start3A_36] : memref<10240x128xf32, #tpu.memory_space<vmem_shared>> -> memref<128x128xf32, #tpu.memory_space<vmem_shared>>
      %dma_start3A_38 = arith.constant 0 : i32
      %dma_start3A_39 = tpu.memref_slice %arg10[%add3A_13, %dma_start3A_38] : memref<10240x128xf32, #tpu.memory_space<vmem_shared>> -> memref<128x128xf32, #tpu.memory_space<vmem_shared>>
      tpu.enqueue_dma source(%arg8 : memref<128x128xf32, #tpu.memory_space<vmem>>) target(%dma_start3A_39 : memref<128x128xf32, #tpu.memory_space<vmem_shared>>) target_semaphore(%run_scoped3A : memref<!tpu.dma_semaphore, #tpu.memory_space<semaphore_mem>>)
      %dma_wait3A = arith.constant 0 : i32
      %dma_wait3A_40 = tpu.memref_slice %arg10[%add3A_13, %dma_wait3A] : memref<10240x128xf32, #tpu.memory_space<vmem_shared>> -> memref<128x128xf32, #tpu.memory_space<vmem_shared>>
      %dma_wait3A_41 = arith.constant 0 : i32
      %dma_wait3A_42 = tpu.memref_slice %arg10[%add3A_13, %dma_wait3A_41] : memref<10240x128xf32, #tpu.memory_space<vmem_shared>> -> memref<128x128xf32, #tpu.memory_space<vmem_shared>>
      tpu.wait_dma2 semaphore(%run_scoped3A : memref<!tpu.dma_semaphore, #tpu.memory_space<semaphore_mem>>) src(%arg8 : memref<128x128xf32, #tpu.memory_space<vmem>>) dst(%dma_wait3A_42 : memref<128x128xf32, #tpu.memory_space<vmem_shared>>)
      tpu.yield
    }) : () -> ()
    %add3A_14 = arith.constant 256 : i32
    %add3A_15 = arith.addi %mul3A_9, %add3A_14 : i32
    "tpu.region"() ({
      %run_scoped3A = tpu.sem_alloc : memref<!tpu.dma_semaphore, #tpu.memory_space<semaphore_mem>>
      %dma_start3A_36 = arith.constant 0 : i32
      %dma_start3A_37 = tpu.memref_slice %arg10[%add3A_15, %dma_start3A_36] : memref<10240x128xf32, #tpu.memory_space<vmem_shared>> -> memref<128x128xf32, #tpu.memory_space<vmem_shared>>
      %dma_start3A_38 = arith.constant 0 : i32
      %dma_start3A_39 = tpu.memref_slice %arg10[%add3A_15, %dma_start3A_38] : memref<10240x128xf32, #tpu.memory_space<vmem_shared>> -> memref<128x128xf32, #tpu.memory_space<vmem_shared>>
      tpu.enqueue_dma source(%arg8 : memref<128x128xf32, #tpu.memory_space<vmem>>) target(%dma_start3A_39 : memref<128x128xf32, #tpu.memory_space<vmem_shared>>) target_semaphore(%run_scoped3A : memref<!tpu.dma_semaphore, #tpu.memory_space<semaphore_mem>>)
      %dma_wait3A = arith.constant 0 : i32
      %dma_wait3A_40 = tpu.memref_slice %arg10[%add3A_15, %dma_wait3A] : memref<10240x128xf32, #tpu.memory_space<vmem_shared>> -> memref<128x128xf32, #tpu.memory_space<vmem_shared>>
      %dma_wait3A_41 = arith.constant 0 : i32
      %dma_wait3A_42 = tpu.memref_slice %arg10[%add3A_15, %dma_wait3A_41] : memref<10240x128xf32, #tpu.memory_space<vmem_shared>> -> memref<128x128xf32, #tpu.memory_space<vmem_shared>>
      tpu.wait_dma2 semaphore(%run_scoped3A : memref<!tpu.dma_semaphore, #tpu.memory_space<semaphore_mem>>) src(%arg8 : memref<128x128xf32, #tpu.memory_space<vmem>>) dst(%dma_wait3A_42 : memref<128x128xf32, #tpu.memory_space<vmem_shared>>)
      tpu.yield
    }) : () -> ()
    %add3A_16 = arith.constant 384 : i32
    %add3A_17 = arith.addi %mul3A_9, %add3A_16 : i32
    "tpu.region"() ({
      %run_scoped3A = tpu.sem_alloc : memref<!tpu.dma_semaphore, #tpu.memory_space<semaphore_mem>>
      %dma_start3A_36 = arith.constant 0 : i32
      %dma_start3A_37 = tpu.memref_slice %arg10[%add3A_17, %dma_start3A_36] : memref<10240x128xf32, #tpu.memory_space<vmem_shared>> -> memref<128x128xf32, #tpu.memory_space<vmem_shared>>
      %dma_start3A_38 = arith.constant 0 : i32
      %dma_start3A_39 = tpu.memref_slice %arg10[%add3A_17, %dma_start3A_38] : memref<10240x128xf32, #tpu.memory_space<vmem_shared>> -> memref<128x128xf32, #tpu.memory_space<vmem_shared>>
      tpu.enqueue_dma source(%arg8 : memref<128x128xf32, #tpu.memory_space<vmem>>) target(%dma_start3A_39 : memref<128x128xf32, #tpu.memory_space<vmem_shared>>) target_semaphore(%run_scoped3A : memref<!tpu.dma_semaphore, #tpu.memory_space<semaphore_mem>>)
      %dma_wait3A = arith.constant 0 : i32
      %dma_wait3A_40 = tpu.memref_slice %arg10[%add3A_17, %dma_wait3A] : memref<10240x128xf32, #tpu.memory_space<vmem_shared>> -> memref<128x128xf32, #tpu.memory_space<vmem_shared>>
      %dma_wait3A_41 = arith.constant 0 : i32
      %dma_wait3A_42 = tpu.memref_slice %arg10[%add3A_17, %dma_wait3A_41] : memref<10240x128xf32, #tpu.memory_space<vmem_shared>> -> memref<128x128xf32, #tpu.memory_space<vmem_shared>>
      tpu.wait_dma2 semaphore(%run_scoped3A : memref<!tpu.dma_semaphore, #tpu.memory_space<semaphore_mem>>) src(%arg8 : memref<128x128xf32, #tpu.memory_space<vmem>>) dst(%dma_wait3A_42 : memref<128x128xf32, #tpu.memory_space<vmem_shared>>)
      tpu.yield
    }) : () -> ()
    %add3A_18 = arith.constant 512 : i32
    %add3A_19 = arith.addi %mul3A_9, %add3A_18 : i32
    "tpu.region"() ({
      %run_scoped3A = tpu.sem_alloc : memref<!tpu.dma_semaphore, #tpu.memory_space<semaphore_mem>>
      %dma_start3A_36 = arith.constant 0 : i32
      %dma_start3A_37 = tpu.memref_slice %arg10[%add3A_19, %dma_start3A_36] : memref<10240x128xf32, #tpu.memory_space<vmem_shared>> -> memref<128x128xf32, #tpu.memory_space<vmem_shared>>
      %dma_start3A_38 = arith.constant 0 : i32
      %dma_start3A_39 = tpu.memref_slice %arg10[%add3A_19, %dma_start3A_38] : memref<10240x128xf32, #tpu.memory_space<vmem_shared>> -> memref<128x128xf32, #tpu.memory_space<vmem_shared>>
      tpu.enqueue_dma source(%arg8 : memref<128x128xf32, #tpu.memory_space<vmem>>) target(%dma_start3A_39 : memref<128x128xf32, #tpu.memory_space<vmem_shared>>) target_semaphore(%run_scoped3A : memref<!tpu.dma_semaphore, #tpu.memory_space<semaphore_mem>>)
      %dma_wait3A = arith.constant 0 : i32
      %dma_wait3A_40 = tpu.memref_slice %arg10[%add3A_19, %dma_wait3A] : memref<10240x128xf32, #tpu.memory_space<vmem_shared>> -> memref<128x128xf32, #tpu.memory_space<vmem_shared>>
      %dma_wait3A_41 = arith.constant 0 : i32
      %dma_wait3A_42 = tpu.memref_slice %arg10[%add3A_19, %dma_wait3A_41] : memref<10240x128xf32, #tpu.memory_space<vmem_shared>> -> memref<128x128xf32, #tpu.memory_space<vmem_shared>>
      tpu.wait_dma2 semaphore(%run_scoped3A : memref<!tpu.dma_semaphore, #tpu.memory_space<semaphore_mem>>) src(%arg8 : memref<128x128xf32, #tpu.memory_space<vmem>>) dst(%dma_wait3A_42 : memref<128x128xf32, #tpu.memory_space<vmem_shared>>)
      tpu.yield
    }) : () -> ()
    %barrier3A = arith.constant 0 : index
    tpu.barrier barrier_id(%barrier3A)
    %dma_start3A = arith.constant 0 : i32
    %dma_start3A_20 = arith.constant 0 : i32
    %dma_start3A_21 = tpu.memref_slice %arg6[%dma_start3A, %dma_start3A_20] : memref<64x128xi32, #tpu.memory_space<vmem>> -> memref<1x128xi32, #tpu.memory_space<vmem>>
    %dma_start3A_22 = tpu.memref_squeeze %dma_start3A_21 : memref<1x128xi32, #tpu.memory_space<vmem>> -> memref<128xi32, #tpu.memory_space<vmem>>
    %dma_start3A_23 = arith.constant 0 : i32
    %dma_start3A_24 = arith.constant 0 : i32
    %dma_start3A_25 = tpu.memref_slice %arg2[%dma_start3A_23, %dma_start3A_24] : memref<10000x128xf32, #tpu.memory_space<hbm>> -> memref<10000x128xf32, #tpu.memory_space<hbm>>
    tpu.enqueue_indirect_dma source(%dma_start3A_25 : memref<10000x128xf32, #tpu.memory_space<hbm>>) target(%arg8 : memref<128x128xf32, #tpu.memory_space<vmem>>) offsets(%dma_start3A_22 : memref<128xi32, #tpu.memory_space<vmem>>) semaphore(%arg11 : memref<!tpu.dma_semaphore, #tpu.memory_space<semaphore_mem>>)
    %while3A = arith.constant 0 : i32
    %while3A_26 = arith.constant 0 : i32
    %while3A_27 = arith.subi %select_n3A, %while3A_26 : i32
    %while3A_28 = arith.addi %while3A_26, %while3A_27 : i32
    %while3A_29 = arith.constant 1 : i32
    %while3A_30 = arith.divsi %while3A_27, %while3A_29 : i32
    %while3A_31 = arith.muli %while3A_30, %while3A_29 : i32
    %while3A_32 = arith.addi %while3A_26, %while3A_31 : i32
    %while3A_33 = arith.constant 1 : i32
    scf.for %while3A_36 = %while3A_26 to %while3A_32 step %while3A_33  : i32 {
      %mul3A_37 = arith.constant 2 : i32
      %mul3A_38 = arith.muli %while3A_36, %mul3A_37 : i32
      %add3A_39 = arith.constant 1 : i32
      %add3A_40 = arith.addi %mul3A_38, %add3A_39 : i32
      %dma_wait3A = arith.constant 0 : i32
      %dma_wait3A_41 = tpu.memref_slice %arg6[%mul3A_38, %dma_wait3A] : memref<64x128xi32, #tpu.memory_space<vmem>> -> memref<1x128xi32, #tpu.memory_space<vmem>>
      %dma_wait3A_42 = tpu.memref_squeeze %dma_wait3A_41 : memref<1x128xi32, #tpu.memory_space<vmem>> -> memref<128xi32, #tpu.memory_space<vmem>>
      %dma_wait3A_43 = arith.constant 0 : i32
      %dma_wait3A_44 = arith.constant 0 : i32
      %dma_wait3A_45 = tpu.memref_slice %arg2[%dma_wait3A_43, %dma_wait3A_44] : memref<10000x128xf32, #tpu.memory_space<hbm>> -> memref<10000x128xf32, #tpu.memory_space<hbm>>
      tpu.wait_indirect_dma semaphore(%arg11 : memref<!tpu.dma_semaphore, #tpu.memory_space<semaphore_mem>>) src(%dma_wait3A_45 : memref<10000x128xf32, #tpu.memory_space<hbm>>) dst(%arg8 : memref<128x128xf32, #tpu.memory_space<vmem>>)
      %dma_start3A_46 = arith.constant 0 : i32
      %dma_start3A_47 = tpu.memref_slice %arg6[%add3A_40, %dma_start3A_46] : memref<64x128xi32, #tpu.memory_space<vmem>> -> memref<1x128xi32, #tpu.memory_space<vmem>>
      %dma_start3A_48 = tpu.memref_squeeze %dma_start3A_47 : memref<1x128xi32, #tpu.memory_space<vmem>> -> memref<128xi32, #tpu.memory_space<vmem>>
      %dma_start3A_49 = arith.constant 0 : i32
      %dma_start3A_50 = arith.constant 0 : i32
      %dma_start3A_51 = tpu.memref_slice %arg2[%dma_start3A_49, %dma_start3A_50] : memref<10000x128xf32, #tpu.memory_space<hbm>> -> memref<10000x128xf32, #tpu.memory_space<hbm>>
      tpu.enqueue_indirect_dma source(%dma_start3A_51 : memref<10000x128xf32, #tpu.memory_space<hbm>>) target(%arg9 : memref<128x128xf32, #tpu.memory_space<vmem>>) offsets(%dma_start3A_48 : memref<128xi32, #tpu.memory_space<vmem>>) semaphore(%arg12 : memref<!tpu.dma_semaphore, #tpu.memory_space<semaphore_mem>>)
      "tpu.region"() ({
        %run_scoped3A = tpu.sem_alloc : memref<!tpu.dma_semaphore, #tpu.memory_space<semaphore_mem>>
        %dma_start3A_60 = arith.constant 0 : i32
        %dma_start3A_61 = tpu.memref_slice %arg7[%mul3A_38, %dma_start3A_60] : memref<64x128xi32, #tpu.memory_space<vmem>> -> memref<1x128xi32, #tpu.memory_space<vmem>>
        %dma_start3A_62 = tpu.memref_squeeze %dma_start3A_61 : memref<1x128xi32, #tpu.memory_space<vmem>> -> memref<128xi32, #tpu.memory_space<vmem>>
        %dma_start3A_63 = arith.constant 0 : i32
        %dma_start3A_64 = arith.constant 0 : i32
        %dma_start3A_65 = tpu.memref_slice %arg10[%dma_start3A_63, %dma_start3A_64] : memref<10240x128xf32, #tpu.memory_space<vmem_shared>> -> memref<10240x128xf32, #tpu.memory_space<vmem_shared>>
        tpu.enqueue_indirect_dma source(%arg8 : memref<128x128xf32, #tpu.memory_space<vmem>>) target(%dma_start3A_65 : memref<10240x128xf32, #tpu.memory_space<vmem_shared>>) offsets(%dma_start3A_62 : memref<128xi32, #tpu.memory_space<vmem>>) semaphore(%run_scoped3A : memref<!tpu.dma_semaphore, #tpu.memory_space<semaphore_mem>>) {add = true}
        %dma_wait3A_66 = arith.constant 0 : i32
        %dma_wait3A_67 = tpu.memref_slice %arg7[%mul3A_38, %dma_wait3A_66] : memref<64x128xi32, #tpu.memory_space<vmem>> -> memref<1x128xi32, #tpu.memory_space<vmem>>
        %dma_wait3A_68 = tpu.memref_squeeze %dma_wait3A_67 : memref<1x128xi32, #tpu.memory_space<vmem>> -> memref<128xi32, #tpu.memory_space<vmem>>
        %dma_wait3A_69 = arith.constant 0 : i32
        %dma_wait3A_70 = arith.constant 0 : i32
        %dma_wait3A_71 = tpu.memref_slice %arg10[%dma_wait3A_69, %dma_wait3A_70] : memref<10240x128xf32, #tpu.memory_space<vmem_shared>> -> memref<10240x128xf32, #tpu.memory_space<vmem_shared>>
        tpu.wait_indirect_dma semaphore(%run_scoped3A : memref<!tpu.dma_semaphore, #tpu.memory_space<semaphore_mem>>) src(%arg8 : memref<128x128xf32, #tpu.memory_space<vmem>>) dst(%dma_wait3A_71 : memref<10240x128xf32, #tpu.memory_space<vmem_shared>>)
        tpu.yield
      }) : () -> ()
      %dma_wait3A_52 = arith.constant 0 : i32
      %dma_wait3A_53 = tpu.memref_slice %arg6[%add3A_40, %dma_wait3A_52] : memref<64x128xi32, #tpu.memory_space<vmem>> -> memref<1x128xi32, #tpu.memory_space<vmem>>
      %dma_wait3A_54 = tpu.memref_squeeze %dma_wait3A_53 : memref<1x128xi32, #tpu.memory_space<vmem>> -> memref<128xi32, #tpu.memory_space<vmem>>
      %dma_wait3A_55 = arith.constant 0 : i32
      %dma_wait3A_56 = arith.constant 0 : i32
      %dma_wait3A_57 = tpu.memref_slice %arg2[%dma_wait3A_55, %dma_wait3A_56] : memref<10000x128xf32, #tpu.memory_space<hbm>> -> memref<10000x128xf32, #tpu.memory_space<hbm>>
      tpu.wait_indirect_dma semaphore(%arg12 : memref<!tpu.dma_semaphore, #tpu.memory_space<semaphore_mem>>) src(%dma_wait3A_57 : memref<10000x128xf32, #tpu.memory_space<hbm>>) dst(%arg9 : memref<128x128xf32, #tpu.memory_space<vmem>>)
      %sub3A = arith.constant 1 : i32
      %sub3A_58 = arith.subi %select_n3A, %sub3A : i32
      %lt3A = arith.cmpi slt, %while3A_36, %sub3A_58 : i32
      %convert_element_type3A = arith.extui %lt3A : i1 to i32
      %cond3A = arith.constant 0 : i32
      %cond3A_59 = arith.cmpi ne, %convert_element_type3A, %cond3A : i32
      scf.if %cond3A_59 {
        %add3A_60 = arith.constant 1 : i32
        %add3A_61 = arith.addi %add3A_40, %add3A_60 : i32
        %dma_start3A_62 = arith.constant 0 : i32
        %dma_start3A_63 = tpu.memref_slice %arg6[%add3A_61, %dma_start3A_62] : memref<64x128xi32, #tpu.memory_space<vmem>> -> memref<1x128xi32, #tpu.memory_space<vmem>>
        %dma_start3A_64 = tpu.memref_squeeze %dma_start3A_63 : memref<1x128xi32, #tpu.memory_space<vmem>> -> memref<128xi32, #tpu.memory_space<vmem>>
        %dma_start3A_65 = arith.constant 0 : i32
        %dma_start3A_66 = arith.constant 0 : i32
        %dma_start3A_67 = tpu.memref_slice %arg2[%dma_start3A_65, %dma_start3A_66] : memref<10000x128xf32, #tpu.memory_space<hbm>> -> memref<10000x128xf32, #tpu.memory_space<hbm>>
        tpu.enqueue_indirect_dma source(%dma_start3A_67 : memref<10000x128xf32, #tpu.memory_space<hbm>>) target(%arg8 : memref<128x128xf32, #tpu.memory_space<vmem>>) offsets(%dma_start3A_64 : memref<128xi32, #tpu.memory_space<vmem>>) semaphore(%arg11 : memref<!tpu.dma_semaphore, #tpu.memory_space<semaphore_mem>>)
      } else {
      }
      "tpu.region"() ({
        %run_scoped3A = tpu.sem_alloc : memref<!tpu.dma_semaphore, #tpu.memory_space<semaphore_mem>>
        %dma_start3A_60 = arith.constant 0 : i32
        %dma_start3A_61 = tpu.memref_slice %arg7[%add3A_40, %dma_start3A_60] : memref<64x128xi32, #tpu.memory_space<vmem>> -> memref<1x128xi32, #tpu.memory_space<vmem>>
        %dma_start3A_62 = tpu.memref_squeeze %dma_start3A_61 : memref<1x128xi32, #tpu.memory_space<vmem>> -> memref<128xi32, #tpu.memory_space<vmem>>
        %dma_start3A_63 = arith.constant 0 : i32
        %dma_start3A_64 = arith.constant 0 : i32
        %dma_start3A_65 = tpu.memref_slice %arg10[%dma_start3A_63, %dma_start3A_64] : memref<10240x128xf32, #tpu.memory_space<vmem_shared>> -> memref<10240x128xf32, #tpu.memory_space<vmem_shared>>
        tpu.enqueue_indirect_dma source(%arg9 : memref<128x128xf32, #tpu.memory_space<vmem>>) target(%dma_start3A_65 : memref<10240x128xf32, #tpu.memory_space<vmem_shared>>) offsets(%dma_start3A_62 : memref<128xi32, #tpu.memory_space<vmem>>) semaphore(%run_scoped3A : memref<!tpu.dma_semaphore, #tpu.memory_space<semaphore_mem>>) {add = true}
        %dma_wait3A_66 = arith.constant 0 : i32
        %dma_wait3A_67 = tpu.memref_slice %arg7[%add3A_40, %dma_wait3A_66] : memref<64x128xi32, #tpu.memory_space<vmem>> -> memref<1x128xi32, #tpu.memory_space<vmem>>
        %dma_wait3A_68 = tpu.memref_squeeze %dma_wait3A_67 : memref<1x128xi32, #tpu.memory_space<vmem>> -> memref<128xi32, #tpu.memory_space<vmem>>
        %dma_wait3A_69 = arith.constant 0 : i32
        %dma_wait3A_70 = arith.constant 0 : i32
        %dma_wait3A_71 = tpu.memref_slice %arg10[%dma_wait3A_69, %dma_wait3A_70] : memref<10240x128xf32, #tpu.memory_space<vmem_shared>> -> memref<10240x128xf32, #tpu.memory_space<vmem_shared>>
        tpu.wait_indirect_dma semaphore(%run_scoped3A : memref<!tpu.dma_semaphore, #tpu.memory_space<semaphore_mem>>) src(%arg9 : memref<128x128xf32, #tpu.memory_space<vmem>>) dst(%dma_wait3A_71 : memref<10240x128xf32, #tpu.memory_space<vmem_shared>>)
        tpu.yield
      }) : () -> ()
    }
    %while3A_34 = arith.constant 1 : i32
    scf.for %while3A_36 = %while3A_32 to %while3A_28 step %while3A_34  : i32 {
      %mul3A_37 = arith.constant 2 : i32
      %mul3A_38 = arith.muli %while3A_36, %mul3A_37 : i32
      %add3A_39 = arith.constant 1 : i32
      %add3A_40 = arith.addi %mul3A_38, %add3A_39 : i32
      %dma_wait3A = arith.constant 0 : i32
      %dma_wait3A_41 = tpu.memref_slice %arg6[%mul3A_38, %dma_wait3A] : memref<64x128xi32, #tpu.memory_space<vmem>> -> memref<1x128xi32, #tpu.memory_space<vmem>>
      %dma_wait3A_42 = tpu.memref_squeeze %dma_wait3A_41 : memref<1x128xi32, #tpu.memory_space<vmem>> -> memref<128xi32, #tpu.memory_space<vmem>>
      %dma_wait3A_43 = arith.constant 0 : i32
      %dma_wait3A_44 = arith.constant 0 : i32
      %dma_wait3A_45 = tpu.memref_slice %arg2[%dma_wait3A_43, %dma_wait3A_44] : memref<10000x128xf32, #tpu.memory_space<hbm>> -> memref<10000x128xf32, #tpu.memory_space<hbm>>
      tpu.wait_indirect_dma semaphore(%arg11 : memref<!tpu.dma_semaphore, #tpu.memory_space<semaphore_mem>>) src(%dma_wait3A_45 : memref<10000x128xf32, #tpu.memory_space<hbm>>) dst(%arg8 : memref<128x128xf32, #tpu.memory_space<vmem>>)
      %dma_start3A_46 = arith.constant 0 : i32
      %dma_start3A_47 = tpu.memref_slice %arg6[%add3A_40, %dma_start3A_46] : memref<64x128xi32, #tpu.memory_space<vmem>> -> memref<1x128xi32, #tpu.memory_space<vmem>>
      %dma_start3A_48 = tpu.memref_squeeze %dma_start3A_47 : memref<1x128xi32, #tpu.memory_space<vmem>> -> memref<128xi32, #tpu.memory_space<vmem>>
      %dma_start3A_49 = arith.constant 0 : i32
      %dma_start3A_50 = arith.constant 0 : i32
      %dma_start3A_51 = tpu.memref_slice %arg2[%dma_start3A_49, %dma_start3A_50] : memref<10000x128xf32, #tpu.memory_space<hbm>> -> memref<10000x128xf32, #tpu.memory_space<hbm>>
      tpu.enqueue_indirect_dma source(%dma_start3A_51 : memref<10000x128xf32, #tpu.memory_space<hbm>>) target(%arg9 : memref<128x128xf32, #tpu.memory_space<vmem>>) offsets(%dma_start3A_48 : memref<128xi32, #tpu.memory_space<vmem>>) semaphore(%arg12 : memref<!tpu.dma_semaphore, #tpu.memory_space<semaphore_mem>>)
      "tpu.region"() ({
        %run_scoped3A = tpu.sem_alloc : memref<!tpu.dma_semaphore, #tpu.memory_space<semaphore_mem>>
        %dma_start3A_60 = arith.constant 0 : i32
        %dma_start3A_61 = tpu.memref_slice %arg7[%mul3A_38, %dma_start3A_60] : memref<64x128xi32, #tpu.memory_space<vmem>> -> memref<1x128xi32, #tpu.memory_space<vmem>>
        %dma_start3A_62 = tpu.memref_squeeze %dma_start3A_61 : memref<1x128xi32, #tpu.memory_space<vmem>> -> memref<128xi32, #tpu.memory_space<vmem>>
        %dma_start3A_63 = arith.constant 0 : i32
        %dma_start3A_64 = arith.constant 0 : i32
        %dma_start3A_65 = tpu.memref_slice %arg10[%dma_start3A_63, %dma_start3A_64] : memref<10240x128xf32, #tpu.memory_space<vmem_shared>> -> memref<10240x128xf32, #tpu.memory_space<vmem_shared>>
        tpu.enqueue_indirect_dma source(%arg8 : memref<128x128xf32, #tpu.memory_space<vmem>>) target(%dma_start3A_65 : memref<10240x128xf32, #tpu.memory_space<vmem_shared>>) offsets(%dma_start3A_62 : memref<128xi32, #tpu.memory_space<vmem>>) semaphore(%run_scoped3A : memref<!tpu.dma_semaphore, #tpu.memory_space<semaphore_mem>>) {add = true}
        %dma_wait3A_66 = arith.constant 0 : i32
        %dma_wait3A_67 = tpu.memref_slice %arg7[%mul3A_38, %dma_wait3A_66] : memref<64x128xi32, #tpu.memory_space<vmem>> -> memref<1x128xi32, #tpu.memory_space<vmem>>
        %dma_wait3A_68 = tpu.memref_squeeze %dma_wait3A_67 : memref<1x128xi32, #tpu.memory_space<vmem>> -> memref<128xi32, #tpu.memory_space<vmem>>
        %dma_wait3A_69 = arith.constant 0 : i32
        %dma_wait3A_70 = arith.constant 0 : i32
        %dma_wait3A_71 = tpu.memref_slice %arg10[%dma_wait3A_69, %dma_wait3A_70] : memref<10240x128xf32, #tpu.memory_space<vmem_shared>> -> memref<10240x128xf32, #tpu.memory_space<vmem_shared>>
        tpu.wait_indirect_dma semaphore(%run_scoped3A : memref<!tpu.dma_semaphore, #tpu.memory_space<semaphore_mem>>) src(%arg8 : memref<128x128xf32, #tpu.memory_space<vmem>>) dst(%dma_wait3A_71 : memref<10240x128xf32, #tpu.memory_space<vmem_shared>>)
        tpu.yield
      }) : () -> ()
      %dma_wait3A_52 = arith.constant 0 : i32
      %dma_wait3A_53 = tpu.memref_slice %arg6[%add3A_40, %dma_wait3A_52] : memref<64x128xi32, #tpu.memory_space<vmem>> -> memref<1x128xi32, #tpu.memory_space<vmem>>
      %dma_wait3A_54 = tpu.memref_squeeze %dma_wait3A_53 : memref<1x128xi32, #tpu.memory_space<vmem>> -> memref<128xi32, #tpu.memory_space<vmem>>
      %dma_wait3A_55 = arith.constant 0 : i32
      %dma_wait3A_56 = arith.constant 0 : i32
      %dma_wait3A_57 = tpu.memref_slice %arg2[%dma_wait3A_55, %dma_wait3A_56] : memref<10000x128xf32, #tpu.memory_space<hbm>> -> memref<10000x128xf32, #tpu.memory_space<hbm>>
      tpu.wait_indirect_dma semaphore(%arg12 : memref<!tpu.dma_semaphore, #tpu.memory_space<semaphore_mem>>) src(%dma_wait3A_57 : memref<10000x128xf32, #tpu.memory_space<hbm>>) dst(%arg9 : memref<128x128xf32, #tpu.memory_space<vmem>>)
      %sub3A = arith.constant 1 : i32
      %sub3A_58 = arith.subi %select_n3A, %sub3A : i32
      %lt3A = arith.cmpi slt, %while3A_36, %sub3A_58 : i32
      %convert_element_type3A = arith.extui %lt3A : i1 to i32
      %cond3A = arith.constant 0 : i32
      %cond3A_59 = arith.cmpi ne, %convert_element_type3A, %cond3A : i32
      scf.if %cond3A_59 {
        %add3A_60 = arith.constant 1 : i32
        %add3A_61 = arith.addi %add3A_40, %add3A_60 : i32
        %dma_start3A_62 = arith.constant 0 : i32
        %dma_start3A_63 = tpu.memref_slice %arg6[%add3A_61, %dma_start3A_62] : memref<64x128xi32, #tpu.memory_space<vmem>> -> memref<1x128xi32, #tpu.memory_space<vmem>>
        %dma_start3A_64 = tpu.memref_squeeze %dma_start3A_63 : memref<1x128xi32, #tpu.memory_space<vmem>> -> memref<128xi32, #tpu.memory_space<vmem>>
        %dma_start3A_65 = arith.constant 0 : i32
        %dma_start3A_66 = arith.constant 0 : i32
        %dma_start3A_67 = tpu.memref_slice %arg2[%dma_start3A_65, %dma_start3A_66] : memref<10000x128xf32, #tpu.memory_space<hbm>> -> memref<10000x128xf32, #tpu.memory_space<hbm>>
        tpu.enqueue_indirect_dma source(%dma_start3A_67 : memref<10000x128xf32, #tpu.memory_space<hbm>>) target(%arg8 : memref<128x128xf32, #tpu.memory_space<vmem>>) offsets(%dma_start3A_64 : memref<128xi32, #tpu.memory_space<vmem>>) semaphore(%arg11 : memref<!tpu.dma_semaphore, #tpu.memory_space<semaphore_mem>>)
      } else {
      }
      "tpu.region"() ({
        %run_scoped3A = tpu.sem_alloc : memref<!tpu.dma_semaphore, #tpu.memory_space<semaphore_mem>>
        %dma_start3A_60 = arith.constant 0 : i32
        %dma_start3A_61 = tpu.memref_slice %arg7[%add3A_40, %dma_start3A_60] : memref<64x128xi32, #tpu.memory_space<vmem>> -> memref<1x128xi32, #tpu.memory_space<vmem>>
        %dma_start3A_62 = tpu.memref_squeeze %dma_start3A_61 : memref<1x128xi32, #tpu.memory_space<vmem>> -> memref<128xi32, #tpu.memory_space<vmem>>
        %dma_start3A_63 = arith.constant 0 : i32
        %dma_start3A_64 = arith.constant 0 : i32
        %dma_start3A_65 = tpu.memref_slice %arg10[%dma_start3A_63, %dma_start3A_64] : memref<10240x128xf32, #tpu.memory_space<vmem_shared>> -> memref<10240x128xf32, #tpu.memory_space<vmem_shared>>
        tpu.enqueue_indirect_dma source(%arg9 : memref<128x128xf32, #tpu.memory_space<vmem>>) target(%dma_start3A_65 : memref<10240x128xf32, #tpu.memory_space<vmem_shared>>) offsets(%dma_start3A_62 : memref<128xi32, #tpu.memory_space<vmem>>) semaphore(%run_scoped3A : memref<!tpu.dma_semaphore, #tpu.memory_space<semaphore_mem>>) {add = true}
        %dma_wait3A_66 = arith.constant 0 : i32
        %dma_wait3A_67 = tpu.memref_slice %arg7[%add3A_40, %dma_wait3A_66] : memref<64x128xi32, #tpu.memory_space<vmem>> -> memref<1x128xi32, #tpu.memory_space<vmem>>
        %dma_wait3A_68 = tpu.memref_squeeze %dma_wait3A_67 : memref<1x128xi32, #tpu.memory_space<vmem>> -> memref<128xi32, #tpu.memory_space<vmem>>
        %dma_wait3A_69 = arith.constant 0 : i32
        %dma_wait3A_70 = arith.constant 0 : i32
        %dma_wait3A_71 = tpu.memref_slice %arg10[%dma_wait3A_69, %dma_wait3A_70] : memref<10240x128xf32, #tpu.memory_space<vmem_shared>> -> memref<10240x128xf32, #tpu.memory_space<vmem_shared>>
        tpu.wait_indirect_dma semaphore(%run_scoped3A : memref<!tpu.dma_semaphore, #tpu.memory_space<semaphore_mem>>) src(%arg9 : memref<128x128xf32, #tpu.memory_space<vmem>>) dst(%dma_wait3A_71 : memref<10240x128xf32, #tpu.memory_space<vmem_shared>>)
        tpu.yield
      }) : () -> ()
    }
    %barrier3A_35 = arith.constant 0 : index
    tpu.barrier barrier_id(%barrier3A_35)
    "tpu.region"() ({
      %run_scoped3A = tpu.sem_alloc : memref<!tpu.dma_semaphore, #tpu.memory_space<semaphore_mem>>
      %dma_start3A_36 = arith.constant 0 : i32
      %dma_start3A_37 = arith.constant 0 : i32
      %dma_start3A_38 = tpu.memref_slice %arg5[%arg0, %dma_start3A_36, %dma_start3A_37] : memref<2x10240x128xf32, #tpu.memory_space<hbm>> -> memref<1x10240x128xf32, #tpu.memory_space<hbm>>
      %dma_start3A_39 = tpu.memref_squeeze %dma_start3A_38 : memref<1x10240x128xf32, #tpu.memory_space<hbm>> -> memref<10240x128xf32, #tpu.memory_space<hbm>>
      %dma_start3A_40 = arith.constant 0 : i32
      %dma_start3A_41 = tpu.memref_slice %dma_start3A_39[%mul3A_9, %dma_start3A_40] : memref<10240x128xf32, #tpu.memory_space<hbm>> -> memref<640x128xf32, #tpu.memory_space<hbm>>
      %dma_start3A_42 = arith.constant 0 : i32
      %dma_start3A_43 = tpu.memref_slice %arg10[%mul3A_9, %dma_start3A_42] : memref<10240x128xf32, #tpu.memory_space<vmem_shared>> -> memref<640x128xf32, #tpu.memory_space<vmem_shared>>
      tpu.enqueue_dma source(%dma_start3A_43 : memref<640x128xf32, #tpu.memory_space<vmem_shared>>) target(%dma_start3A_41 : memref<640x128xf32, #tpu.memory_space<hbm>>) target_semaphore(%run_scoped3A : memref<!tpu.dma_semaphore, #tpu.memory_space<semaphore_mem>>)
      %dma_wait3A = arith.constant 0 : i32
      %dma_wait3A_44 = arith.constant 0 : i32
      %dma_wait3A_45 = tpu.memref_slice %arg5[%arg0, %dma_wait3A, %dma_wait3A_44] : memref<2x10240x128xf32, #tpu.memory_space<hbm>> -> memref<1x10240x128xf32, #tpu.memory_space<hbm>>
      %dma_wait3A_46 = tpu.memref_squeeze %dma_wait3A_45 : memref<1x10240x128xf32, #tpu.memory_space<hbm>> -> memref<10240x128xf32, #tpu.memory_space<hbm>>
      %dma_wait3A_47 = arith.constant 0 : i32
      %dma_wait3A_48 = tpu.memref_slice %dma_wait3A_46[%mul3A_9, %dma_wait3A_47] : memref<10240x128xf32, #tpu.memory_space<hbm>> -> memref<640x128xf32, #tpu.memory_space<hbm>>
      %dma_wait3A_49 = arith.constant 0 : i32
      %dma_wait3A_50 = tpu.memref_slice %arg10[%mul3A_9, %dma_wait3A_49] : memref<10240x128xf32, #tpu.memory_space<vmem_shared>> -> memref<640x128xf32, #tpu.memory_space<vmem_shared>>
      tpu.wait_dma2 semaphore(%run_scoped3A : memref<!tpu.dma_semaphore, #tpu.memory_space<semaphore_mem>>) src(%dma_wait3A_50 : memref<640x128xf32, #tpu.memory_space<vmem_shared>>) dst(%dma_wait3A_48 : memref<640x128xf32, #tpu.memory_space<hbm>>)
      tpu.yield
    }) : () -> ()
    return
  }
}

#map = affine_map<(d0, d1) -> (0, 0)>
#map1 = affine_map<(d0, d1) -> (0, 0, 0)>
#map2 = affine_map<(d0, d1) -> (0, 0, 0, 0)>
module attributes {stable_mosaic.version = 14 : i64} {
  func.func @_sc_spmm2(%arg0: i32, %arg1: i32, %arg2: memref<10000x128xf32, #tpu.memory_space<hbm>>, %arg3: memref<10000x128xf32, #tpu.memory_space<hbm>>, %arg4: memref<32x64x128xi32, #tpu.memory_space<hbm>>, %arg5: memref<32x64x128xi32, #tpu.memory_space<hbm>>, %arg6: memref<2x2x10240x128xf32, #tpu.memory_space<hbm>>, %arg7: memref<64x128xi32, #tpu.memory_space<vmem>>, %arg8: memref<64x128xi32, #tpu.memory_space<vmem>>, %arg9: memref<128x128xf32, #tpu.memory_space<vmem>>, %arg10: memref<128x128xf32, #tpu.memory_space<vmem>>, %arg11: memref<10240x128xf32, #tpu.memory_space<vmem_shared>>, %arg12: memref<!tpu.dma_semaphore, #tpu.memory_space<semaphore_mem>>, %arg13: memref<!tpu.dma_semaphore, #tpu.memory_space<semaphore_mem>>) attributes {dimension_semantics = [#tpu.dimension_semantics<core_parallel>, #tpu.dimension_semantics<subcore_parallel>], iteration_bounds = array<i64: 2, 16>, scalar_prefetch = 0 : i64, scratch_operands = 7 : i64, tpu.core_type = #tpu.core_type<sc_vector_subcore>, window_params = [{transform_indices = #map}, {transform_indices = #map}, {transform_indices = #map1}, {transform_indices = #map1}, {transform_indices = #map2}]} {
    %mul3A = arith.constant 16 : i32
    %mul3A_0 = arith.muli %arg0, %mul3A : i32
    %add3A = arith.addi %mul3A_0, %arg1 : i32
    "tpu.region"() ({
      %run_scoped3A_74 = tpu.sem_alloc : memref<!tpu.dma_semaphore, #tpu.memory_space<semaphore_mem>>
      %dma_start3A_75 = arith.constant 0 : i32
      %dma_start3A_76 = arith.constant 0 : i32
      %dma_start3A_77 = tpu.memref_slice %arg4[%add3A, %dma_start3A_75, %dma_start3A_76] : memref<32x64x128xi32, #tpu.memory_space<hbm>> -> memref<1x64x128xi32, #tpu.memory_space<hbm>>
      %dma_start3A_78 = tpu.memref_squeeze %dma_start3A_77 : memref<1x64x128xi32, #tpu.memory_space<hbm>> -> memref<64x128xi32, #tpu.memory_space<hbm>>
      %dma_start3A_79 = arith.constant 0 : i32
      %dma_start3A_80 = arith.constant 0 : i32
      %dma_start3A_81 = tpu.memref_slice %arg4[%add3A, %dma_start3A_79, %dma_start3A_80] : memref<32x64x128xi32, #tpu.memory_space<hbm>> -> memref<1x64x128xi32, #tpu.memory_space<hbm>>
      %dma_start3A_82 = tpu.memref_squeeze %dma_start3A_81 : memref<1x64x128xi32, #tpu.memory_space<hbm>> -> memref<64x128xi32, #tpu.memory_space<hbm>>
      tpu.enqueue_dma source(%dma_start3A_82 : memref<64x128xi32, #tpu.memory_space<hbm>>) target(%arg7 : memref<64x128xi32, #tpu.memory_space<vmem>>) target_semaphore(%run_scoped3A_74 : memref<!tpu.dma_semaphore, #tpu.memory_space<semaphore_mem>>)
      %dma_wait3A = arith.constant 0 : i32
      %dma_wait3A_83 = arith.constant 0 : i32
      %dma_wait3A_84 = tpu.memref_slice %arg4[%add3A, %dma_wait3A, %dma_wait3A_83] : memref<32x64x128xi32, #tpu.memory_space<hbm>> -> memref<1x64x128xi32, #tpu.memory_space<hbm>>
      %dma_wait3A_85 = tpu.memref_squeeze %dma_wait3A_84 : memref<1x64x128xi32, #tpu.memory_space<hbm>> -> memref<64x128xi32, #tpu.memory_space<hbm>>
      %dma_wait3A_86 = arith.constant 0 : i32
      %dma_wait3A_87 = arith.constant 0 : i32
      %dma_wait3A_88 = tpu.memref_slice %arg4[%add3A, %dma_wait3A_86, %dma_wait3A_87] : memref<32x64x128xi32, #tpu.memory_space<hbm>> -> memref<1x64x128xi32, #tpu.memory_space<hbm>>
      %dma_wait3A_89 = tpu.memref_squeeze %dma_wait3A_88 : memref<1x64x128xi32, #tpu.memory_space<hbm>> -> memref<64x128xi32, #tpu.memory_space<hbm>>
      tpu.wait_dma2 semaphore(%run_scoped3A_74 : memref<!tpu.dma_semaphore, #tpu.memory_space<semaphore_mem>>) src(%dma_wait3A_89 : memref<64x128xi32, #tpu.memory_space<hbm>>) dst(%arg7 : memref<64x128xi32, #tpu.memory_space<vmem>>)
      tpu.yield
    }) : () -> ()
    "tpu.region"() ({
      %run_scoped3A_74 = tpu.sem_alloc : memref<!tpu.dma_semaphore, #tpu.memory_space<semaphore_mem>>
      %dma_start3A_75 = arith.constant 0 : i32
      %dma_start3A_76 = arith.constant 0 : i32
      %dma_start3A_77 = tpu.memref_slice %arg5[%add3A, %dma_start3A_75, %dma_start3A_76] : memref<32x64x128xi32, #tpu.memory_space<hbm>> -> memref<1x64x128xi32, #tpu.memory_space<hbm>>
      %dma_start3A_78 = tpu.memref_squeeze %dma_start3A_77 : memref<1x64x128xi32, #tpu.memory_space<hbm>> -> memref<64x128xi32, #tpu.memory_space<hbm>>
      %dma_start3A_79 = arith.constant 0 : i32
      %dma_start3A_80 = arith.constant 0 : i32
      %dma_start3A_81 = tpu.memref_slice %arg5[%add3A, %dma_start3A_79, %dma_start3A_80] : memref<32x64x128xi32, #tpu.memory_space<hbm>> -> memref<1x64x128xi32, #tpu.memory_space<hbm>>
      %dma_start3A_82 = tpu.memref_squeeze %dma_start3A_81 : memref<1x64x128xi32, #tpu.memory_space<hbm>> -> memref<64x128xi32, #tpu.memory_space<hbm>>
      tpu.enqueue_dma source(%dma_start3A_82 : memref<64x128xi32, #tpu.memory_space<hbm>>) target(%arg8 : memref<64x128xi32, #tpu.memory_space<vmem>>) target_semaphore(%run_scoped3A_74 : memref<!tpu.dma_semaphore, #tpu.memory_space<semaphore_mem>>)
      %dma_wait3A = arith.constant 0 : i32
      %dma_wait3A_83 = arith.constant 0 : i32
      %dma_wait3A_84 = tpu.memref_slice %arg5[%add3A, %dma_wait3A, %dma_wait3A_83] : memref<32x64x128xi32, #tpu.memory_space<hbm>> -> memref<1x64x128xi32, #tpu.memory_space<hbm>>
      %dma_wait3A_85 = tpu.memref_squeeze %dma_wait3A_84 : memref<1x64x128xi32, #tpu.memory_space<hbm>> -> memref<64x128xi32, #tpu.memory_space<hbm>>
      %dma_wait3A_86 = arith.constant 0 : i32
      %dma_wait3A_87 = arith.constant 0 : i32
      %dma_wait3A_88 = tpu.memref_slice %arg5[%add3A, %dma_wait3A_86, %dma_wait3A_87] : memref<32x64x128xi32, #tpu.memory_space<hbm>> -> memref<1x64x128xi32, #tpu.memory_space<hbm>>
      %dma_wait3A_89 = tpu.memref_squeeze %dma_wait3A_88 : memref<1x64x128xi32, #tpu.memory_space<hbm>> -> memref<64x128xi32, #tpu.memory_space<hbm>>
      tpu.wait_dma2 semaphore(%run_scoped3A_74 : memref<!tpu.dma_semaphore, #tpu.memory_space<semaphore_mem>>) src(%dma_wait3A_89 : memref<64x128xi32, #tpu.memory_space<hbm>>) dst(%arg8 : memref<64x128xi32, #tpu.memory_space<vmem>>)
      tpu.yield
    }) : () -> ()
    %eq3A = arith.constant 0 : i32
    %eq3A_1 = arith.cmpi eq, %arg0, %eq3A : i32
    %jit3A = arith.constant 32 : i32
    %jit3A_2 = arith.constant 8 : i32
    %select_n3A = arith.select %eq3A_1, %jit3A, %jit3A_2 : i32
    %scan3A = arith.constant 0 : i32
    %scan3A_3 = arith.constant 0 : i32
    %scan3A_4 = arith.constant 128 : i32
    %scan3A_5 = arith.addi %scan3A_3, %scan3A_4 : i32
    %scan3A_6 = arith.constant 1 : i32
    scf.for %scan3A_74 = %scan3A_3 to %scan3A_5 step %scan3A_6  : i32 {
      %broadcast_in_dim3A = arith.constant 0.000000e+00 : f32
      %broadcast_in_dim3A_75 = vector.broadcast %broadcast_in_dim3A : f32 to vector<16xf32>
      %swap3A = arith.index_cast %scan3A_74 : i32 to index
      %swap3A_76 = arith.constant 0 : index
      %swap3A_77 = tpu.vector_load %arg9[%swap3A, %swap3A_76] {strides = array<i32>} : memref<128x128xf32, #tpu.memory_space<vmem>>, vector<1x16xf32>,
      %swap3A_78 = vector.shape_cast %swap3A_77 : vector<1x16xf32> to vector<16xf32>
      %swap3A_79 = vector.shape_cast %broadcast_in_dim3A_75 : vector<16xf32> to vector<1x16xf32>
      tpu.vector_store %arg9[%swap3A, %swap3A_76], %swap3A_79 {strides = array<i32>} : memref<128x128xf32, #tpu.memory_space<vmem>>, vector<1x16xf32>,
      %broadcast_in_dim3A_80 = arith.constant 0.000000e+00 : f32
      %broadcast_in_dim3A_81 = vector.broadcast %broadcast_in_dim3A_80 : f32 to vector<16xf32>
      %swap3A_82 = arith.index_cast %scan3A_74 : i32 to index
      %swap3A_83 = arith.constant 16 : index
      %swap3A_84 = tpu.vector_load %arg9[%swap3A_82, %swap3A_83] {strides = array<i32>} : memref<128x128xf32, #tpu.memory_space<vmem>>, vector<1x16xf32>,
      %swap3A_85 = vector.shape_cast %swap3A_84 : vector<1x16xf32> to vector<16xf32>
      %swap3A_86 = vector.shape_cast %broadcast_in_dim3A_81 : vector<16xf32> to vector<1x16xf32>
      tpu.vector_store %arg9[%swap3A_82, %swap3A_83], %swap3A_86 {strides = array<i32>} : memref<128x128xf32, #tpu.memory_space<vmem>>, vector<1x16xf32>,
      %broadcast_in_dim3A_87 = arith.constant 0.000000e+00 : f32
      %broadcast_in_dim3A_88 = vector.broadcast %broadcast_in_dim3A_87 : f32 to vector<16xf32>
      %swap3A_89 = arith.index_cast %scan3A_74 : i32 to index
      %swap3A_90 = arith.constant 32 : index
      %swap3A_91 = tpu.vector_load %arg9[%swap3A_89, %swap3A_90] {strides = array<i32>} : memref<128x128xf32, #tpu.memory_space<vmem>>, vector<1x16xf32>,
      %swap3A_92 = vector.shape_cast %swap3A_91 : vector<1x16xf32> to vector<16xf32>
      %swap3A_93 = vector.shape_cast %broadcast_in_dim3A_88 : vector<16xf32> to vector<1x16xf32>
      tpu.vector_store %arg9[%swap3A_89, %swap3A_90], %swap3A_93 {strides = array<i32>} : memref<128x128xf32, #tpu.memory_space<vmem>>, vector<1x16xf32>,
      %broadcast_in_dim3A_94 = arith.constant 0.000000e+00 : f32
      %broadcast_in_dim3A_95 = vector.broadcast %broadcast_in_dim3A_94 : f32 to vector<16xf32>
      %swap3A_96 = arith.index_cast %scan3A_74 : i32 to index
      %swap3A_97 = arith.constant 48 : index
      %swap3A_98 = tpu.vector_load %arg9[%swap3A_96, %swap3A_97] {strides = array<i32>} : memref<128x128xf32, #tpu.memory_space<vmem>>, vector<1x16xf32>,
      %swap3A_99 = vector.shape_cast %swap3A_98 : vector<1x16xf32> to vector<16xf32>
      %swap3A_100 = vector.shape_cast %broadcast_in_dim3A_95 : vector<16xf32> to vector<1x16xf32>
      tpu.vector_store %arg9[%swap3A_96, %swap3A_97], %swap3A_100 {strides = array<i32>} : memref<128x128xf32, #tpu.memory_space<vmem>>, vector<1x16xf32>,
      %broadcast_in_dim3A_101 = arith.constant 0.000000e+00 : f32
      %broadcast_in_dim3A_102 = vector.broadcast %broadcast_in_dim3A_101 : f32 to vector<16xf32>
      %swap3A_103 = arith.index_cast %scan3A_74 : i32 to index
      %swap3A_104 = arith.constant 64 : index
      %swap3A_105 = tpu.vector_load %arg9[%swap3A_103, %swap3A_104] {strides = array<i32>} : memref<128x128xf32, #tpu.memory_space<vmem>>, vector<1x16xf32>,
      %swap3A_106 = vector.shape_cast %swap3A_105 : vector<1x16xf32> to vector<16xf32>
      %swap3A_107 = vector.shape_cast %broadcast_in_dim3A_102 : vector<16xf32> to vector<1x16xf32>
      tpu.vector_store %arg9[%swap3A_103, %swap3A_104], %swap3A_107 {strides = array<i32>} : memref<128x128xf32, #tpu.memory_space<vmem>>, vector<1x16xf32>,
      %broadcast_in_dim3A_108 = arith.constant 0.000000e+00 : f32
      %broadcast_in_dim3A_109 = vector.broadcast %broadcast_in_dim3A_108 : f32 to vector<16xf32>
      %swap3A_110 = arith.index_cast %scan3A_74 : i32 to index
      %swap3A_111 = arith.constant 80 : index
      %swap3A_112 = tpu.vector_load %arg9[%swap3A_110, %swap3A_111] {strides = array<i32>} : memref<128x128xf32, #tpu.memory_space<vmem>>, vector<1x16xf32>,
      %swap3A_113 = vector.shape_cast %swap3A_112 : vector<1x16xf32> to vector<16xf32>
      %swap3A_114 = vector.shape_cast %broadcast_in_dim3A_109 : vector<16xf32> to vector<1x16xf32>
      tpu.vector_store %arg9[%swap3A_110, %swap3A_111], %swap3A_114 {strides = array<i32>} : memref<128x128xf32, #tpu.memory_space<vmem>>, vector<1x16xf32>,
      %broadcast_in_dim3A_115 = arith.constant 0.000000e+00 : f32
      %broadcast_in_dim3A_116 = vector.broadcast %broadcast_in_dim3A_115 : f32 to vector<16xf32>
      %swap3A_117 = arith.index_cast %scan3A_74 : i32 to index
      %swap3A_118 = arith.constant 96 : index
      %swap3A_119 = tpu.vector_load %arg9[%swap3A_117, %swap3A_118] {strides = array<i32>} : memref<128x128xf32, #tpu.memory_space<vmem>>, vector<1x16xf32>,
      %swap3A_120 = vector.shape_cast %swap3A_119 : vector<1x16xf32> to vector<16xf32>
      %swap3A_121 = vector.shape_cast %broadcast_in_dim3A_116 : vector<16xf32> to vector<1x16xf32>
      tpu.vector_store %arg9[%swap3A_117, %swap3A_118], %swap3A_121 {strides = array<i32>} : memref<128x128xf32, #tpu.memory_space<vmem>>, vector<1x16xf32>,
      %broadcast_in_dim3A_122 = arith.constant 0.000000e+00 : f32
      %broadcast_in_dim3A_123 = vector.broadcast %broadcast_in_dim3A_122 : f32 to vector<16xf32>
      %swap3A_124 = arith.index_cast %scan3A_74 : i32 to index
      %swap3A_125 = arith.constant 112 : index
      %swap3A_126 = tpu.vector_load %arg9[%swap3A_124, %swap3A_125] {strides = array<i32>} : memref<128x128xf32, #tpu.memory_space<vmem>>, vector<1x16xf32>,
      %swap3A_127 = vector.shape_cast %swap3A_126 : vector<1x16xf32> to vector<16xf32>
      %swap3A_128 = vector.shape_cast %broadcast_in_dim3A_123 : vector<16xf32> to vector<1x16xf32>
      tpu.vector_store %arg9[%swap3A_124, %swap3A_125], %swap3A_128 {strides = array<i32>} : memref<128x128xf32, #tpu.memory_space<vmem>>, vector<1x16xf32>,
    }
    %scan3A_7 = arith.constant 128 : i32
    %mul3A_8 = arith.constant 640 : i32
    %mul3A_9 = arith.muli %arg1, %mul3A_8 : i32
    %add3A_10 = arith.constant 0 : i32
    %add3A_11 = arith.addi %mul3A_9, %add3A_10 : i32
    "tpu.region"() ({
      %run_scoped3A_74 = tpu.sem_alloc : memref<!tpu.dma_semaphore, #tpu.memory_space<semaphore_mem>>
      %dma_start3A_75 = arith.constant 0 : i32
      %dma_start3A_76 = tpu.memref_slice %arg11[%add3A_11, %dma_start3A_75] : memref<10240x128xf32, #tpu.memory_space<vmem_shared>> -> memref<128x128xf32, #tpu.memory_space<vmem_shared>>
      %dma_start3A_77 = arith.constant 0 : i32
      %dma_start3A_78 = tpu.memref_slice %arg11[%add3A_11, %dma_start3A_77] : memref<10240x128xf32, #tpu.memory_space<vmem_shared>> -> memref<128x128xf32, #tpu.memory_space<vmem_shared>>
      tpu.enqueue_dma source(%arg9 : memref<128x128xf32, #tpu.memory_space<vmem>>) target(%dma_start3A_78 : memref<128x128xf32, #tpu.memory_space<vmem_shared>>) target_semaphore(%run_scoped3A_74 : memref<!tpu.dma_semaphore, #tpu.memory_space<semaphore_mem>>)
      %dma_wait3A = arith.constant 0 : i32
      %dma_wait3A_79 = tpu.memref_slice %arg11[%add3A_11, %dma_wait3A] : memref<10240x128xf32, #tpu.memory_space<vmem_shared>> -> memref<128x128xf32, #tpu.memory_space<vmem_shared>>
      %dma_wait3A_80 = arith.constant 0 : i32
      %dma_wait3A_81 = tpu.memref_slice %arg11[%add3A_11, %dma_wait3A_80] : memref<10240x128xf32, #tpu.memory_space<vmem_shared>> -> memref<128x128xf32, #tpu.memory_space<vmem_shared>>
      tpu.wait_dma2 semaphore(%run_scoped3A_74 : memref<!tpu.dma_semaphore, #tpu.memory_space<semaphore_mem>>) src(%arg9 : memref<128x128xf32, #tpu.memory_space<vmem>>) dst(%dma_wait3A_81 : memref<128x128xf32, #tpu.memory_space<vmem_shared>>)
      tpu.yield
    }) : () -> ()
    %add3A_12 = arith.constant 128 : i32
    %add3A_13 = arith.addi %mul3A_9, %add3A_12 : i32
    "tpu.region"() ({
      %run_scoped3A_74 = tpu.sem_alloc : memref<!tpu.dma_semaphore, #tpu.memory_space<semaphore_mem>>
      %dma_start3A_75 = arith.constant 0 : i32
      %dma_start3A_76 = tpu.memref_slice %arg11[%add3A_13, %dma_start3A_75] : memref<10240x128xf32, #tpu.memory_space<vmem_shared>> -> memref<128x128xf32, #tpu.memory_space<vmem_shared>>
      %dma_start3A_77 = arith.constant 0 : i32
      %dma_start3A_78 = tpu.memref_slice %arg11[%add3A_13, %dma_start3A_77] : memref<10240x128xf32, #tpu.memory_space<vmem_shared>> -> memref<128x128xf32, #tpu.memory_space<vmem_shared>>
      tpu.enqueue_dma source(%arg9 : memref<128x128xf32, #tpu.memory_space<vmem>>) target(%dma_start3A_78 : memref<128x128xf32, #tpu.memory_space<vmem_shared>>) target_semaphore(%run_scoped3A_74 : memref<!tpu.dma_semaphore, #tpu.memory_space<semaphore_mem>>)
      %dma_wait3A = arith.constant 0 : i32
      %dma_wait3A_79 = tpu.memref_slice %arg11[%add3A_13, %dma_wait3A] : memref<10240x128xf32, #tpu.memory_space<vmem_shared>> -> memref<128x128xf32, #tpu.memory_space<vmem_shared>>
      %dma_wait3A_80 = arith.constant 0 : i32
      %dma_wait3A_81 = tpu.memref_slice %arg11[%add3A_13, %dma_wait3A_80] : memref<10240x128xf32, #tpu.memory_space<vmem_shared>> -> memref<128x128xf32, #tpu.memory_space<vmem_shared>>
      tpu.wait_dma2 semaphore(%run_scoped3A_74 : memref<!tpu.dma_semaphore, #tpu.memory_space<semaphore_mem>>) src(%arg9 : memref<128x128xf32, #tpu.memory_space<vmem>>) dst(%dma_wait3A_81 : memref<128x128xf32, #tpu.memory_space<vmem_shared>>)
      tpu.yield
    }) : () -> ()
    %add3A_14 = arith.constant 256 : i32
    %add3A_15 = arith.addi %mul3A_9, %add3A_14 : i32
    "tpu.region"() ({
      %run_scoped3A_74 = tpu.sem_alloc : memref<!tpu.dma_semaphore, #tpu.memory_space<semaphore_mem>>
      %dma_start3A_75 = arith.constant 0 : i32
      %dma_start3A_76 = tpu.memref_slice %arg11[%add3A_15, %dma_start3A_75] : memref<10240x128xf32, #tpu.memory_space<vmem_shared>> -> memref<128x128xf32, #tpu.memory_space<vmem_shared>>
      %dma_start3A_77 = arith.constant 0 : i32
      %dma_start3A_78 = tpu.memref_slice %arg11[%add3A_15, %dma_start3A_77] : memref<10240x128xf32, #tpu.memory_space<vmem_shared>> -> memref<128x128xf32, #tpu.memory_space<vmem_shared>>
      tpu.enqueue_dma source(%arg9 : memref<128x128xf32, #tpu.memory_space<vmem>>) target(%dma_start3A_78 : memref<128x128xf32, #tpu.memory_space<vmem_shared>>) target_semaphore(%run_scoped3A_74 : memref<!tpu.dma_semaphore, #tpu.memory_space<semaphore_mem>>)
      %dma_wait3A = arith.constant 0 : i32
      %dma_wait3A_79 = tpu.memref_slice %arg11[%add3A_15, %dma_wait3A] : memref<10240x128xf32, #tpu.memory_space<vmem_shared>> -> memref<128x128xf32, #tpu.memory_space<vmem_shared>>
      %dma_wait3A_80 = arith.constant 0 : i32
      %dma_wait3A_81 = tpu.memref_slice %arg11[%add3A_15, %dma_wait3A_80] : memref<10240x128xf32, #tpu.memory_space<vmem_shared>> -> memref<128x128xf32, #tpu.memory_space<vmem_shared>>
      tpu.wait_dma2 semaphore(%run_scoped3A_74 : memref<!tpu.dma_semaphore, #tpu.memory_space<semaphore_mem>>) src(%arg9 : memref<128x128xf32, #tpu.memory_space<vmem>>) dst(%dma_wait3A_81 : memref<128x128xf32, #tpu.memory_space<vmem_shared>>)
      tpu.yield
    }) : () -> ()
    %add3A_16 = arith.constant 384 : i32
    %add3A_17 = arith.addi %mul3A_9, %add3A_16 : i32
    "tpu.region"() ({
      %run_scoped3A_74 = tpu.sem_alloc : memref<!tpu.dma_semaphore, #tpu.memory_space<semaphore_mem>>
      %dma_start3A_75 = arith.constant 0 : i32
      %dma_start3A_76 = tpu.memref_slice %arg11[%add3A_17, %dma_start3A_75] : memref<10240x128xf32, #tpu.memory_space<vmem_shared>> -> memref<128x128xf32, #tpu.memory_space<vmem_shared>>
      %dma_start3A_77 = arith.constant 0 : i32
      %dma_start3A_78 = tpu.memref_slice %arg11[%add3A_17, %dma_start3A_77] : memref<10240x128xf32, #tpu.memory_space<vmem_shared>> -> memref<128x128xf32, #tpu.memory_space<vmem_shared>>
      tpu.enqueue_dma source(%arg9 : memref<128x128xf32, #tpu.memory_space<vmem>>) target(%dma_start3A_78 : memref<128x128xf32, #tpu.memory_space<vmem_shared>>) target_semaphore(%run_scoped3A_74 : memref<!tpu.dma_semaphore, #tpu.memory_space<semaphore_mem>>)
      %dma_wait3A = arith.constant 0 : i32
      %dma_wait3A_79 = tpu.memref_slice %arg11[%add3A_17, %dma_wait3A] : memref<10240x128xf32, #tpu.memory_space<vmem_shared>> -> memref<128x128xf32, #tpu.memory_space<vmem_shared>>
      %dma_wait3A_80 = arith.constant 0 : i32
      %dma_wait3A_81 = tpu.memref_slice %arg11[%add3A_17, %dma_wait3A_80] : memref<10240x128xf32, #tpu.memory_space<vmem_shared>> -> memref<128x128xf32, #tpu.memory_space<vmem_shared>>
      tpu.wait_dma2 semaphore(%run_scoped3A_74 : memref<!tpu.dma_semaphore, #tpu.memory_space<semaphore_mem>>) src(%arg9 : memref<128x128xf32, #tpu.memory_space<vmem>>) dst(%dma_wait3A_81 : memref<128x128xf32, #tpu.memory_space<vmem_shared>>)
      tpu.yield
    }) : () -> ()
    %add3A_18 = arith.constant 512 : i32
    %add3A_19 = arith.addi %mul3A_9, %add3A_18 : i32
    "tpu.region"() ({
      %run_scoped3A_74 = tpu.sem_alloc : memref<!tpu.dma_semaphore, #tpu.memory_space<semaphore_mem>>
      %dma_start3A_75 = arith.constant 0 : i32
      %dma_start3A_76 = tpu.memref_slice %arg11[%add3A_19, %dma_start3A_75] : memref<10240x128xf32, #tpu.memory_space<vmem_shared>> -> memref<128x128xf32, #tpu.memory_space<vmem_shared>>
      %dma_start3A_77 = arith.constant 0 : i32
      %dma_start3A_78 = tpu.memref_slice %arg11[%add3A_19, %dma_start3A_77] : memref<10240x128xf32, #tpu.memory_space<vmem_shared>> -> memref<128x128xf32, #tpu.memory_space<vmem_shared>>
      tpu.enqueue_dma source(%arg9 : memref<128x128xf32, #tpu.memory_space<vmem>>) target(%dma_start3A_78 : memref<128x128xf32, #tpu.memory_space<vmem_shared>>) target_semaphore(%run_scoped3A_74 : memref<!tpu.dma_semaphore, #tpu.memory_space<semaphore_mem>>)
      %dma_wait3A = arith.constant 0 : i32
      %dma_wait3A_79 = tpu.memref_slice %arg11[%add3A_19, %dma_wait3A] : memref<10240x128xf32, #tpu.memory_space<vmem_shared>> -> memref<128x128xf32, #tpu.memory_space<vmem_shared>>
      %dma_wait3A_80 = arith.constant 0 : i32
      %dma_wait3A_81 = tpu.memref_slice %arg11[%add3A_19, %dma_wait3A_80] : memref<10240x128xf32, #tpu.memory_space<vmem_shared>> -> memref<128x128xf32, #tpu.memory_space<vmem_shared>>
      tpu.wait_dma2 semaphore(%run_scoped3A_74 : memref<!tpu.dma_semaphore, #tpu.memory_space<semaphore_mem>>) src(%arg9 : memref<128x128xf32, #tpu.memory_space<vmem>>) dst(%dma_wait3A_81 : memref<128x128xf32, #tpu.memory_space<vmem_shared>>)
      tpu.yield
    }) : () -> ()
    %barrier3A = arith.constant 0 : index
    tpu.barrier barrier_id(%barrier3A)
    %dma_start3A = arith.constant 0 : i32
    %dma_start3A_20 = arith.constant 0 : i32
    %dma_start3A_21 = tpu.memref_slice %arg7[%dma_start3A, %dma_start3A_20] : memref<64x128xi32, #tpu.memory_space<vmem>> -> memref<1x128xi32, #tpu.memory_space<vmem>>
    %dma_start3A_22 = tpu.memref_squeeze %dma_start3A_21 : memref<1x128xi32, #tpu.memory_space<vmem>> -> memref<128xi32, #tpu.memory_space<vmem>>
    %dma_start3A_23 = arith.constant 0 : i32
    %dma_start3A_24 = arith.constant 0 : i32
    %dma_start3A_25 = tpu.memref_slice %arg2[%dma_start3A_23, %dma_start3A_24] : memref<10000x128xf32, #tpu.memory_space<hbm>> -> memref<10000x128xf32, #tpu.memory_space<hbm>>
    tpu.enqueue_indirect_dma source(%dma_start3A_25 : memref<10000x128xf32, #tpu.memory_space<hbm>>) target(%arg9 : memref<128x128xf32, #tpu.memory_space<vmem>>) offsets(%dma_start3A_22 : memref<128xi32, #tpu.memory_space<vmem>>) semaphore(%arg12 : memref<!tpu.dma_semaphore, #tpu.memory_space<semaphore_mem>>)
    %while3A = arith.constant 0 : i32
    %while3A_26 = arith.constant 0 : i32
    %while3A_27 = arith.subi %select_n3A, %while3A_26 : i32
    %while3A_28 = arith.addi %while3A_26, %while3A_27 : i32
    %while3A_29 = arith.constant 1 : i32
    %while3A_30 = arith.divsi %while3A_27, %while3A_29 : i32
    %while3A_31 = arith.muli %while3A_30, %while3A_29 : i32
    %while3A_32 = arith.addi %while3A_26, %while3A_31 : i32
    %while3A_33 = arith.constant 1 : i32
    scf.for %while3A_74 = %while3A_26 to %while3A_32 step %while3A_33  : i32 {
      %mul3A_75 = arith.constant 2 : i32
      %mul3A_76 = arith.muli %while3A_74, %mul3A_75 : i32
      %add3A_77 = arith.constant 1 : i32
      %add3A_78 = arith.addi %mul3A_76, %add3A_77 : i32
      %dma_wait3A = arith.constant 0 : i32
      %dma_wait3A_79 = tpu.memref_slice %arg7[%mul3A_76, %dma_wait3A] : memref<64x128xi32, #tpu.memory_space<vmem>> -> memref<1x128xi32, #tpu.memory_space<vmem>>
      %dma_wait3A_80 = tpu.memref_squeeze %dma_wait3A_79 : memref<1x128xi32, #tpu.memory_space<vmem>> -> memref<128xi32, #tpu.memory_space<vmem>>
      %dma_wait3A_81 = arith.constant 0 : i32
      %dma_wait3A_82 = arith.constant 0 : i32
      %dma_wait3A_83 = tpu.memref_slice %arg2[%dma_wait3A_81, %dma_wait3A_82] : memref<10000x128xf32, #tpu.memory_space<hbm>> -> memref<10000x128xf32, #tpu.memory_space<hbm>>
      tpu.wait_indirect_dma semaphore(%arg12 : memref<!tpu.dma_semaphore, #tpu.memory_space<semaphore_mem>>) src(%dma_wait3A_83 : memref<10000x128xf32, #tpu.memory_space<hbm>>) dst(%arg9 : memref<128x128xf32, #tpu.memory_space<vmem>>)
      %dma_start3A_84 = arith.constant 0 : i32
      %dma_start3A_85 = tpu.memref_slice %arg7[%add3A_78, %dma_start3A_84] : memref<64x128xi32, #tpu.memory_space<vmem>> -> memref<1x128xi32, #tpu.memory_space<vmem>>
      %dma_start3A_86 = tpu.memref_squeeze %dma_start3A_85 : memref<1x128xi32, #tpu.memory_space<vmem>> -> memref<128xi32, #tpu.memory_space<vmem>>
      %dma_start3A_87 = arith.constant 0 : i32
      %dma_start3A_88 = arith.constant 0 : i32
      %dma_start3A_89 = tpu.memref_slice %arg2[%dma_start3A_87, %dma_start3A_88] : memref<10000x128xf32, #tpu.memory_space<hbm>> -> memref<10000x128xf32, #tpu.memory_space<hbm>>
      tpu.enqueue_indirect_dma source(%dma_start3A_89 : memref<10000x128xf32, #tpu.memory_space<hbm>>) target(%arg10 : memref<128x128xf32, #tpu.memory_space<vmem>>) offsets(%dma_start3A_86 : memref<128xi32, #tpu.memory_space<vmem>>) semaphore(%arg13 : memref<!tpu.dma_semaphore, #tpu.memory_space<semaphore_mem>>)
      "tpu.region"() ({
        %run_scoped3A_98 = tpu.sem_alloc : memref<!tpu.dma_semaphore, #tpu.memory_space<semaphore_mem>>
        %dma_start3A_99 = arith.constant 0 : i32
        %dma_start3A_100 = tpu.memref_slice %arg8[%mul3A_76, %dma_start3A_99] : memref<64x128xi32, #tpu.memory_space<vmem>> -> memref<1x128xi32, #tpu.memory_space<vmem>>
        %dma_start3A_101 = tpu.memref_squeeze %dma_start3A_100 : memref<1x128xi32, #tpu.memory_space<vmem>> -> memref<128xi32, #tpu.memory_space<vmem>>
        %dma_start3A_102 = arith.constant 0 : i32
        %dma_start3A_103 = arith.constant 0 : i32
        %dma_start3A_104 = tpu.memref_slice %arg11[%dma_start3A_102, %dma_start3A_103] : memref<10240x128xf32, #tpu.memory_space<vmem_shared>> -> memref<10240x128xf32, #tpu.memory_space<vmem_shared>>
        tpu.enqueue_indirect_dma source(%arg9 : memref<128x128xf32, #tpu.memory_space<vmem>>) target(%dma_start3A_104 : memref<10240x128xf32, #tpu.memory_space<vmem_shared>>) offsets(%dma_start3A_101 : memref<128xi32, #tpu.memory_space<vmem>>) semaphore(%run_scoped3A_98 : memref<!tpu.dma_semaphore, #tpu.memory_space<semaphore_mem>>) {add = true}
        %dma_wait3A_105 = arith.constant 0 : i32
        %dma_wait3A_106 = tpu.memref_slice %arg8[%mul3A_76, %dma_wait3A_105] : memref<64x128xi32, #tpu.memory_space<vmem>> -> memref<1x128xi32, #tpu.memory_space<vmem>>
        %dma_wait3A_107 = tpu.memref_squeeze %dma_wait3A_106 : memref<1x128xi32, #tpu.memory_space<vmem>> -> memref<128xi32, #tpu.memory_space<vmem>>
        %dma_wait3A_108 = arith.constant 0 : i32
        %dma_wait3A_109 = arith.constant 0 : i32
        %dma_wait3A_110 = tpu.memref_slice %arg11[%dma_wait3A_108, %dma_wait3A_109] : memref<10240x128xf32, #tpu.memory_space<vmem_shared>> -> memref<10240x128xf32, #tpu.memory_space<vmem_shared>>
        tpu.wait_indirect_dma semaphore(%run_scoped3A_98 : memref<!tpu.dma_semaphore, #tpu.memory_space<semaphore_mem>>) src(%arg9 : memref<128x128xf32, #tpu.memory_space<vmem>>) dst(%dma_wait3A_110 : memref<10240x128xf32, #tpu.memory_space<vmem_shared>>)
        tpu.yield
      }) : () -> ()
      %dma_wait3A_90 = arith.constant 0 : i32
      %dma_wait3A_91 = tpu.memref_slice %arg7[%add3A_78, %dma_wait3A_90] : memref<64x128xi32, #tpu.memory_space<vmem>> -> memref<1x128xi32, #tpu.memory_space<vmem>>
      %dma_wait3A_92 = tpu.memref_squeeze %dma_wait3A_91 : memref<1x128xi32, #tpu.memory_space<vmem>> -> memref<128xi32, #tpu.memory_space<vmem>>
      %dma_wait3A_93 = arith.constant 0 : i32
      %dma_wait3A_94 = arith.constant 0 : i32
      %dma_wait3A_95 = tpu.memref_slice %arg2[%dma_wait3A_93, %dma_wait3A_94] : memref<10000x128xf32, #tpu.memory_space<hbm>> -> memref<10000x128xf32, #tpu.memory_space<hbm>>
      tpu.wait_indirect_dma semaphore(%arg13 : memref<!tpu.dma_semaphore, #tpu.memory_space<semaphore_mem>>) src(%dma_wait3A_95 : memref<10000x128xf32, #tpu.memory_space<hbm>>) dst(%arg10 : memref<128x128xf32, #tpu.memory_space<vmem>>)
      %sub3A = arith.constant 1 : i32
      %sub3A_96 = arith.subi %select_n3A, %sub3A : i32
      %lt3A = arith.cmpi slt, %while3A_74, %sub3A_96 : i32
      %convert_element_type3A = arith.extui %lt3A : i1 to i32
      %cond3A = arith.constant 0 : i32
      %cond3A_97 = arith.cmpi ne, %convert_element_type3A, %cond3A : i32
      scf.if %cond3A_97 {
        %add3A_98 = arith.constant 1 : i32
        %add3A_99 = arith.addi %add3A_78, %add3A_98 : i32
        %dma_start3A_100 = arith.constant 0 : i32
        %dma_start3A_101 = tpu.memref_slice %arg7[%add3A_99, %dma_start3A_100] : memref<64x128xi32, #tpu.memory_space<vmem>> -> memref<1x128xi32, #tpu.memory_space<vmem>>
        %dma_start3A_102 = tpu.memref_squeeze %dma_start3A_101 : memref<1x128xi32, #tpu.memory_space<vmem>> -> memref<128xi32, #tpu.memory_space<vmem>>
        %dma_start3A_103 = arith.constant 0 : i32
        %dma_start3A_104 = arith.constant 0 : i32
        %dma_start3A_105 = tpu.memref_slice %arg2[%dma_start3A_103, %dma_start3A_104] : memref<10000x128xf32, #tpu.memory_space<hbm>> -> memref<10000x128xf32, #tpu.memory_space<hbm>>
        tpu.enqueue_indirect_dma source(%dma_start3A_105 : memref<10000x128xf32, #tpu.memory_space<hbm>>) target(%arg9 : memref<128x128xf32, #tpu.memory_space<vmem>>) offsets(%dma_start3A_102 : memref<128xi32, #tpu.memory_space<vmem>>) semaphore(%arg12 : memref<!tpu.dma_semaphore, #tpu.memory_space<semaphore_mem>>)
      } else {
      }
      "tpu.region"() ({
        %run_scoped3A_98 = tpu.sem_alloc : memref<!tpu.dma_semaphore, #tpu.memory_space<semaphore_mem>>
        %dma_start3A_99 = arith.constant 0 : i32
        %dma_start3A_100 = tpu.memref_slice %arg8[%add3A_78, %dma_start3A_99] : memref<64x128xi32, #tpu.memory_space<vmem>> -> memref<1x128xi32, #tpu.memory_space<vmem>>
        %dma_start3A_101 = tpu.memref_squeeze %dma_start3A_100 : memref<1x128xi32, #tpu.memory_space<vmem>> -> memref<128xi32, #tpu.memory_space<vmem>>
        %dma_start3A_102 = arith.constant 0 : i32
        %dma_start3A_103 = arith.constant 0 : i32
        %dma_start3A_104 = tpu.memref_slice %arg11[%dma_start3A_102, %dma_start3A_103] : memref<10240x128xf32, #tpu.memory_space<vmem_shared>> -> memref<10240x128xf32, #tpu.memory_space<vmem_shared>>
        tpu.enqueue_indirect_dma source(%arg10 : memref<128x128xf32, #tpu.memory_space<vmem>>) target(%dma_start3A_104 : memref<10240x128xf32, #tpu.memory_space<vmem_shared>>) offsets(%dma_start3A_101 : memref<128xi32, #tpu.memory_space<vmem>>) semaphore(%run_scoped3A_98 : memref<!tpu.dma_semaphore, #tpu.memory_space<semaphore_mem>>) {add = true}
        %dma_wait3A_105 = arith.constant 0 : i32
        %dma_wait3A_106 = tpu.memref_slice %arg8[%add3A_78, %dma_wait3A_105] : memref<64x128xi32, #tpu.memory_space<vmem>> -> memref<1x128xi32, #tpu.memory_space<vmem>>
        %dma_wait3A_107 = tpu.memref_squeeze %dma_wait3A_106 : memref<1x128xi32, #tpu.memory_space<vmem>> -> memref<128xi32, #tpu.memory_space<vmem>>
        %dma_wait3A_108 = arith.constant 0 : i32
        %dma_wait3A_109 = arith.constant 0 : i32
        %dma_wait3A_110 = tpu.memref_slice %arg11[%dma_wait3A_108, %dma_wait3A_109] : memref<10240x128xf32, #tpu.memory_space<vmem_shared>> -> memref<10240x128xf32, #tpu.memory_space<vmem_shared>>
        tpu.wait_indirect_dma semaphore(%run_scoped3A_98 : memref<!tpu.dma_semaphore, #tpu.memory_space<semaphore_mem>>) src(%arg10 : memref<128x128xf32, #tpu.memory_space<vmem>>) dst(%dma_wait3A_110 : memref<10240x128xf32, #tpu.memory_space<vmem_shared>>)
        tpu.yield
      }) : () -> ()
    }
    %while3A_34 = arith.constant 1 : i32
    scf.for %while3A_74 = %while3A_32 to %while3A_28 step %while3A_34  : i32 {
      %mul3A_75 = arith.constant 2 : i32
      %mul3A_76 = arith.muli %while3A_74, %mul3A_75 : i32
      %add3A_77 = arith.constant 1 : i32
      %add3A_78 = arith.addi %mul3A_76, %add3A_77 : i32
      %dma_wait3A = arith.constant 0 : i32
      %dma_wait3A_79 = tpu.memref_slice %arg7[%mul3A_76, %dma_wait3A] : memref<64x128xi32, #tpu.memory_space<vmem>> -> memref<1x128xi32, #tpu.memory_space<vmem>>
      %dma_wait3A_80 = tpu.memref_squeeze %dma_wait3A_79 : memref<1x128xi32, #tpu.memory_space<vmem>> -> memref<128xi32, #tpu.memory_space<vmem>>
      %dma_wait3A_81 = arith.constant 0 : i32
      %dma_wait3A_82 = arith.constant 0 : i32
      %dma_wait3A_83 = tpu.memref_slice %arg2[%dma_wait3A_81, %dma_wait3A_82] : memref<10000x128xf32, #tpu.memory_space<hbm>> -> memref<10000x128xf32, #tpu.memory_space<hbm>>
      tpu.wait_indirect_dma semaphore(%arg12 : memref<!tpu.dma_semaphore, #tpu.memory_space<semaphore_mem>>) src(%dma_wait3A_83 : memref<10000x128xf32, #tpu.memory_space<hbm>>) dst(%arg9 : memref<128x128xf32, #tpu.memory_space<vmem>>)
      %dma_start3A_84 = arith.constant 0 : i32
      %dma_start3A_85 = tpu.memref_slice %arg7[%add3A_78, %dma_start3A_84] : memref<64x128xi32, #tpu.memory_space<vmem>> -> memref<1x128xi32, #tpu.memory_space<vmem>>
      %dma_start3A_86 = tpu.memref_squeeze %dma_start3A_85 : memref<1x128xi32, #tpu.memory_space<vmem>> -> memref<128xi32, #tpu.memory_space<vmem>>
      %dma_start3A_87 = arith.constant 0 : i32
      %dma_start3A_88 = arith.constant 0 : i32
      %dma_start3A_89 = tpu.memref_slice %arg2[%dma_start3A_87, %dma_start3A_88] : memref<10000x128xf32, #tpu.memory_space<hbm>> -> memref<10000x128xf32, #tpu.memory_space<hbm>>
      tpu.enqueue_indirect_dma source(%dma_start3A_89 : memref<10000x128xf32, #tpu.memory_space<hbm>>) target(%arg10 : memref<128x128xf32, #tpu.memory_space<vmem>>) offsets(%dma_start3A_86 : memref<128xi32, #tpu.memory_space<vmem>>) semaphore(%arg13 : memref<!tpu.dma_semaphore, #tpu.memory_space<semaphore_mem>>)
      "tpu.region"() ({
        %run_scoped3A_98 = tpu.sem_alloc : memref<!tpu.dma_semaphore, #tpu.memory_space<semaphore_mem>>
        %dma_start3A_99 = arith.constant 0 : i32
        %dma_start3A_100 = tpu.memref_slice %arg8[%mul3A_76, %dma_start3A_99] : memref<64x128xi32, #tpu.memory_space<vmem>> -> memref<1x128xi32, #tpu.memory_space<vmem>>
        %dma_start3A_101 = tpu.memref_squeeze %dma_start3A_100 : memref<1x128xi32, #tpu.memory_space<vmem>> -> memref<128xi32, #tpu.memory_space<vmem>>
        %dma_start3A_102 = arith.constant 0 : i32
        %dma_start3A_103 = arith.constant 0 : i32
        %dma_start3A_104 = tpu.memref_slice %arg11[%dma_start3A_102, %dma_start3A_103] : memref<10240x128xf32, #tpu.memory_space<vmem_shared>> -> memref<10240x128xf32, #tpu.memory_space<vmem_shared>>
        tpu.enqueue_indirect_dma source(%arg9 : memref<128x128xf32, #tpu.memory_space<vmem>>) target(%dma_start3A_104 : memref<10240x128xf32, #tpu.memory_space<vmem_shared>>) offsets(%dma_start3A_101 : memref<128xi32, #tpu.memory_space<vmem>>) semaphore(%run_scoped3A_98 : memref<!tpu.dma_semaphore, #tpu.memory_space<semaphore_mem>>) {add = true}
        %dma_wait3A_105 = arith.constant 0 : i32
        %dma_wait3A_106 = tpu.memref_slice %arg8[%mul3A_76, %dma_wait3A_105] : memref<64x128xi32, #tpu.memory_space<vmem>> -> memref<1x128xi32, #tpu.memory_space<vmem>>
        %dma_wait3A_107 = tpu.memref_squeeze %dma_wait3A_106 : memref<1x128xi32, #tpu.memory_space<vmem>> -> memref<128xi32, #tpu.memory_space<vmem>>
        %dma_wait3A_108 = arith.constant 0 : i32
        %dma_wait3A_109 = arith.constant 0 : i32
        %dma_wait3A_110 = tpu.memref_slice %arg11[%dma_wait3A_108, %dma_wait3A_109] : memref<10240x128xf32, #tpu.memory_space<vmem_shared>> -> memref<10240x128xf32, #tpu.memory_space<vmem_shared>>
        tpu.wait_indirect_dma semaphore(%run_scoped3A_98 : memref<!tpu.dma_semaphore, #tpu.memory_space<semaphore_mem>>) src(%arg9 : memref<128x128xf32, #tpu.memory_space<vmem>>) dst(%dma_wait3A_110 : memref<10240x128xf32, #tpu.memory_space<vmem_shared>>)
        tpu.yield
      }) : () -> ()
      %dma_wait3A_90 = arith.constant 0 : i32
      %dma_wait3A_91 = tpu.memref_slice %arg7[%add3A_78, %dma_wait3A_90] : memref<64x128xi32, #tpu.memory_space<vmem>> -> memref<1x128xi32, #tpu.memory_space<vmem>>
      %dma_wait3A_92 = tpu.memref_squeeze %dma_wait3A_91 : memref<1x128xi32, #tpu.memory_space<vmem>> -> memref<128xi32, #tpu.memory_space<vmem>>
      %dma_wait3A_93 = arith.constant 0 : i32
      %dma_wait3A_94 = arith.constant 0 : i32
      %dma_wait3A_95 = tpu.memref_slice %arg2[%dma_wait3A_93, %dma_wait3A_94] : memref<10000x128xf32, #tpu.memory_space<hbm>> -> memref<10000x128xf32, #tpu.memory_space<hbm>>
      tpu.wait_indirect_dma semaphore(%arg13 : memref<!tpu.dma_semaphore, #tpu.memory_space<semaphore_mem>>) src(%dma_wait3A_95 : memref<10000x128xf32, #tpu.memory_space<hbm>>) dst(%arg10 : memref<128x128xf32, #tpu.memory_space<vmem>>)
      %sub3A = arith.constant 1 : i32
      %sub3A_96 = arith.subi %select_n3A, %sub3A : i32
      %lt3A = arith.cmpi slt, %while3A_74, %sub3A_96 : i32
      %convert_element_type3A = arith.extui %lt3A : i1 to i32
      %cond3A = arith.constant 0 : i32
      %cond3A_97 = arith.cmpi ne, %convert_element_type3A, %cond3A : i32
      scf.if %cond3A_97 {
        %add3A_98 = arith.constant 1 : i32
        %add3A_99 = arith.addi %add3A_78, %add3A_98 : i32
        %dma_start3A_100 = arith.constant 0 : i32
        %dma_start3A_101 = tpu.memref_slice %arg7[%add3A_99, %dma_start3A_100] : memref<64x128xi32, #tpu.memory_space<vmem>> -> memref<1x128xi32, #tpu.memory_space<vmem>>
        %dma_start3A_102 = tpu.memref_squeeze %dma_start3A_101 : memref<1x128xi32, #tpu.memory_space<vmem>> -> memref<128xi32, #tpu.memory_space<vmem>>
        %dma_start3A_103 = arith.constant 0 : i32
        %dma_start3A_104 = arith.constant 0 : i32
        %dma_start3A_105 = tpu.memref_slice %arg2[%dma_start3A_103, %dma_start3A_104] : memref<10000x128xf32, #tpu.memory_space<hbm>> -> memref<10000x128xf32, #tpu.memory_space<hbm>>
        tpu.enqueue_indirect_dma source(%dma_start3A_105 : memref<10000x128xf32, #tpu.memory_space<hbm>>) target(%arg9 : memref<128x128xf32, #tpu.memory_space<vmem>>) offsets(%dma_start3A_102 : memref<128xi32, #tpu.memory_space<vmem>>) semaphore(%arg12 : memref<!tpu.dma_semaphore, #tpu.memory_space<semaphore_mem>>)
      } else {
      }
      "tpu.region"() ({
        %run_scoped3A_98 = tpu.sem_alloc : memref<!tpu.dma_semaphore, #tpu.memory_space<semaphore_mem>>
        %dma_start3A_99 = arith.constant 0 : i32
        %dma_start3A_100 = tpu.memref_slice %arg8[%add3A_78, %dma_start3A_99] : memref<64x128xi32, #tpu.memory_space<vmem>> -> memref<1x128xi32, #tpu.memory_space<vmem>>
        %dma_start3A_101 = tpu.memref_squeeze %dma_start3A_100 : memref<1x128xi32, #tpu.memory_space<vmem>> -> memref<128xi32, #tpu.memory_space<vmem>>
        %dma_start3A_102 = arith.constant 0 : i32
        %dma_start3A_103 = arith.constant 0 : i32
        %dma_start3A_104 = tpu.memref_slice %arg11[%dma_start3A_102, %dma_start3A_103] : memref<10240x128xf32, #tpu.memory_space<vmem_shared>> -> memref<10240x128xf32, #tpu.memory_space<vmem_shared>>
        tpu.enqueue_indirect_dma source(%arg10 : memref<128x128xf32, #tpu.memory_space<vmem>>) target(%dma_start3A_104 : memref<10240x128xf32, #tpu.memory_space<vmem_shared>>) offsets(%dma_start3A_101 : memref<128xi32, #tpu.memory_space<vmem>>) semaphore(%run_scoped3A_98 : memref<!tpu.dma_semaphore, #tpu.memory_space<semaphore_mem>>) {add = true}
        %dma_wait3A_105 = arith.constant 0 : i32
        %dma_wait3A_106 = tpu.memref_slice %arg8[%add3A_78, %dma_wait3A_105] : memref<64x128xi32, #tpu.memory_space<vmem>> -> memref<1x128xi32, #tpu.memory_space<vmem>>
        %dma_wait3A_107 = tpu.memref_squeeze %dma_wait3A_106 : memref<1x128xi32, #tpu.memory_space<vmem>> -> memref<128xi32, #tpu.memory_space<vmem>>
        %dma_wait3A_108 = arith.constant 0 : i32
        %dma_wait3A_109 = arith.constant 0 : i32
        %dma_wait3A_110 = tpu.memref_slice %arg11[%dma_wait3A_108, %dma_wait3A_109] : memref<10240x128xf32, #tpu.memory_space<vmem_shared>> -> memref<10240x128xf32, #tpu.memory_space<vmem_shared>>
        tpu.wait_indirect_dma semaphore(%run_scoped3A_98 : memref<!tpu.dma_semaphore, #tpu.memory_space<semaphore_mem>>) src(%arg10 : memref<128x128xf32, #tpu.memory_space<vmem>>) dst(%dma_wait3A_110 : memref<10240x128xf32, #tpu.memory_space<vmem_shared>>)
        tpu.yield
      }) : () -> ()
    }
    %barrier3A_35 = arith.constant 0 : index
    tpu.barrier barrier_id(%barrier3A_35)
    %run_scoped3A = arith.constant 0 : i32
    "tpu.region"() ({
      %run_scoped3A_74 = tpu.sem_alloc : memref<!tpu.dma_semaphore, #tpu.memory_space<semaphore_mem>>
      %dma_start3A_75 = arith.constant 0 : i32
      %dma_start3A_76 = arith.constant 0 : i32
      %dma_start3A_77 = tpu.memref_slice %arg6[%run_scoped3A, %arg0, %dma_start3A_75, %dma_start3A_76] : memref<2x2x10240x128xf32, #tpu.memory_space<hbm>> -> memref<1x1x10240x128xf32, #tpu.memory_space<hbm>>
      %dma_start3A_78 = tpu.memref_squeeze %dma_start3A_77 : memref<1x1x10240x128xf32, #tpu.memory_space<hbm>> -> memref<10240x128xf32, #tpu.memory_space<hbm>>
      %dma_start3A_79 = arith.constant 0 : i32
      %dma_start3A_80 = tpu.memref_slice %dma_start3A_78[%mul3A_9, %dma_start3A_79] : memref<10240x128xf32, #tpu.memory_space<hbm>> -> memref<640x128xf32, #tpu.memory_space<hbm>>
      %dma_start3A_81 = arith.constant 0 : i32
      %dma_start3A_82 = tpu.memref_slice %arg11[%mul3A_9, %dma_start3A_81] : memref<10240x128xf32, #tpu.memory_space<vmem_shared>> -> memref<640x128xf32, #tpu.memory_space<vmem_shared>>
      tpu.enqueue_dma source(%dma_start3A_82 : memref<640x128xf32, #tpu.memory_space<vmem_shared>>) target(%dma_start3A_80 : memref<640x128xf32, #tpu.memory_space<hbm>>) target_semaphore(%run_scoped3A_74 : memref<!tpu.dma_semaphore, #tpu.memory_space<semaphore_mem>>)
      %dma_wait3A = arith.constant 0 : i32
      %dma_wait3A_83 = arith.constant 0 : i32
      %dma_wait3A_84 = tpu.memref_slice %arg6[%run_scoped3A, %arg0, %dma_wait3A, %dma_wait3A_83] : memref<2x2x10240x128xf32, #tpu.memory_space<hbm>> -> memref<1x1x10240x128xf32, #tpu.memory_space<hbm>>
      %dma_wait3A_85 = tpu.memref_squeeze %dma_wait3A_84 : memref<1x1x10240x128xf32, #tpu.memory_space<hbm>> -> memref<10240x128xf32, #tpu.memory_space<hbm>>
      %dma_wait3A_86 = arith.constant 0 : i32
      %dma_wait3A_87 = tpu.memref_slice %dma_wait3A_85[%mul3A_9, %dma_wait3A_86] : memref<10240x128xf32, #tpu.memory_space<hbm>> -> memref<640x128xf32, #tpu.memory_space<hbm>>
      %dma_wait3A_88 = arith.constant 0 : i32
      %dma_wait3A_89 = tpu.memref_slice %arg11[%mul3A_9, %dma_wait3A_88] : memref<10240x128xf32, #tpu.memory_space<vmem_shared>> -> memref<640x128xf32, #tpu.memory_space<vmem_shared>>
      tpu.wait_dma2 semaphore(%run_scoped3A_74 : memref<!tpu.dma_semaphore, #tpu.memory_space<semaphore_mem>>) src(%dma_wait3A_89 : memref<640x128xf32, #tpu.memory_space<vmem_shared>>) dst(%dma_wait3A_87 : memref<640x128xf32, #tpu.memory_space<hbm>>)
      tpu.yield
    }) : () -> ()
    %scan3A_36 = arith.constant 0 : i32
    %scan3A_37 = arith.constant 0 : i32
    %scan3A_38 = arith.constant 128 : i32
    %scan3A_39 = arith.addi %scan3A_37, %scan3A_38 : i32
    %scan3A_40 = arith.constant 1 : i32
    scf.for %scan3A_74 = %scan3A_37 to %scan3A_39 step %scan3A_40  : i32 {
      %broadcast_in_dim3A = arith.constant 0.000000e+00 : f32
      %broadcast_in_dim3A_75 = vector.broadcast %broadcast_in_dim3A : f32 to vector<16xf32>
      %swap3A = arith.index_cast %scan3A_74 : i32 to index
      %swap3A_76 = arith.constant 0 : index
      %swap3A_77 = tpu.vector_load %arg9[%swap3A, %swap3A_76] {strides = array<i32>} : memref<128x128xf32, #tpu.memory_space<vmem>>, vector<1x16xf32>,
      %swap3A_78 = vector.shape_cast %swap3A_77 : vector<1x16xf32> to vector<16xf32>
      %swap3A_79 = vector.shape_cast %broadcast_in_dim3A_75 : vector<16xf32> to vector<1x16xf32>
      tpu.vector_store %arg9[%swap3A, %swap3A_76], %swap3A_79 {strides = array<i32>} : memref<128x128xf32, #tpu.memory_space<vmem>>, vector<1x16xf32>,
      %broadcast_in_dim3A_80 = arith.constant 0.000000e+00 : f32
      %broadcast_in_dim3A_81 = vector.broadcast %broadcast_in_dim3A_80 : f32 to vector<16xf32>
      %swap3A_82 = arith.index_cast %scan3A_74 : i32 to index
      %swap3A_83 = arith.constant 16 : index
      %swap3A_84 = tpu.vector_load %arg9[%swap3A_82, %swap3A_83] {strides = array<i32>} : memref<128x128xf32, #tpu.memory_space<vmem>>, vector<1x16xf32>,
      %swap3A_85 = vector.shape_cast %swap3A_84 : vector<1x16xf32> to vector<16xf32>
      %swap3A_86 = vector.shape_cast %broadcast_in_dim3A_81 : vector<16xf32> to vector<1x16xf32>
      tpu.vector_store %arg9[%swap3A_82, %swap3A_83], %swap3A_86 {strides = array<i32>} : memref<128x128xf32, #tpu.memory_space<vmem>>, vector<1x16xf32>,
      %broadcast_in_dim3A_87 = arith.constant 0.000000e+00 : f32
      %broadcast_in_dim3A_88 = vector.broadcast %broadcast_in_dim3A_87 : f32 to vector<16xf32>
      %swap3A_89 = arith.index_cast %scan3A_74 : i32 to index
      %swap3A_90 = arith.constant 32 : index
      %swap3A_91 = tpu.vector_load %arg9[%swap3A_89, %swap3A_90] {strides = array<i32>} : memref<128x128xf32, #tpu.memory_space<vmem>>, vector<1x16xf32>,
      %swap3A_92 = vector.shape_cast %swap3A_91 : vector<1x16xf32> to vector<16xf32>
      %swap3A_93 = vector.shape_cast %broadcast_in_dim3A_88 : vector<16xf32> to vector<1x16xf32>
      tpu.vector_store %arg9[%swap3A_89, %swap3A_90], %swap3A_93 {strides = array<i32>} : memref<128x128xf32, #tpu.memory_space<vmem>>, vector<1x16xf32>,
      %broadcast_in_dim3A_94 = arith.constant 0.000000e+00 : f32
      %broadcast_in_dim3A_95 = vector.broadcast %broadcast_in_dim3A_94 : f32 to vector<16xf32>
      %swap3A_96 = arith.index_cast %scan3A_74 : i32 to index
      %swap3A_97 = arith.constant 48 : index
      %swap3A_98 = tpu.vector_load %arg9[%swap3A_96, %swap3A_97] {strides = array<i32>} : memref<128x128xf32, #tpu.memory_space<vmem>>, vector<1x16xf32>,
      %swap3A_99 = vector.shape_cast %swap3A_98 : vector<1x16xf32> to vector<16xf32>
      %swap3A_100 = vector.shape_cast %broadcast_in_dim3A_95 : vector<16xf32> to vector<1x16xf32>
      tpu.vector_store %arg9[%swap3A_96, %swap3A_97], %swap3A_100 {strides = array<i32>} : memref<128x128xf32, #tpu.memory_space<vmem>>, vector<1x16xf32>,
      %broadcast_in_dim3A_101 = arith.constant 0.000000e+00 : f32
      %broadcast_in_dim3A_102 = vector.broadcast %broadcast_in_dim3A_101 : f32 to vector<16xf32>
      %swap3A_103 = arith.index_cast %scan3A_74 : i32 to index
      %swap3A_104 = arith.constant 64 : index
      %swap3A_105 = tpu.vector_load %arg9[%swap3A_103, %swap3A_104] {strides = array<i32>} : memref<128x128xf32, #tpu.memory_space<vmem>>, vector<1x16xf32>,
      %swap3A_106 = vector.shape_cast %swap3A_105 : vector<1x16xf32> to vector<16xf32>
      %swap3A_107 = vector.shape_cast %broadcast_in_dim3A_102 : vector<16xf32> to vector<1x16xf32>
      tpu.vector_store %arg9[%swap3A_103, %swap3A_104], %swap3A_107 {strides = array<i32>} : memref<128x128xf32, #tpu.memory_space<vmem>>, vector<1x16xf32>,
      %broadcast_in_dim3A_108 = arith.constant 0.000000e+00 : f32
      %broadcast_in_dim3A_109 = vector.broadcast %broadcast_in_dim3A_108 : f32 to vector<16xf32>
      %swap3A_110 = arith.index_cast %scan3A_74 : i32 to index
      %swap3A_111 = arith.constant 80 : index
      %swap3A_112 = tpu.vector_load %arg9[%swap3A_110, %swap3A_111] {strides = array<i32>} : memref<128x128xf32, #tpu.memory_space<vmem>>, vector<1x16xf32>,
      %swap3A_113 = vector.shape_cast %swap3A_112 : vector<1x16xf32> to vector<16xf32>
      %swap3A_114 = vector.shape_cast %broadcast_in_dim3A_109 : vector<16xf32> to vector<1x16xf32>
      tpu.vector_store %arg9[%swap3A_110, %swap3A_111], %swap3A_114 {strides = array<i32>} : memref<128x128xf32, #tpu.memory_space<vmem>>, vector<1x16xf32>,
      %broadcast_in_dim3A_115 = arith.constant 0.000000e+00 : f32
      %broadcast_in_dim3A_116 = vector.broadcast %broadcast_in_dim3A_115 : f32 to vector<16xf32>
      %swap3A_117 = arith.index_cast %scan3A_74 : i32 to index
      %swap3A_118 = arith.constant 96 : index
      %swap3A_119 = tpu.vector_load %arg9[%swap3A_117, %swap3A_118] {strides = array<i32>} : memref<128x128xf32, #tpu.memory_space<vmem>>, vector<1x16xf32>,
      %swap3A_120 = vector.shape_cast %swap3A_119 : vector<1x16xf32> to vector<16xf32>
      %swap3A_121 = vector.shape_cast %broadcast_in_dim3A_116 : vector<16xf32> to vector<1x16xf32>
      tpu.vector_store %arg9[%swap3A_117, %swap3A_118], %swap3A_121 {strides = array<i32>} : memref<128x128xf32, #tpu.memory_space<vmem>>, vector<1x16xf32>,
      %broadcast_in_dim3A_122 = arith.constant 0.000000e+00 : f32
      %broadcast_in_dim3A_123 = vector.broadcast %broadcast_in_dim3A_122 : f32 to vector<16xf32>
      %swap3A_124 = arith.index_cast %scan3A_74 : i32 to index
      %swap3A_125 = arith.constant 112 : index
      %swap3A_126 = tpu.vector_load %arg9[%swap3A_124, %swap3A_125] {strides = array<i32>} : memref<128x128xf32, #tpu.memory_space<vmem>>, vector<1x16xf32>,
      %swap3A_127 = vector.shape_cast %swap3A_126 : vector<1x16xf32> to vector<16xf32>
      %swap3A_128 = vector.shape_cast %broadcast_in_dim3A_123 : vector<16xf32> to vector<1x16xf32>
      tpu.vector_store %arg9[%swap3A_124, %swap3A_125], %swap3A_128 {strides = array<i32>} : memref<128x128xf32, #tpu.memory_space<vmem>>, vector<1x16xf32>,
    }
    %scan3A_41 = arith.constant 128 : i32
    %mul3A_42 = arith.constant 640 : i32
    %mul3A_43 = arith.muli %arg1, %mul3A_42 : i32
    %add3A_44 = arith.constant 0 : i32
    %add3A_45 = arith.addi %mul3A_43, %add3A_44 : i32
    "tpu.region"() ({
      %run_scoped3A_74 = tpu.sem_alloc : memref<!tpu.dma_semaphore, #tpu.memory_space<semaphore_mem>>
      %dma_start3A_75 = arith.constant 0 : i32
      %dma_start3A_76 = tpu.memref_slice %arg11[%add3A_45, %dma_start3A_75] : memref<10240x128xf32, #tpu.memory_space<vmem_shared>> -> memref<128x128xf32, #tpu.memory_space<vmem_shared>>
      %dma_start3A_77 = arith.constant 0 : i32
      %dma_start3A_78 = tpu.memref_slice %arg11[%add3A_45, %dma_start3A_77] : memref<10240x128xf32, #tpu.memory_space<vmem_shared>> -> memref<128x128xf32, #tpu.memory_space<vmem_shared>>
      tpu.enqueue_dma source(%arg9 : memref<128x128xf32, #tpu.memory_space<vmem>>) target(%dma_start3A_78 : memref<128x128xf32, #tpu.memory_space<vmem_shared>>) target_semaphore(%run_scoped3A_74 : memref<!tpu.dma_semaphore, #tpu.memory_space<semaphore_mem>>)
      %dma_wait3A = arith.constant 0 : i32
      %dma_wait3A_79 = tpu.memref_slice %arg11[%add3A_45, %dma_wait3A] : memref<10240x128xf32, #tpu.memory_space<vmem_shared>> -> memref<128x128xf32, #tpu.memory_space<vmem_shared>>
      %dma_wait3A_80 = arith.constant 0 : i32
      %dma_wait3A_81 = tpu.memref_slice %arg11[%add3A_45, %dma_wait3A_80] : memref<10240x128xf32, #tpu.memory_space<vmem_shared>> -> memref<128x128xf32, #tpu.memory_space<vmem_shared>>
      tpu.wait_dma2 semaphore(%run_scoped3A_74 : memref<!tpu.dma_semaphore, #tpu.memory_space<semaphore_mem>>) src(%arg9 : memref<128x128xf32, #tpu.memory_space<vmem>>) dst(%dma_wait3A_81 : memref<128x128xf32, #tpu.memory_space<vmem_shared>>)
      tpu.yield
    }) : () -> ()
    %add3A_46 = arith.constant 128 : i32
    %add3A_47 = arith.addi %mul3A_43, %add3A_46 : i32
    "tpu.region"() ({
      %run_scoped3A_74 = tpu.sem_alloc : memref<!tpu.dma_semaphore, #tpu.memory_space<semaphore_mem>>
      %dma_start3A_75 = arith.constant 0 : i32
      %dma_start3A_76 = tpu.memref_slice %arg11[%add3A_47, %dma_start3A_75] : memref<10240x128xf32, #tpu.memory_space<vmem_shared>> -> memref<128x128xf32, #tpu.memory_space<vmem_shared>>
      %dma_start3A_77 = arith.constant 0 : i32
      %dma_start3A_78 = tpu.memref_slice %arg11[%add3A_47, %dma_start3A_77] : memref<10240x128xf32, #tpu.memory_space<vmem_shared>> -> memref<128x128xf32, #tpu.memory_space<vmem_shared>>
      tpu.enqueue_dma source(%arg9 : memref<128x128xf32, #tpu.memory_space<vmem>>) target(%dma_start3A_78 : memref<128x128xf32, #tpu.memory_space<vmem_shared>>) target_semaphore(%run_scoped3A_74 : memref<!tpu.dma_semaphore, #tpu.memory_space<semaphore_mem>>)
      %dma_wait3A = arith.constant 0 : i32
      %dma_wait3A_79 = tpu.memref_slice %arg11[%add3A_47, %dma_wait3A] : memref<10240x128xf32, #tpu.memory_space<vmem_shared>> -> memref<128x128xf32, #tpu.memory_space<vmem_shared>>
      %dma_wait3A_80 = arith.constant 0 : i32
      %dma_wait3A_81 = tpu.memref_slice %arg11[%add3A_47, %dma_wait3A_80] : memref<10240x128xf32, #tpu.memory_space<vmem_shared>> -> memref<128x128xf32, #tpu.memory_space<vmem_shared>>
      tpu.wait_dma2 semaphore(%run_scoped3A_74 : memref<!tpu.dma_semaphore, #tpu.memory_space<semaphore_mem>>) src(%arg9 : memref<128x128xf32, #tpu.memory_space<vmem>>) dst(%dma_wait3A_81 : memref<128x128xf32, #tpu.memory_space<vmem_shared>>)
      tpu.yield
    }) : () -> ()
    %add3A_48 = arith.constant 256 : i32
    %add3A_49 = arith.addi %mul3A_43, %add3A_48 : i32
    "tpu.region"() ({
      %run_scoped3A_74 = tpu.sem_alloc : memref<!tpu.dma_semaphore, #tpu.memory_space<semaphore_mem>>
      %dma_start3A_75 = arith.constant 0 : i32
      %dma_start3A_76 = tpu.memref_slice %arg11[%add3A_49, %dma_start3A_75] : memref<10240x128xf32, #tpu.memory_space<vmem_shared>> -> memref<128x128xf32, #tpu.memory_space<vmem_shared>>
      %dma_start3A_77 = arith.constant 0 : i32
      %dma_start3A_78 = tpu.memref_slice %arg11[%add3A_49, %dma_start3A_77] : memref<10240x128xf32, #tpu.memory_space<vmem_shared>> -> memref<128x128xf32, #tpu.memory_space<vmem_shared>>
      tpu.enqueue_dma source(%arg9 : memref<128x128xf32, #tpu.memory_space<vmem>>) target(%dma_start3A_78 : memref<128x128xf32, #tpu.memory_space<vmem_shared>>) target_semaphore(%run_scoped3A_74 : memref<!tpu.dma_semaphore, #tpu.memory_space<semaphore_mem>>)
      %dma_wait3A = arith.constant 0 : i32
      %dma_wait3A_79 = tpu.memref_slice %arg11[%add3A_49, %dma_wait3A] : memref<10240x128xf32, #tpu.memory_space<vmem_shared>> -> memref<128x128xf32, #tpu.memory_space<vmem_shared>>
      %dma_wait3A_80 = arith.constant 0 : i32
      %dma_wait3A_81 = tpu.memref_slice %arg11[%add3A_49, %dma_wait3A_80] : memref<10240x128xf32, #tpu.memory_space<vmem_shared>> -> memref<128x128xf32, #tpu.memory_space<vmem_shared>>
      tpu.wait_dma2 semaphore(%run_scoped3A_74 : memref<!tpu.dma_semaphore, #tpu.memory_space<semaphore_mem>>) src(%arg9 : memref<128x128xf32, #tpu.memory_space<vmem>>) dst(%dma_wait3A_81 : memref<128x128xf32, #tpu.memory_space<vmem_shared>>)
      tpu.yield
    }) : () -> ()
    %add3A_50 = arith.constant 384 : i32
    %add3A_51 = arith.addi %mul3A_43, %add3A_50 : i32
    "tpu.region"() ({
      %run_scoped3A_74 = tpu.sem_alloc : memref<!tpu.dma_semaphore, #tpu.memory_space<semaphore_mem>>
      %dma_start3A_75 = arith.constant 0 : i32
      %dma_start3A_76 = tpu.memref_slice %arg11[%add3A_51, %dma_start3A_75] : memref<10240x128xf32, #tpu.memory_space<vmem_shared>> -> memref<128x128xf32, #tpu.memory_space<vmem_shared>>
      %dma_start3A_77 = arith.constant 0 : i32
      %dma_start3A_78 = tpu.memref_slice %arg11[%add3A_51, %dma_start3A_77] : memref<10240x128xf32, #tpu.memory_space<vmem_shared>> -> memref<128x128xf32, #tpu.memory_space<vmem_shared>>
      tpu.enqueue_dma source(%arg9 : memref<128x128xf32, #tpu.memory_space<vmem>>) target(%dma_start3A_78 : memref<128x128xf32, #tpu.memory_space<vmem_shared>>) target_semaphore(%run_scoped3A_74 : memref<!tpu.dma_semaphore, #tpu.memory_space<semaphore_mem>>)
      %dma_wait3A = arith.constant 0 : i32
      %dma_wait3A_79 = tpu.memref_slice %arg11[%add3A_51, %dma_wait3A] : memref<10240x128xf32, #tpu.memory_space<vmem_shared>> -> memref<128x128xf32, #tpu.memory_space<vmem_shared>>
      %dma_wait3A_80 = arith.constant 0 : i32
      %dma_wait3A_81 = tpu.memref_slice %arg11[%add3A_51, %dma_wait3A_80] : memref<10240x128xf32, #tpu.memory_space<vmem_shared>> -> memref<128x128xf32, #tpu.memory_space<vmem_shared>>
      tpu.wait_dma2 semaphore(%run_scoped3A_74 : memref<!tpu.dma_semaphore, #tpu.memory_space<semaphore_mem>>) src(%arg9 : memref<128x128xf32, #tpu.memory_space<vmem>>) dst(%dma_wait3A_81 : memref<128x128xf32, #tpu.memory_space<vmem_shared>>)
      tpu.yield
    }) : () -> ()
    %add3A_52 = arith.constant 512 : i32
    %add3A_53 = arith.addi %mul3A_43, %add3A_52 : i32
    "tpu.region"() ({
      %run_scoped3A_74 = tpu.sem_alloc : memref<!tpu.dma_semaphore, #tpu.memory_space<semaphore_mem>>
      %dma_start3A_75 = arith.constant 0 : i32
      %dma_start3A_76 = tpu.memref_slice %arg11[%add3A_53, %dma_start3A_75] : memref<10240x128xf32, #tpu.memory_space<vmem_shared>> -> memref<128x128xf32, #tpu.memory_space<vmem_shared>>
      %dma_start3A_77 = arith.constant 0 : i32
      %dma_start3A_78 = tpu.memref_slice %arg11[%add3A_53, %dma_start3A_77] : memref<10240x128xf32, #tpu.memory_space<vmem_shared>> -> memref<128x128xf32, #tpu.memory_space<vmem_shared>>
      tpu.enqueue_dma source(%arg9 : memref<128x128xf32, #tpu.memory_space<vmem>>) target(%dma_start3A_78 : memref<128x128xf32, #tpu.memory_space<vmem_shared>>) target_semaphore(%run_scoped3A_74 : memref<!tpu.dma_semaphore, #tpu.memory_space<semaphore_mem>>)
      %dma_wait3A = arith.constant 0 : i32
      %dma_wait3A_79 = tpu.memref_slice %arg11[%add3A_53, %dma_wait3A] : memref<10240x128xf32, #tpu.memory_space<vmem_shared>> -> memref<128x128xf32, #tpu.memory_space<vmem_shared>>
      %dma_wait3A_80 = arith.constant 0 : i32
      %dma_wait3A_81 = tpu.memref_slice %arg11[%add3A_53, %dma_wait3A_80] : memref<10240x128xf32, #tpu.memory_space<vmem_shared>> -> memref<128x128xf32, #tpu.memory_space<vmem_shared>>
      tpu.wait_dma2 semaphore(%run_scoped3A_74 : memref<!tpu.dma_semaphore, #tpu.memory_space<semaphore_mem>>) src(%arg9 : memref<128x128xf32, #tpu.memory_space<vmem>>) dst(%dma_wait3A_81 : memref<128x128xf32, #tpu.memory_space<vmem_shared>>)
      tpu.yield
    }) : () -> ()
    %barrier3A_54 = arith.constant 0 : index
    tpu.barrier barrier_id(%barrier3A_54)
    %dma_start3A_55 = arith.constant 0 : i32
    %dma_start3A_56 = arith.constant 0 : i32
    %dma_start3A_57 = tpu.memref_slice %arg7[%dma_start3A_55, %dma_start3A_56] : memref<64x128xi32, #tpu.memory_space<vmem>> -> memref<1x128xi32, #tpu.memory_space<vmem>>
    %dma_start3A_58 = tpu.memref_squeeze %dma_start3A_57 : memref<1x128xi32, #tpu.memory_space<vmem>> -> memref<128xi32, #tpu.memory_space<vmem>>
    %dma_start3A_59 = arith.constant 0 : i32
    %dma_start3A_60 = arith.constant 0 : i32
    %dma_start3A_61 = tpu.memref_slice %arg3[%dma_start3A_59, %dma_start3A_60] : memref<10000x128xf32, #tpu.memory_space<hbm>> -> memref<10000x128xf32, #tpu.memory_space<hbm>>
    tpu.enqueue_indirect_dma source(%dma_start3A_61 : memref<10000x128xf32, #tpu.memory_space<hbm>>) target(%arg9 : memref<128x128xf32, #tpu.memory_space<vmem>>) offsets(%dma_start3A_58 : memref<128xi32, #tpu.memory_space<vmem>>) semaphore(%arg12 : memref<!tpu.dma_semaphore, #tpu.memory_space<semaphore_mem>>)
    %while3A_62 = arith.constant 0 : i32
    %while3A_63 = arith.constant 0 : i32
    %while3A_64 = arith.subi %select_n3A, %while3A_63 : i32
    %while3A_65 = arith.addi %while3A_63, %while3A_64 : i32
    %while3A_66 = arith.constant 1 : i32
    %while3A_67 = arith.divsi %while3A_64, %while3A_66 : i32
    %while3A_68 = arith.muli %while3A_67, %while3A_66 : i32
    %while3A_69 = arith.addi %while3A_63, %while3A_68 : i32
    %while3A_70 = arith.constant 1 : i32
    scf.for %while3A_74 = %while3A_63 to %while3A_69 step %while3A_70  : i32 {
      %mul3A_75 = arith.constant 2 : i32
      %mul3A_76 = arith.muli %while3A_74, %mul3A_75 : i32
      %add3A_77 = arith.constant 1 : i32
      %add3A_78 = arith.addi %mul3A_76, %add3A_77 : i32
      %dma_wait3A = arith.constant 0 : i32
      %dma_wait3A_79 = tpu.memref_slice %arg7[%mul3A_76, %dma_wait3A] : memref<64x128xi32, #tpu.memory_space<vmem>> -> memref<1x128xi32, #tpu.memory_space<vmem>>
      %dma_wait3A_80 = tpu.memref_squeeze %dma_wait3A_79 : memref<1x128xi32, #tpu.memory_space<vmem>> -> memref<128xi32, #tpu.memory_space<vmem>>
      %dma_wait3A_81 = arith.constant 0 : i32
      %dma_wait3A_82 = arith.constant 0 : i32
      %dma_wait3A_83 = tpu.memref_slice %arg3[%dma_wait3A_81, %dma_wait3A_82] : memref<10000x128xf32, #tpu.memory_space<hbm>> -> memref<10000x128xf32, #tpu.memory_space<hbm>>
      tpu.wait_indirect_dma semaphore(%arg12 : memref<!tpu.dma_semaphore, #tpu.memory_space<semaphore_mem>>) src(%dma_wait3A_83 : memref<10000x128xf32, #tpu.memory_space<hbm>>) dst(%arg9 : memref<128x128xf32, #tpu.memory_space<vmem>>)
      %dma_start3A_84 = arith.constant 0 : i32
      %dma_start3A_85 = tpu.memref_slice %arg7[%add3A_78, %dma_start3A_84] : memref<64x128xi32, #tpu.memory_space<vmem>> -> memref<1x128xi32, #tpu.memory_space<vmem>>
      %dma_start3A_86 = tpu.memref_squeeze %dma_start3A_85 : memref<1x128xi32, #tpu.memory_space<vmem>> -> memref<128xi32, #tpu.memory_space<vmem>>
      %dma_start3A_87 = arith.constant 0 : i32
      %dma_start3A_88 = arith.constant 0 : i32
      %dma_start3A_89 = tpu.memref_slice %arg3[%dma_start3A_87, %dma_start3A_88] : memref<10000x128xf32, #tpu.memory_space<hbm>> -> memref<10000x128xf32, #tpu.memory_space<hbm>>
      tpu.enqueue_indirect_dma source(%dma_start3A_89 : memref<10000x128xf32, #tpu.memory_space<hbm>>) target(%arg10 : memref<128x128xf32, #tpu.memory_space<vmem>>) offsets(%dma_start3A_86 : memref<128xi32, #tpu.memory_space<vmem>>) semaphore(%arg13 : memref<!tpu.dma_semaphore, #tpu.memory_space<semaphore_mem>>)
      "tpu.region"() ({
        %run_scoped3A_98 = tpu.sem_alloc : memref<!tpu.dma_semaphore, #tpu.memory_space<semaphore_mem>>
        %dma_start3A_99 = arith.constant 0 : i32
        %dma_start3A_100 = tpu.memref_slice %arg8[%mul3A_76, %dma_start3A_99] : memref<64x128xi32, #tpu.memory_space<vmem>> -> memref<1x128xi32, #tpu.memory_space<vmem>>
        %dma_start3A_101 = tpu.memref_squeeze %dma_start3A_100 : memref<1x128xi32, #tpu.memory_space<vmem>> -> memref<128xi32, #tpu.memory_space<vmem>>
        %dma_start3A_102 = arith.constant 0 : i32
        %dma_start3A_103 = arith.constant 0 : i32
        %dma_start3A_104 = tpu.memref_slice %arg11[%dma_start3A_102, %dma_start3A_103] : memref<10240x128xf32, #tpu.memory_space<vmem_shared>> -> memref<10240x128xf32, #tpu.memory_space<vmem_shared>>
        tpu.enqueue_indirect_dma source(%arg9 : memref<128x128xf32, #tpu.memory_space<vmem>>) target(%dma_start3A_104 : memref<10240x128xf32, #tpu.memory_space<vmem_shared>>) offsets(%dma_start3A_101 : memref<128xi32, #tpu.memory_space<vmem>>) semaphore(%run_scoped3A_98 : memref<!tpu.dma_semaphore, #tpu.memory_space<semaphore_mem>>) {add = true}
        %dma_wait3A_105 = arith.constant 0 : i32
        %dma_wait3A_106 = tpu.memref_slice %arg8[%mul3A_76, %dma_wait3A_105] : memref<64x128xi32, #tpu.memory_space<vmem>> -> memref<1x128xi32, #tpu.memory_space<vmem>>
        %dma_wait3A_107 = tpu.memref_squeeze %dma_wait3A_106 : memref<1x128xi32, #tpu.memory_space<vmem>> -> memref<128xi32, #tpu.memory_space<vmem>>
        %dma_wait3A_108 = arith.constant 0 : i32
        %dma_wait3A_109 = arith.constant 0 : i32
        %dma_wait3A_110 = tpu.memref_slice %arg11[%dma_wait3A_108, %dma_wait3A_109] : memref<10240x128xf32, #tpu.memory_space<vmem_shared>> -> memref<10240x128xf32, #tpu.memory_space<vmem_shared>>
        tpu.wait_indirect_dma semaphore(%run_scoped3A_98 : memref<!tpu.dma_semaphore, #tpu.memory_space<semaphore_mem>>) src(%arg9 : memref<128x128xf32, #tpu.memory_space<vmem>>) dst(%dma_wait3A_110 : memref<10240x128xf32, #tpu.memory_space<vmem_shared>>)
        tpu.yield
      }) : () -> ()
      %dma_wait3A_90 = arith.constant 0 : i32
      %dma_wait3A_91 = tpu.memref_slice %arg7[%add3A_78, %dma_wait3A_90] : memref<64x128xi32, #tpu.memory_space<vmem>> -> memref<1x128xi32, #tpu.memory_space<vmem>>
      %dma_wait3A_92 = tpu.memref_squeeze %dma_wait3A_91 : memref<1x128xi32, #tpu.memory_space<vmem>> -> memref<128xi32, #tpu.memory_space<vmem>>
      %dma_wait3A_93 = arith.constant 0 : i32
      %dma_wait3A_94 = arith.constant 0 : i32
      %dma_wait3A_95 = tpu.memref_slice %arg3[%dma_wait3A_93, %dma_wait3A_94] : memref<10000x128xf32, #tpu.memory_space<hbm>> -> memref<10000x128xf32, #tpu.memory_space<hbm>>
      tpu.wait_indirect_dma semaphore(%arg13 : memref<!tpu.dma_semaphore, #tpu.memory_space<semaphore_mem>>) src(%dma_wait3A_95 : memref<10000x128xf32, #tpu.memory_space<hbm>>) dst(%arg10 : memref<128x128xf32, #tpu.memory_space<vmem>>)
      %sub3A = arith.constant 1 : i32
      %sub3A_96 = arith.subi %select_n3A, %sub3A : i32
      %lt3A = arith.cmpi slt, %while3A_74, %sub3A_96 : i32
      %convert_element_type3A = arith.extui %lt3A : i1 to i32
      %cond3A = arith.constant 0 : i32
      %cond3A_97 = arith.cmpi ne, %convert_element_type3A, %cond3A : i32
      scf.if %cond3A_97 {
        %add3A_98 = arith.constant 1 : i32
        %add3A_99 = arith.addi %add3A_78, %add3A_98 : i32
        %dma_start3A_100 = arith.constant 0 : i32
        %dma_start3A_101 = tpu.memref_slice %arg7[%add3A_99, %dma_start3A_100] : memref<64x128xi32, #tpu.memory_space<vmem>> -> memref<1x128xi32, #tpu.memory_space<vmem>>
        %dma_start3A_102 = tpu.memref_squeeze %dma_start3A_101 : memref<1x128xi32, #tpu.memory_space<vmem>> -> memref<128xi32, #tpu.memory_space<vmem>>
        %dma_start3A_103 = arith.constant 0 : i32
        %dma_start3A_104 = arith.constant 0 : i32
        %dma_start3A_105 = tpu.memref_slice %arg3[%dma_start3A_103, %dma_start3A_104] : memref<10000x128xf32, #tpu.memory_space<hbm>> -> memref<10000x128xf32, #tpu.memory_space<hbm>>
        tpu.enqueue_indirect_dma source(%dma_start3A_105 : memref<10000x128xf32, #tpu.memory_space<hbm>>) target(%arg9 : memref<128x128xf32, #tpu.memory_space<vmem>>) offsets(%dma_start3A_102 : memref<128xi32, #tpu.memory_space<vmem>>) semaphore(%arg12 : memref<!tpu.dma_semaphore, #tpu.memory_space<semaphore_mem>>)
      } else {
      }
      "tpu.region"() ({
        %run_scoped3A_98 = tpu.sem_alloc : memref<!tpu.dma_semaphore, #tpu.memory_space<semaphore_mem>>
        %dma_start3A_99 = arith.constant 0 : i32
        %dma_start3A_100 = tpu.memref_slice %arg8[%add3A_78, %dma_start3A_99] : memref<64x128xi32, #tpu.memory_space<vmem>> -> memref<1x128xi32, #tpu.memory_space<vmem>>
        %dma_start3A_101 = tpu.memref_squeeze %dma_start3A_100 : memref<1x128xi32, #tpu.memory_space<vmem>> -> memref<128xi32, #tpu.memory_space<vmem>>
        %dma_start3A_102 = arith.constant 0 : i32
        %dma_start3A_103 = arith.constant 0 : i32
        %dma_start3A_104 = tpu.memref_slice %arg11[%dma_start3A_102, %dma_start3A_103] : memref<10240x128xf32, #tpu.memory_space<vmem_shared>> -> memref<10240x128xf32, #tpu.memory_space<vmem_shared>>
        tpu.enqueue_indirect_dma source(%arg10 : memref<128x128xf32, #tpu.memory_space<vmem>>) target(%dma_start3A_104 : memref<10240x128xf32, #tpu.memory_space<vmem_shared>>) offsets(%dma_start3A_101 : memref<128xi32, #tpu.memory_space<vmem>>) semaphore(%run_scoped3A_98 : memref<!tpu.dma_semaphore, #tpu.memory_space<semaphore_mem>>) {add = true}
        %dma_wait3A_105 = arith.constant 0 : i32
        %dma_wait3A_106 = tpu.memref_slice %arg8[%add3A_78, %dma_wait3A_105] : memref<64x128xi32, #tpu.memory_space<vmem>> -> memref<1x128xi32, #tpu.memory_space<vmem>>
        %dma_wait3A_107 = tpu.memref_squeeze %dma_wait3A_106 : memref<1x128xi32, #tpu.memory_space<vmem>> -> memref<128xi32, #tpu.memory_space<vmem>>
        %dma_wait3A_108 = arith.constant 0 : i32
        %dma_wait3A_109 = arith.constant 0 : i32
        %dma_wait3A_110 = tpu.memref_slice %arg11[%dma_wait3A_108, %dma_wait3A_109] : memref<10240x128xf32, #tpu.memory_space<vmem_shared>> -> memref<10240x128xf32, #tpu.memory_space<vmem_shared>>
        tpu.wait_indirect_dma semaphore(%run_scoped3A_98 : memref<!tpu.dma_semaphore, #tpu.memory_space<semaphore_mem>>) src(%arg10 : memref<128x128xf32, #tpu.memory_space<vmem>>) dst(%dma_wait3A_110 : memref<10240x128xf32, #tpu.memory_space<vmem_shared>>)
        tpu.yield
      }) : () -> ()
    }
    %while3A_71 = arith.constant 1 : i32
    scf.for %while3A_74 = %while3A_69 to %while3A_65 step %while3A_71  : i32 {
      %mul3A_75 = arith.constant 2 : i32
      %mul3A_76 = arith.muli %while3A_74, %mul3A_75 : i32
      %add3A_77 = arith.constant 1 : i32
      %add3A_78 = arith.addi %mul3A_76, %add3A_77 : i32
      %dma_wait3A = arith.constant 0 : i32
      %dma_wait3A_79 = tpu.memref_slice %arg7[%mul3A_76, %dma_wait3A] : memref<64x128xi32, #tpu.memory_space<vmem>> -> memref<1x128xi32, #tpu.memory_space<vmem>>
      %dma_wait3A_80 = tpu.memref_squeeze %dma_wait3A_79 : memref<1x128xi32, #tpu.memory_space<vmem>> -> memref<128xi32, #tpu.memory_space<vmem>>
      %dma_wait3A_81 = arith.constant 0 : i32
      %dma_wait3A_82 = arith.constant 0 : i32
      %dma_wait3A_83 = tpu.memref_slice %arg3[%dma_wait3A_81, %dma_wait3A_82] : memref<10000x128xf32, #tpu.memory_space<hbm>> -> memref<10000x128xf32, #tpu.memory_space<hbm>>
      tpu.wait_indirect_dma semaphore(%arg12 : memref<!tpu.dma_semaphore, #tpu.memory_space<semaphore_mem>>) src(%dma_wait3A_83 : memref<10000x128xf32, #tpu.memory_space<hbm>>) dst(%arg9 : memref<128x128xf32, #tpu.memory_space<vmem>>)
      %dma_start3A_84 = arith.constant 0 : i32
      %dma_start3A_85 = tpu.memref_slice %arg7[%add3A_78, %dma_start3A_84] : memref<64x128xi32, #tpu.memory_space<vmem>> -> memref<1x128xi32, #tpu.memory_space<vmem>>
      %dma_start3A_86 = tpu.memref_squeeze %dma_start3A_85 : memref<1x128xi32, #tpu.memory_space<vmem>> -> memref<128xi32, #tpu.memory_space<vmem>>
      %dma_start3A_87 = arith.constant 0 : i32
      %dma_start3A_88 = arith.constant 0 : i32
      %dma_start3A_89 = tpu.memref_slice %arg3[%dma_start3A_87, %dma_start3A_88] : memref<10000x128xf32, #tpu.memory_space<hbm>> -> memref<10000x128xf32, #tpu.memory_space<hbm>>
      tpu.enqueue_indirect_dma source(%dma_start3A_89 : memref<10000x128xf32, #tpu.memory_space<hbm>>) target(%arg10 : memref<128x128xf32, #tpu.memory_space<vmem>>) offsets(%dma_start3A_86 : memref<128xi32, #tpu.memory_space<vmem>>) semaphore(%arg13 : memref<!tpu.dma_semaphore, #tpu.memory_space<semaphore_mem>>)
      "tpu.region"() ({
        %run_scoped3A_98 = tpu.sem_alloc : memref<!tpu.dma_semaphore, #tpu.memory_space<semaphore_mem>>
        %dma_start3A_99 = arith.constant 0 : i32
        %dma_start3A_100 = tpu.memref_slice %arg8[%mul3A_76, %dma_start3A_99] : memref<64x128xi32, #tpu.memory_space<vmem>> -> memref<1x128xi32, #tpu.memory_space<vmem>>
        %dma_start3A_101 = tpu.memref_squeeze %dma_start3A_100 : memref<1x128xi32, #tpu.memory_space<vmem>> -> memref<128xi32, #tpu.memory_space<vmem>>
        %dma_start3A_102 = arith.constant 0 : i32
        %dma_start3A_103 = arith.constant 0 : i32
        %dma_start3A_104 = tpu.memref_slice %arg11[%dma_start3A_102, %dma_start3A_103] : memref<10240x128xf32, #tpu.memory_space<vmem_shared>> -> memref<10240x128xf32, #tpu.memory_space<vmem_shared>>
        tpu.enqueue_indirect_dma source(%arg9 : memref<128x128xf32, #tpu.memory_space<vmem>>) target(%dma_start3A_104 : memref<10240x128xf32, #tpu.memory_space<vmem_shared>>) offsets(%dma_start3A_101 : memref<128xi32, #tpu.memory_space<vmem>>) semaphore(%run_scoped3A_98 : memref<!tpu.dma_semaphore, #tpu.memory_space<semaphore_mem>>) {add = true}
        %dma_wait3A_105 = arith.constant 0 : i32
        %dma_wait3A_106 = tpu.memref_slice %arg8[%mul3A_76, %dma_wait3A_105] : memref<64x128xi32, #tpu.memory_space<vmem>> -> memref<1x128xi32, #tpu.memory_space<vmem>>
        %dma_wait3A_107 = tpu.memref_squeeze %dma_wait3A_106 : memref<1x128xi32, #tpu.memory_space<vmem>> -> memref<128xi32, #tpu.memory_space<vmem>>
        %dma_wait3A_108 = arith.constant 0 : i32
        %dma_wait3A_109 = arith.constant 0 : i32
        %dma_wait3A_110 = tpu.memref_slice %arg11[%dma_wait3A_108, %dma_wait3A_109] : memref<10240x128xf32, #tpu.memory_space<vmem_shared>> -> memref<10240x128xf32, #tpu.memory_space<vmem_shared>>
        tpu.wait_indirect_dma semaphore(%run_scoped3A_98 : memref<!tpu.dma_semaphore, #tpu.memory_space<semaphore_mem>>) src(%arg9 : memref<128x128xf32, #tpu.memory_space<vmem>>) dst(%dma_wait3A_110 : memref<10240x128xf32, #tpu.memory_space<vmem_shared>>)
        tpu.yield
      }) : () -> ()
      %dma_wait3A_90 = arith.constant 0 : i32
      %dma_wait3A_91 = tpu.memref_slice %arg7[%add3A_78, %dma_wait3A_90] : memref<64x128xi32, #tpu.memory_space<vmem>> -> memref<1x128xi32, #tpu.memory_space<vmem>>
      %dma_wait3A_92 = tpu.memref_squeeze %dma_wait3A_91 : memref<1x128xi32, #tpu.memory_space<vmem>> -> memref<128xi32, #tpu.memory_space<vmem>>
      %dma_wait3A_93 = arith.constant 0 : i32
      %dma_wait3A_94 = arith.constant 0 : i32
      %dma_wait3A_95 = tpu.memref_slice %arg3[%dma_wait3A_93, %dma_wait3A_94] : memref<10000x128xf32, #tpu.memory_space<hbm>> -> memref<10000x128xf32, #tpu.memory_space<hbm>>
      tpu.wait_indirect_dma semaphore(%arg13 : memref<!tpu.dma_semaphore, #tpu.memory_space<semaphore_mem>>) src(%dma_wait3A_95 : memref<10000x128xf32, #tpu.memory_space<hbm>>) dst(%arg10 : memref<128x128xf32, #tpu.memory_space<vmem>>)
      %sub3A = arith.constant 1 : i32
      %sub3A_96 = arith.subi %select_n3A, %sub3A : i32
      %lt3A = arith.cmpi slt, %while3A_74, %sub3A_96 : i32
      %convert_element_type3A = arith.extui %lt3A : i1 to i32
      %cond3A = arith.constant 0 : i32
      %cond3A_97 = arith.cmpi ne, %convert_element_type3A, %cond3A : i32
      scf.if %cond3A_97 {
        %add3A_98 = arith.constant 1 : i32
        %add3A_99 = arith.addi %add3A_78, %add3A_98 : i32
        %dma_start3A_100 = arith.constant 0 : i32
        %dma_start3A_101 = tpu.memref_slice %arg7[%add3A_99, %dma_start3A_100] : memref<64x128xi32, #tpu.memory_space<vmem>> -> memref<1x128xi32, #tpu.memory_space<vmem>>
        %dma_start3A_102 = tpu.memref_squeeze %dma_start3A_101 : memref<1x128xi32, #tpu.memory_space<vmem>> -> memref<128xi32, #tpu.memory_space<vmem>>
        %dma_start3A_103 = arith.constant 0 : i32
        %dma_start3A_104 = arith.constant 0 : i32
        %dma_start3A_105 = tpu.memref_slice %arg3[%dma_start3A_103, %dma_start3A_104] : memref<10000x128xf32, #tpu.memory_space<hbm>> -> memref<10000x128xf32, #tpu.memory_space<hbm>>
        tpu.enqueue_indirect_dma source(%dma_start3A_105 : memref<10000x128xf32, #tpu.memory_space<hbm>>) target(%arg9 : memref<128x128xf32, #tpu.memory_space<vmem>>) offsets(%dma_start3A_102 : memref<128xi32, #tpu.memory_space<vmem>>) semaphore(%arg12 : memref<!tpu.dma_semaphore, #tpu.memory_space<semaphore_mem>>)
      } else {
      }
      "tpu.region"() ({
        %run_scoped3A_98 = tpu.sem_alloc : memref<!tpu.dma_semaphore, #tpu.memory_space<semaphore_mem>>
        %dma_start3A_99 = arith.constant 0 : i32
        %dma_start3A_100 = tpu.memref_slice %arg8[%add3A_78, %dma_start3A_99] : memref<64x128xi32, #tpu.memory_space<vmem>> -> memref<1x128xi32, #tpu.memory_space<vmem>>
        %dma_start3A_101 = tpu.memref_squeeze %dma_start3A_100 : memref<1x128xi32, #tpu.memory_space<vmem>> -> memref<128xi32, #tpu.memory_space<vmem>>
        %dma_start3A_102 = arith.constant 0 : i32
        %dma_start3A_103 = arith.constant 0 : i32
        %dma_start3A_104 = tpu.memref_slice %arg11[%dma_start3A_102, %dma_start3A_103] : memref<10240x128xf32, #tpu.memory_space<vmem_shared>> -> memref<10240x128xf32, #tpu.memory_space<vmem_shared>>
        tpu.enqueue_indirect_dma source(%arg10 : memref<128x128xf32, #tpu.memory_space<vmem>>) target(%dma_start3A_104 : memref<10240x128xf32, #tpu.memory_space<vmem_shared>>) offsets(%dma_start3A_101 : memref<128xi32, #tpu.memory_space<vmem>>) semaphore(%run_scoped3A_98 : memref<!tpu.dma_semaphore, #tpu.memory_space<semaphore_mem>>) {add = true}
        %dma_wait3A_105 = arith.constant 0 : i32
        %dma_wait3A_106 = tpu.memref_slice %arg8[%add3A_78, %dma_wait3A_105] : memref<64x128xi32, #tpu.memory_space<vmem>> -> memref<1x128xi32, #tpu.memory_space<vmem>>
        %dma_wait3A_107 = tpu.memref_squeeze %dma_wait3A_106 : memref<1x128xi32, #tpu.memory_space<vmem>> -> memref<128xi32, #tpu.memory_space<vmem>>
        %dma_wait3A_108 = arith.constant 0 : i32
        %dma_wait3A_109 = arith.constant 0 : i32
        %dma_wait3A_110 = tpu.memref_slice %arg11[%dma_wait3A_108, %dma_wait3A_109] : memref<10240x128xf32, #tpu.memory_space<vmem_shared>> -> memref<10240x128xf32, #tpu.memory_space<vmem_shared>>
        tpu.wait_indirect_dma semaphore(%run_scoped3A_98 : memref<!tpu.dma_semaphore, #tpu.memory_space<semaphore_mem>>) src(%arg10 : memref<128x128xf32, #tpu.memory_space<vmem>>) dst(%dma_wait3A_110 : memref<10240x128xf32, #tpu.memory_space<vmem_shared>>)
        tpu.yield
      }) : () -> ()
    }
    %barrier3A_72 = arith.constant 0 : index
    tpu.barrier barrier_id(%barrier3A_72)
    %run_scoped3A_73 = arith.constant 1 : i32
    "tpu.region"() ({
      %run_scoped3A_74 = tpu.sem_alloc : memref<!tpu.dma_semaphore, #tpu.memory_space<semaphore_mem>>
      %dma_start3A_75 = arith.constant 0 : i32
      %dma_start3A_76 = arith.constant 0 : i32
      %dma_start3A_77 = tpu.memref_slice %arg6[%run_scoped3A_73, %arg0, %dma_start3A_75, %dma_start3A_76] : memref<2x2x10240x128xf32, #tpu.memory_space<hbm>> -> memref<1x1x10240x128xf32, #tpu.memory_space<hbm>>
      %dma_start3A_78 = tpu.memref_squeeze %dma_start3A_77 : memref<1x1x10240x128xf32, #tpu.memory_space<hbm>> -> memref<10240x128xf32, #tpu.memory_space<hbm>>
      %dma_start3A_79 = arith.constant 0 : i32
      %dma_start3A_80 = tpu.memref_slice %dma_start3A_78[%mul3A_43, %dma_start3A_79] : memref<10240x128xf32, #tpu.memory_space<hbm>> -> memref<640x128xf32, #tpu.memory_space<hbm>>
      %dma_start3A_81 = arith.constant 0 : i32
      %dma_start3A_82 = tpu.memref_slice %arg11[%mul3A_43, %dma_start3A_81] : memref<10240x128xf32, #tpu.memory_space<vmem_shared>> -> memref<640x128xf32, #tpu.memory_space<vmem_shared>>
      tpu.enqueue_dma source(%dma_start3A_82 : memref<640x128xf32, #tpu.memory_space<vmem_shared>>) target(%dma_start3A_80 : memref<640x128xf32, #tpu.memory_space<hbm>>) target_semaphore(%run_scoped3A_74 : memref<!tpu.dma_semaphore, #tpu.memory_space<semaphore_mem>>)
      %dma_wait3A = arith.constant 0 : i32
      %dma_wait3A_83 = arith.constant 0 : i32
      %dma_wait3A_84 = tpu.memref_slice %arg6[%run_scoped3A_73, %arg0, %dma_wait3A, %dma_wait3A_83] : memref<2x2x10240x128xf32, #tpu.memory_space<hbm>> -> memref<1x1x10240x128xf32, #tpu.memory_space<hbm>>
      %dma_wait3A_85 = tpu.memref_squeeze %dma_wait3A_84 : memref<1x1x10240x128xf32, #tpu.memory_space<hbm>> -> memref<10240x128xf32, #tpu.memory_space<hbm>>
      %dma_wait3A_86 = arith.constant 0 : i32
      %dma_wait3A_87 = tpu.memref_slice %dma_wait3A_85[%mul3A_43, %dma_wait3A_86] : memref<10240x128xf32, #tpu.memory_space<hbm>> -> memref<640x128xf32, #tpu.memory_space<hbm>>
      %dma_wait3A_88 = arith.constant 0 : i32
      %dma_wait3A_89 = tpu.memref_slice %arg11[%mul3A_43, %dma_wait3A_88] : memref<10240x128xf32, #tpu.memory_space<vmem_shared>> -> memref<640x128xf32, #tpu.memory_space<vmem_shared>>
      tpu.wait_dma2 semaphore(%run_scoped3A_74 : memref<!tpu.dma_semaphore, #tpu.memory_space<semaphore_mem>>) src(%dma_wait3A_89 : memref<640x128xf32, #tpu.memory_space<vmem_shared>>) dst(%dma_wait3A_87 : memref<640x128xf32, #tpu.memory_space<hbm>>)
      tpu.yield
    }) : () -> ()
    return
  }
}

module attributes {stable_mosaic.version = 14 : i64} {
  func.func @_tc_prep(%arg0: memref<2x10240xf32, #tpu.memory_space<vmem>>, %arg1: memref<10000x256xf32, #tpu.memory_space<vmem>>, %arg2: memref<256x256xf32, #tpu.memory_space<vmem>>, %arg3: memref<10000x1xf32, #tpu.memory_space<vmem>>, %arg4: memref<10000x128xf32, #tpu.memory_space<vmem>>, %arg5: memref<10000x128xf32, #tpu.memory_space<vmem>>) attributes {dimension_semantics = [], scalar_prefetch = 0 : i64, scratch_operands = 0 : i64, tpu.core_type = #tpu.core_type<tc>} {
    %get3A = arith.constant 0 : index
    %get3A_0 = arith.constant 0 : index
    %get3A_1 = vector.load %arg0[%get3A, %get3A_0] : memref<2x10240xf32, #tpu.memory_space<vmem>>, vector<1x10240xf32>
    %get3A_2 = arith.constant 1 : index
    %get3A_3 = arith.constant 0 : index
    %get3A_4 = vector.load %arg0[%get3A_2, %get3A_3] : memref<2x10240xf32, #tpu.memory_space<vmem>>, vector<1x10240xf32>
    %add3A = arith.addf %get3A_1, %get3A_4 : vector<1x10240xf32>
    %add3A_5 = arith.constant 1.000000e+00 : f32
    %add3A_6 = vector.broadcast %add3A_5 : f32 to vector<1x10240xf32>
    %add3A_7 = arith.addf %add3A, %add3A_6 : vector<1x10240xf32>
    %rsqrt3A = math.rsqrt %add3A_7 : vector<1x10240xf32>
    %broadcast_in_dim3A = vector.shape_cast %rsqrt3A : vector<1x10240xf32> to vector<1x10240xf32>
    %broadcast_in_dim3A_8 = vector.broadcast %broadcast_in_dim3A : vector<1x10240xf32> to vector<8x10240xf32>
    %transpose3A = tpu.transpose %broadcast_in_dim3A_8, [1, 0] : vector<8x10240xf32> -> vector<10240x8xf32>
    %slice3A = vector.extract_strided_slice %transpose3A {offsets = [0, 0], sizes = [10000, 1], strides = [1, 1]} : vector<10240x8xf32> to vector<10000x1xf32>
    %swap3A = arith.constant 0 : index
    %swap3A_9 = arith.constant 0 : index
    %swap3A_10 = vector.load %arg3[%swap3A, %swap3A_9] : memref<10000x1xf32, #tpu.memory_space<vmem>>, vector<10000x1xf32>
    tpu.vector_store %arg3[%swap3A, %swap3A_9], %slice3A {strides = array<i32>} : memref<10000x1xf32, #tpu.memory_space<vmem>>, vector<10000x1xf32>,
    %get3A_11 = arith.constant 0 : index
    %get3A_12 = arith.constant 0 : index
    %get3A_13 = vector.load %arg1[%get3A_11, %get3A_12] : memref<10000x256xf32, #tpu.memory_space<vmem>>, vector<10000x256xf32>
    %get3A_14 = arith.constant 0 : index
    %get3A_15 = arith.constant 0 : index
    %get3A_16 = vector.load %arg2[%get3A_14, %get3A_15] : memref<256x256xf32, #tpu.memory_space<vmem>>, vector<256x256xf32>
    %dot_general3A = arith.constant dense<0.000000e+00> : vector<10000x256xf32>
    %dot_general3A_17 = tpu.matmul %get3A_13, %get3A_16, %dot_general3A {dimension_numbers = #tpu.dot_dimension_numbers<[1], [0], [0], [1], [0, 0, 1, 1], [], []>, transpose_lhs_hint = false} : vector<10000x256xf32>, vector<256x256xf32>, vector<10000x256xf32> -> vector<10000x256xf32>
    %mul3A = vector.broadcast %slice3A : vector<10000x1xf32> to vector<10000x256xf32>
    %mul3A_18 = arith.mulf %dot_general3A_17, %mul3A : vector<10000x256xf32>
    %slice3A_19 = vector.extract_strided_slice %mul3A_18 {offsets = [0, 0], sizes = [10000, 128], strides = [1, 1]} : vector<10000x256xf32> to vector<10000x128xf32>
    %swap3A_20 = arith.constant 0 : index
    %swap3A_21 = arith.constant 0 : index
    %swap3A_22 = vector.load %arg4[%swap3A_20, %swap3A_21] : memref<10000x128xf32, #tpu.memory_space<vmem>>, vector<10000x128xf32>
    tpu.vector_store %arg4[%swap3A_20, %swap3A_21], %slice3A_19 {strides = array<i32>} : memref<10000x128xf32, #tpu.memory_space<vmem>>, vector<10000x128xf32>,
    %slice3A_23 = vector.extract_strided_slice %mul3A_18 {offsets = [0, 128], sizes = [10000, 128], strides = [1, 1]} : vector<10000x256xf32> to vector<10000x128xf32>
    %swap3A_24 = arith.constant 0 : index
    %swap3A_25 = arith.constant 0 : index
    %swap3A_26 = vector.load %arg5[%swap3A_24, %swap3A_25] : memref<10000x128xf32, #tpu.memory_space<vmem>>, vector<10000x128xf32>
    tpu.vector_store %arg5[%swap3A_24, %swap3A_25], %slice3A_23 {strides = array<i32>} : memref<10000x128xf32, #tpu.memory_space<vmem>>, vector<10000x128xf32>,
    return
  }
}

module attributes {stable_mosaic.version = 14 : i64} {
  func.func @_tc_mid(%arg0: memref<2x10240x128xf32, #tpu.memory_space<vmem>>, %arg1: memref<2x10240x128xf32, #tpu.memory_space<vmem>>, %arg2: memref<10000x128xf32, #tpu.memory_space<vmem>>, %arg3: memref<10000x128xf32, #tpu.memory_space<vmem>>, %arg4: memref<10000x1xf32, #tpu.memory_space<vmem>>, %arg5: memref<1x256xf32, #tpu.memory_space<vmem>>, %arg6: memref<256x128xf32, #tpu.memory_space<vmem>>, %arg7: memref<10000x128xf32, #tpu.memory_space<vmem>>) attributes {dimension_semantics = [], scalar_prefetch = 0 : i64, scratch_operands = 0 : i64, tpu.core_type = #tpu.core_type<tc>} {
    %get3A = arith.constant 0 : index
    %get3A_0 = arith.constant 0 : index
    %get3A_1 = vector.load %arg4[%get3A, %get3A_0] : memref<10000x1xf32, #tpu.memory_space<vmem>>, vector<10000x1xf32>
    %get3A_2 = arith.constant 0 : index
    %get3A_3 = arith.constant 0 : index
    %get3A_4 = arith.constant 0 : index
    %get3A_5 = vector.load %arg0[%get3A_2, %get3A_3, %get3A_4] : memref<2x10240x128xf32, #tpu.memory_space<vmem>>, vector<1x10000x128xf32>
    %get3A_6 = vector.shape_cast %get3A_5 : vector<1x10000x128xf32> to vector<10000x128xf32>
    %get3A_7 = arith.constant 1 : index
    %get3A_8 = arith.constant 0 : index
    %get3A_9 = arith.constant 0 : index
    %get3A_10 = vector.load %arg0[%get3A_7, %get3A_8, %get3A_9] : memref<2x10240x128xf32, #tpu.memory_space<vmem>>, vector<1x10000x128xf32>
    %get3A_11 = vector.shape_cast %get3A_10 : vector<1x10000x128xf32> to vector<10000x128xf32>
    %add3A = arith.addf %get3A_6, %get3A_11 : vector<10000x128xf32>
    %get3A_12 = arith.constant 0 : index
    %get3A_13 = arith.constant 0 : index
    %get3A_14 = vector.load %arg2[%get3A_12, %get3A_13] : memref<10000x128xf32, #tpu.memory_space<vmem>>, vector<10000x128xf32>
    %add3A_15 = arith.addf %add3A, %get3A_14 : vector<10000x128xf32>
    %get3A_16 = arith.constant 0 : index
    %get3A_17 = arith.constant 0 : index
    %get3A_18 = arith.constant 0 : index
    %get3A_19 = vector.load %arg1[%get3A_16, %get3A_17, %get3A_18] : memref<2x10240x128xf32, #tpu.memory_space<vmem>>, vector<1x10000x128xf32>
    %get3A_20 = vector.shape_cast %get3A_19 : vector<1x10000x128xf32> to vector<10000x128xf32>
    %get3A_21 = arith.constant 1 : index
    %get3A_22 = arith.constant 0 : index
    %get3A_23 = arith.constant 0 : index
    %get3A_24 = vector.load %arg1[%get3A_21, %get3A_22, %get3A_23] : memref<2x10240x128xf32, #tpu.memory_space<vmem>>, vector<1x10000x128xf32>
    %get3A_25 = vector.shape_cast %get3A_24 : vector<1x10000x128xf32> to vector<10000x128xf32>
    %add3A_26 = arith.addf %get3A_20, %get3A_25 : vector<10000x128xf32>
    %get3A_27 = arith.constant 0 : index
    %get3A_28 = arith.constant 0 : index
    %get3A_29 = vector.load %arg3[%get3A_27, %get3A_28] : memref<10000x128xf32, #tpu.memory_space<vmem>>, vector<10000x128xf32>
    %add3A_30 = arith.addf %add3A_26, %get3A_29 : vector<10000x128xf32>
    %concatenate3A = tpu.concatenate %add3A_15, %add3A_30 in 1 : vector<10000x128xf32>, vector<10000x128xf32> -> vector<10000x256xf32>
    %mul3A = vector.broadcast %get3A_1 : vector<10000x1xf32> to vector<10000x256xf32>
    %mul3A_31 = arith.mulf %concatenate3A, %mul3A : vector<10000x256xf32>
    %get3A_32 = arith.constant 0 : index
    %get3A_33 = arith.constant 0 : index
    %get3A_34 = vector.load %arg5[%get3A_32, %get3A_33] : memref<1x256xf32, #tpu.memory_space<vmem>>, vector<1x256xf32>
    %add3A_35 = vector.broadcast %get3A_34 : vector<1x256xf32> to vector<10000x256xf32>
    %add3A_36 = arith.addf %mul3A_31, %add3A_35 : vector<10000x256xf32>
    %max3A = arith.constant 0.000000e+00 : f32
    %max3A_37 = vector.broadcast %max3A : f32 to vector<10000x256xf32>
    %max3A_38 = arith.maximumf %add3A_36, %max3A_37 : vector<10000x256xf32>
    %get3A_39 = arith.constant 0 : index
    %get3A_40 = arith.constant 0 : index
    %get3A_41 = vector.load %arg6[%get3A_39, %get3A_40] : memref<256x128xf32, #tpu.memory_space<vmem>>, vector<256x128xf32>
    %dot_general3A = arith.constant dense<0.000000e+00> : vector<10000x128xf32>
    %dot_general3A_42 = tpu.matmul %max3A_38, %get3A_41, %dot_general3A {dimension_numbers = #tpu.dot_dimension_numbers<[1], [0], [0], [1], [0, 0, 1, 1], [], []>, transpose_lhs_hint = false} : vector<10000x256xf32>, vector<256x128xf32>, vector<10000x128xf32> -> vector<10000x128xf32>
    %mul3A_43 = vector.broadcast %get3A_1 : vector<10000x1xf32> to vector<10000x128xf32>
    %mul3A_44 = arith.mulf %dot_general3A_42, %mul3A_43 : vector<10000x128xf32>
    %swap3A = arith.constant 0 : index
    %swap3A_45 = arith.constant 0 : index
    %swap3A_46 = vector.load %arg7[%swap3A, %swap3A_45] : memref<10000x128xf32, #tpu.memory_space<vmem>>, vector<10000x128xf32>
    tpu.vector_store %arg7[%swap3A, %swap3A_45], %mul3A_44 {strides = array<i32>} : memref<10000x128xf32, #tpu.memory_space<vmem>>, vector<10000x128xf32>,
    return
  }
}

module attributes {stable_mosaic.version = 14 : i64} {
  func.func @_tc_out(%arg0: memref<2x10240x128xf32, #tpu.memory_space<vmem>>, %arg1: memref<10000x128xf32, #tpu.memory_space<vmem>>, %arg2: memref<10000x1xf32, #tpu.memory_space<vmem>>, %arg3: memref<1x128xf32, #tpu.memory_space<vmem>>, %arg4: memref<1x10000xi32, #tpu.memory_space<vmem>>, %arg5: memref<64x128xf32, #tpu.memory_space<vmem>>) attributes {dimension_semantics = [], scalar_prefetch = 0 : i64, scratch_operands = 0 : i64, tpu.core_type = #tpu.core_type<tc>} {
    %get3A = arith.constant 0 : index
    %get3A_0 = arith.constant 0 : index
    %get3A_1 = arith.constant 0 : index
    %get3A_2 = vector.load %arg0[%get3A, %get3A_0, %get3A_1] : memref<2x10240x128xf32, #tpu.memory_space<vmem>>, vector<1x10000x128xf32>
    %get3A_3 = vector.shape_cast %get3A_2 : vector<1x10000x128xf32> to vector<10000x128xf32>
    %get3A_4 = arith.constant 1 : index
    %get3A_5 = arith.constant 0 : index
    %get3A_6 = arith.constant 0 : index
    %get3A_7 = vector.load %arg0[%get3A_4, %get3A_5, %get3A_6] : memref<2x10240x128xf32, #tpu.memory_space<vmem>>, vector<1x10000x128xf32>
    %get3A_8 = vector.shape_cast %get3A_7 : vector<1x10000x128xf32> to vector<10000x128xf32>
    %add3A = arith.addf %get3A_3, %get3A_8 : vector<10000x128xf32>
    %get3A_9 = arith.constant 0 : index
    %get3A_10 = arith.constant 0 : index
    %get3A_11 = vector.load %arg1[%get3A_9, %get3A_10] : memref<10000x128xf32, #tpu.memory_space<vmem>>, vector<10000x128xf32>
    %add3A_12 = arith.addf %add3A, %get3A_11 : vector<10000x128xf32>
    %get3A_13 = arith.constant 0 : index
    %get3A_14 = arith.constant 0 : index
    %get3A_15 = vector.load %arg2[%get3A_13, %get3A_14] : memref<10000x1xf32, #tpu.memory_space<vmem>>, vector<10000x1xf32>
    %mul3A = vector.broadcast %get3A_15 : vector<10000x1xf32> to vector<10000x128xf32>
    %mul3A_16 = arith.mulf %add3A_12, %mul3A : vector<10000x128xf32>
    %get3A_17 = arith.constant 0 : index
    %get3A_18 = arith.constant 0 : index
    %get3A_19 = vector.load %arg3[%get3A_17, %get3A_18] : memref<1x128xf32, #tpu.memory_space<vmem>>, vector<1x128xf32>
    %add3A_20 = vector.broadcast %get3A_19 : vector<1x128xf32> to vector<10000x128xf32>
    %add3A_21 = arith.addf %mul3A_16, %add3A_20 : vector<10000x128xf32>
    %iota3A = tpu.iota {dimensions = array<i32: 0>} : vector<64x10000xi32>
    %get3A_22 = arith.constant 0 : index
    %get3A_23 = arith.constant 0 : index
    %get3A_24 = vector.load %arg4[%get3A_22, %get3A_23] : memref<1x10000xi32, #tpu.memory_space<vmem>>, vector<1x10000xi32>
    %eq3A = vector.broadcast %get3A_24 : vector<1x10000xi32> to vector<64x10000xi32>
    %eq3A_25 = arith.cmpi eq, %eq3A, %iota3A : vector<64x10000xi32>
    %convert_element_type3A = arith.extui %eq3A_25 : vector<64x10000xi1> to vector<64x10000xi32>
    %convert_element_type3A_26 = arith.sitofp %convert_element_type3A : vector<64x10000xi32> to vector<64x10000xf32>
    %dot_general3A = arith.constant dense<0.000000e+00> : vector<64x128xf32>
    %dot_general3A_27 = tpu.matmul %convert_element_type3A_26, %add3A_21, %dot_general3A {dimension_numbers = #tpu.dot_dimension_numbers<[1], [0], [0], [1], [0, 0, 1, 1], [], []>, transpose_lhs_hint = false} : vector<64x10000xf32>, vector<10000x128xf32>, vector<64x128xf32> -> vector<64x128xf32>
    %swap3A = arith.constant 0 : index
    %swap3A_28 = arith.constant 0 : index
    %swap3A_29 = vector.load %arg5[%swap3A, %swap3A_28] : memref<64x128xf32, #tpu.memory_space<vmem>>, vector<64x128xf32>
    tpu.vector_store %arg5[%swap3A, %swap3A_28], %dot_general3A_27 {strides = array<i32>} : memref<64x128xf32, #tpu.memory_space<vmem>>, vector<64x128xf32>,
    return
  }
}

</mosaic_0001>

<sc_bundles>
// kernel: kernel.11.cloned.1.call-start
scs
__scs_entry_jumppad:
0x0: {  	(pc) =	sbr.rel $0x88, $3  }
0x1: {  	(tag) =	ssettag $0x0;
	lr =	simm.s32 $0x1  }
0x2: {  	[smem:$0x3F9A] =	sst lr;
	_ =	strace $0xD0000000  }
0x3: {  	_ = 	snop  }
0x4: {  	_ = 	snop  }
0x5: {  	_ = 	snop  }
0x6: {  	_ = 	snop  }
0x7: {  	_ = 	snop  }
__scs_overlays_trampoline_lowered:
0x8: {  	[smem:$0x3FA9] =	sst s0  }
0x9: {  	[smem:$0x3FAA] =	sst s1  }
0xa: {  	[smem:$0x3FAB] =	sst s2  }
0xb: {  	[smem:$0x3FAC] =	sst s3  }
0xc: {  	[smem:$0x3FAD] =	sst s4  }
0xd: {  	[smem:$0x3FAE] =	sst s5  }
0xe: {  	[smem:$0x3FAF] =	sst s6  }
0xf: {  	[smem:$0x3FB0] =	sst s7  }
0x10: {  	[smem:$0x3FB1] =	sst s8  }
0x11: {  	[smem:$0x3FB2] =	sst s9;
	s0 =	simm.s32 @!p0 $0x0  }
0x12: {  	s1 =	sld [smem:$0x3F98];
	s0 =	simm.s32 @p0 $0x1  }
0x13: {  	[smem:$0x3FB3] =	sst s0;
	s0 =	simm.s32 @!p1 $0x0  }
0x14: {  	s2 =	sld [smem:$0x3F97];
	s0 =	simm.s32 @p1 $0x1  }
0x15: {  	[smem:$0x3FB4] =	sst s0;
	s0 =	simm.s32 @!p2 $0x0  }
0x16: {  	s3 =	sld [smem:$0x3FDB];
	s0 =	simm.s32 @p2 $0x1  }
0x17: {  	s4 =	simm.s32 $0x1BF5;
	[smem:$0x3FB6] =	sst s0  }
0x18: {  	s0 =	sld [smem:$0x3F99];
	_ =	swait.ge [sflag:s4], $0x0  }
0x19: {  	s7 =	sld [smem:$0x3F9A]  }
0x1a: {  	s8 =	sadd.s32 $0xFFFFE003, lr  }
0x1b: {  	s9 =	sadd.s32 $0xFFFFFEF7, lr;
	s5 =	simm.s32 $0xFFFFFFFF;
	p2 =	slt.u32 s8, $0xFFFFF086  }
0x1c: {  	p1 =	slt.u32 s9, $0xF7A;
	s5 =	simm.s32 @!p2 $0x0  }
0x1d: {  	s5 =	simm.s32 @p1 $0x1;
	p0 =	seq.s32 s7, s2  }
0x1e: {  	s7 =	smul.u32 @!p0 $0xF7A, s2;
	p2 =	seq.s32 @!p0 s5, $0x0  }
0x1f: {  	s9 =	smul.u32 $0xF7A, s1;
	s8 =	simm.s32 @!p0 $0x1BF5;
	p2 =	por !p2, p0  }
0x20: {  	[sflag:s8] =	ssyncset.s32 @!p0 $0xFFFFF086;
	s6 =	sadd.s32 @!p0 s3, s7;
	s7 =	simm.s32 @!p0 $0x108  }
0x21: {  	s3 =	sadd.s32 s3, s9;
	s6 =	sadd.s32 @!p0 $0x88, s6;
	s7 =	simm.s32 @p2 $0x1082  }
0x22: {  	[simem:s7], [sflag:s8] =	dma.local @!p0 [hbm:s6], $0xF7A  }
0x23: {  	s9 =	sor.u32 $0xD0000000, s2;
	s6 =	simm.s32 $0x108;
	_ =	swait.ge @!p0 [sflag:s8], $0x0  }
0x24: {  	s3 =	sadd.s32 $0x88, s3;
	s6 =	simm.s32 @!p1 $0x1082;
	[sflag:s4] =	ssyncset.s32 $0xFFFFF086  }
0x25: {  	[simem:s6], [sflag:s4] =	dma.local [hbm:s3], $0xF7A  }
0x26: {  	[smem:$0x3F9A] =	sst s1;
	(tag) =	ssettag s2;
	_ =	strace s9  }
0x27: {  	s1 =	sld [smem:$0x3FAA]  }
0x28: {  	s2 =	sld [smem:$0x3FAB]  }
0x29: {  	s4 =	sld [smem:$0x3FAD]  }
0x2a: {  	p0 =	seq.s32 s5, $0x0;
	s5 =	sld [smem:$0x3FAE]  }
0x2b: {  	s6 =	sld [smem:$0x3FAF]  }
0x2c: {  	s7 =	sld [smem:$0x3FB0]  }
0x2d: {  	s3 =	simm.s32 $0x108;
	s8 =	sld [smem:$0x3FB1]  }
0x2e: {  	s3 =	simm.s32 @!p0 $0x1082;
	s9 =	sld [smem:$0x3FB2]  }
0x2f: {  	lr =	sadd.s32 s0, s3;
	s0 =	sld [smem:$0x3FA9]  }
0x30: {  	s3 =	sld [smem:$0x3FAC]  }
0x31: {  	[smem:$0x3FB5] =	sst s10  }
0x32: {  	s10 =	sld [smem:$0x3FB3];
	_ =	sdelay $0x3  }
0x33: {  	p0 =	seq.s32 s10, $0x1;
	s10 =	sld [smem:$0x3FB5];
	_ =	sdelay $0x3  }
0x34: {  	[smem:$0x3FB5] =	sst s10  }
0x35: {  	s10 =	sld [smem:$0x3FB4];
	_ =	sdelay $0x3  }
0x36: {  	p1 =	seq.s32 s10, $0x1;
	s10 =	sld [smem:$0x3FB5];
	_ =	sdelay $0x3  }
0x37: {  	[smem:$0x3FB5] =	sst s10  }
0x38: {  	s10 =	sld [smem:$0x3FB6]  }
0x39: {  	_ = 	snop;
	(pc) =	sbr.ind lr, $3  }
0x3a: {  	_ = 	snop  }
0x3b: {  	_ = 	snop  }
0x3c: {  	p2 =	seq.s32 s10, $0x1;
	s10 =	sld [smem:$0x3FB5]  }
0x3d: {  	_ =	shalt  }
0x3e: {  	_ =	shalt  }
0x3f: {  	_ =	shalt  }
0x40: {  	_ =	shalt  }
0x41: {  	_ =	shalt  }
0x42: {  	_ =	shalt  }
0x43: {  	_ =	shalt  }
0x44: {  	_ =	shalt  }
0x45: {  	_ =	shalt  }
0x46: {  	_ =	shalt  }
0x47: {  	_ =	shalt  }
0x48: {  	_ =	shalt  }
0x49: {  	_ =	shalt  }
0x4a: {  	_ =	shalt  }
0x4b: {  	_ =	shalt  }
0x4c: {  	_ =	shalt  }
0x4d: {  	_ =	shalt  }
0x4e: {  	_ =	shalt  }
0x4f: {  	_ =	shalt  }
0x50: {  	_ =	shalt  }
0x51: {  	_ =	shalt  }
0x52: {  	_ =	shalt  }
0x53: {  	_ =	shalt  }
0x54: {  	_ =	shalt  }
0x55: {  	_ =	shalt  }
0x56: {  	_ =	shalt  }
0x57: {  	_ =	shalt  }
0x58: {  	_ =	shalt  }
0x59: {  	_ =	shalt  }
0x5a: {  	_ =	shalt  }
0x5b: {  	_ =	shalt  }
0x5c: {  	_ =	shalt  }
0x5d: {  	_ =	shalt  }
0x5e: {  	_ =	shalt  }
0x5f: {  	_ =	shalt  }
0x60: {  	_ =	shalt  }
0x61: {  	_ =	shalt  }
0x62: {  	_ =	shalt  }
0x63: {  	_ =	shalt  }
0x64: {  	_ =	shalt  }
0x65: {  	_ =	shalt  }
0x66: {  	_ =	shalt  }
0x67: {  	_ =	shalt  }
0x68: {  	_ =	shalt  }
0x69: {  	_ =	shalt  }
0x6a: {  	_ =	shalt  }
0x6b: {  	_ =	shalt  }
0x6c: {  	_ =	shalt  }
0x6d: {  	_ =	shalt  }
0x6e: {  	_ =	shalt  }
0x6f: {  	_ =	shalt  }
0x70: {  	_ =	shalt  }
0x71: {  	_ =	shalt  }
0x72: {  	_ =	shalt  }
0x73: {  	_ =	shalt  }
0x74: {  	_ =	shalt  }
0x75: {  	_ =	shalt  }
0x76: {  	_ =	shalt  }
0x77: {  	_ =	shalt  }
0x78: {  	_ =	shalt  }
0x79: {  	_ =	shalt  }
0x7a: {  	_ =	shalt  }
0x7b: {  	_ =	shalt  }
0x7c: {  	_ =	shalt  }
0x7d: {  	_ =	shalt  }
0x7e: {  	_ =	shalt  }
0x7f: {  	_ =	shalt  }
0x80: {  	_ =	shalt  }
0x81: {  	_ =	shalt  }
0x82: {  	_ =	shalt  }
0x83: {  	_ =	shalt  }
0x84: {  	_ =	shalt  }
0x85: {  	_ =	shalt  }
0x86: {  	_ =	shalt  }
0x87: {  	_ =	shalt  }
.Lfunc_end0:
.L_simem_size_0:
called_computation.1_lowered:
.L_overlay_start_0:
0x88: {  	s2 =	sld [smem:$0x3FD9]  }
0x89: {  	s3 =	sld [smem:$0x3FFE];
	_ =	sdelay $0x1  }
0x8a: {  	s1 =	srdreg.scid  }
0x8b: {  	s0 =	sand.u32 $0x1, s1  }
0x8c: {  	s16 =	sshll.u32 s0, $0xA;
	s2 =	sadd.s32 s3, s2  }
0x8d: {  	s2 =	sadd.s32 s2, s16  }
0x8e: {  	[smem:$0x3FC1] =	sst s2  }
0x8f: {  	_ = 	snop  }
0x90: {  	(tm) =	ssettm $0x1  }
0x91: {  	s17 =	sld [smem:$0x3FFB];
	_ =	sdelay $0x3  }
0x92: {  	_ =	strace s17  }
0x93: {  	s2 =	sld [smem:$0x3FFC];
	_ =	sdelay $0x3  }
0x94: {  	_ =	strace s2  }
0x95: {  	s2 =	sld [smem:$0x3FFD];
	_ =	sdelay $0x3  }
0x96: {  	_ =	strace s2  }
0x97: {  	_ =	strace $0x8FFFFFFF  }
0x98: {  	s18 =	sld [smem:$0x3FDB];
	_ =	sdelay $0x1  }
0x99: {  	s19 =	simm.s32 $_scs_section_size  }
0x9a: {  	s4 =	simm.s32 $_size__tile_overlayer_lowered;
	s5 =	simm.s32 $_tile_overlayer_lowered  }
0x9b: {  	s22 =	simm.s32 $0x1BFF;
	s21 =	sshll.u32 s5, $0x1;
	s2 =	sadd.s32 s19, s18  }
0x9c: {  	s6 =	simm.s32 $0x0;
	s20 =	sshll.u32 s4, $0x1;
	s4 =	sadd.s32 s21, s2  }
0x9d: {  	[timem:s6], [sflag:s22] =	dma.local [hbm:s4], s20  }
0x9e: {  	_ =	swait.ge [sflag:s22], s20  }
0x9f: {  	s3 =	ssub.s32 $0x0, s20;
	[sflag:s22] =	ssyncset.done $0x0  }
0xa0: {  	[sflag:s22] =	ssyncadd.s32 s3;
	_ =	sdelay $0x1  }
0xa1: {  	s23 =	simm.s32 $0x1B8B  }
0xa2: {  	_ =	swait.ge [sflag:s23], $0x1  }
0xa3: {  	[sflag:s23] =	ssyncset.done $0x0  }
0xa4: {  	s25 =	simm.s32 $0x1B8E;
	s24 =	sld [smem:$0x3FFE];
	[sflag:s23] =	ssyncadd.s32 $0xFFFFFFFF  }
0xa5: {  	s26 =	simm.s32 $execute0_lowered;
	[smem:$0x3FD2] =	sst s25  }
0xa6: {  	s4 =	sshll.u32 s26, $0x1;
	_ =	strace $0x80000049;
	[dreg:$0x1] =	wrdreg $0xFFFFFFFF  }
0xa7: {  	s28 =	simm.s32 $_size_execute0_lowered;
	s2 =	sadd.s32 s2, s4;
	[dreg:$0x0] =	wrdreg $0x0  }
0xa8: {  	s4 =	sshll.u32 s28, $0x1;
	[dreg:$0x2] =	wrdreg s2  }
0xa9: {  	[dreg:$0x3] =	wrdreg s4  }
0xaa: {  	[dreg:$0x4] =	wrdreg $0xC0  }
0xab: {  	_ =	task [dreg:s6], $0x5FFFF  }
0xac: {  	[dreg:$0x1] =	wrdreg $0xFFFFFFFF  }
0xad: {  	[dreg:$0x0] =	wrdreg $0x60  }
0xae: {  	[dreg:$0x2] =	wrdreg s24  }
0xaf: {  	[dreg:$0x3] =	wrdreg $0xC0000  }
0xb0: {  	[dreg:$0x4] =	wrdreg $0x9  }
0xb1: {  	_ =	task.clear_ibuf [dreg:s6], $0x5FFFF;
	_ =	strace $0x90000049  }
0xb2: {  	s29 =	simm.s32 $0x9;
	_ =	strace $0x8000004B  }
0xb3: {  	_ =	swait.ge [sflag:s29], $0x1  }
0xb4: {  	[sflag:s29] =	ssyncadd.s32 $0xFFFFFFFF  }
0xb5: {  	_ =	strace $0x9000004B  }
0xb6: {  	_ =	sfence  }
0xb7: {  	s30 =	sld [smem:$0x0];
	_ =	sdelay $0x2  }
0xb8: {  	s31 =	sshll.u32 s1, $0xD;
	s1 =	sshrl.u32 s1, $0x2  }
0xb9: {  	s3 =	sand.u32 $0x4000, s31;
	s1 =	sadd.s32 s1, s30  }
0xba: {  	s0 =	sor.u32 s3, s0;
	s1 =	sshll.u32 s1, $0x11  }
0xbb: {  	s0 =	sor.u32 s1, s0  }
0xbc: {  	s0 =	sadd.s32 $0x8F2B, s0  }
0xbd: {  	[sflag:s0] =	ssyncadd.remote.s32 $0x1  }
0xbe: {  	_ =	sfence.sel $0xFFFF  }
0xbf: {  	[dreg:$0x0] =	wrdreg $0xFFFFFFFF;
	(pc) =	sbr.abs _section_cstart, $3  }
0xc0: {  	[dreg:$0x1] =	wrdreg $0xFFFFFFFF  }
0xc1: {  	_ =	task.clear_ibuf [dreg:s6], $0x2FFFF;
	_ =	strace $0x9FFFFFFF  }
0xc2: {  	(tm) =	ssettm $0x7FFFFFFF  }
0xc3: {  	_ =	shalt  }
tec
execute0_lowered:
.L_overlay_start_1:
0x0: {  	(tag) =	ssettag $0x1  }
0x1: {  	s6 =	rddreg [dreg:$0x0]  }
0x2: {  	s1 =	rddreg [dreg:$0x1];
	s3 =	simm.s32 $0x0;
	s4 =	srdreg.scid  }
0x3: {  	s2 =	stileid.u32;
	s18 =	simm.s32 $0x4000;
	s19 =	simm.s32 $0x80  }
0x4: {  	s20 =	simm.s32 $0x1;
	s21 =	simm.s32 $0x8000;
	s22 =	simm.s32 $0x2  }
0x5: {  	[smem:$0x7FF] =	sst s3;
	s7 =	sand.u32 $0x1, s4;
	s9 =	sshll.u32 s2, $0xA  }
0x6: {  	s4 =	sadd.s32 $0x18C00, s6;
	s5 =	sadd.s32 $0x3FE00, s6;
	s11 =	smul.u32 $0x50000, s2  }
0x7: {  	s24 =	smul.u32 $0x2800, s2;
	_ =	strace $0x8000004A;
	s8 =	sshll.u32 s7, $0xE  }
0x8: {  	s10 =	smul.u32 $0x140000, s7;
	s29 =	ssub.s32 $0x2, s7;
	p0 =	seq.s32 s7, $0x0  }
0x9: {  	s7 =	simm.s32 $0x20;
	s8 =	sor.u32 s9, s8;
	s30 =	sshrl.u32 s29, $0x1  }
0xa: {  	s31 =	sshrl.u32 s11, $0x2;
	s7 =	simm.s32 @!p0 $0x8;
	s28 =	sshrl.u32 s10, $0x3  }
0xb: {  	s12 =	sadd.s32 s8, s6;
	s16 =	ssub.s32 s29, s30;
	s8 =	sadd.s32 s31, s1  }
0xc: {  	s14 =	sadd.s32 $0xFFFFFFFF, s7;
	s15 =	sadd.s32 s28, s6;
	s6 =	sadd.s32 $0x10C00, s12  }
0xd: {  	s9 =	sadd.s32 $0x8C00, s12;
	s10 =	sadd.s32 $0x4000, s8;
	s11 =	sadd.s32 $0x8000, s8  }
0xe: {  	s12 =	sadd.s32 $0xC000, s8;
	s13 =	sadd.s32 $0x10000, s8;
	s23 =	sadd.s32 $0x67000, s15  }
0xf: {  	s25 =	sadd.s32 $0xB7000, s15;
	s15 =	smax.u32 s16, $0x1;
	s16 =	simm.s32 $0x3  }
0x10: {  	v0 =	vimm.f32 $0.0e+00;
	s23 =	sadd.s32 s24, s23;
	s24 =	sadd.s32 s24, s25;
	s25 =	simm.s32 $0x0  }
.LBB2_1:
0x11: {  	[tilespmem:s3], [sflag:$0x3] =	stream.linear.gather [hbm4b:s6+s3], $0x2000, $0x38;
	v63 =	vld [tilespmem:$0x0]  }
0x12: {  	_ =	swait.ge [sflag:s16], $0x2000  }
0x13: {  	[sflag:s16] =	ssyncset.done $0x0  }
0x14: {  	s0 =	simm.s32 $0x2000;
	[sflag:s16] =	ssyncadd.s32 $0xFFFFE000  }
0x15: {  	[tilespmem:s0], [sflag:$0x3] =	stream.linear.gather [hbm4b:s9+s3], $0x2000, $0x38;
	v63 =	vld [tilespmem:$0x0]  }
0x16: {  	_ =	swait.ge [sflag:s16], $0x2000  }
0x17: {  	[sflag:s16] =	ssyncset.done $0x0  }
0x18: {  	s26 =	simm.s32 $0x0;
	s28 =	simm.s32 $0x200;
	[sflag:s16] =	ssyncadd.s32 $0xFFFFE000  }
.LBB2_2:
0x19: {  	p0 =	sne.s32 s28, $0xFE00;
	[tilespmem:s26+$0x4070] =	vst v0  }
0x1a: {  	[tilespmem:s26+$0x4000] =	vst v0  }
0x1b: {  	[tilespmem:s26+$0x4010] =	vst v0  }
.Ltmp0:
0x1c: {  	[tilespmem:s26+$0x4020] =	vst v0;
	(pc) =	sbr.rel @p0 .LBB2_2-.Ltmp0, $4  }
0x1d: {  	[tilespmem:s26+$0x4030] =	vst v0  }
0x1e: {  	[tilespmem:s26+$0x4040] =	vst v0  }
0x1f: {  	[tilespmem:s26+$0x4050] =	vst v0  }
0x20: {  	[tilespmem:s26+$0x4060] =	vst v0;
	s26 =	sshra.s32 s28, $0x2;
	s28 =	sadd.s32 $0x200, s28  }
0x21: {  	[tilespmem:s26+$0x4070] =	vst v0  }
0x22: {  	[tilespmem:s26+$0x4000] =	vst v0  }
0x23: {  	[tilespmem:s26+$0x4010] =	vst v0  }
0x24: {  	[tilespmem:s26+$0x4020] =	vst v0  }
0x25: {  	[tilespmem:s26+$0x4030] =	vst v0  }
0x26: {  	[tilespmem:s26+$0x4040] =	vst v0  }
0x27: {  	[tilespmem:s26+$0x4050] =	vst v0  }
0x28: {  	[tilespmem:s26+$0x4060] =	vst v0  }
0x29: {  	[spmem:s8] =	stream.linear.scatter [tilespmem:s18], [sflag:$0x3], $0x4000, $0x38;
	v63 =	vld [tilespmem:$0x0]  }
0x2a: {  	_ =	swait.ge [sflag:s16], $0x4000  }
0x2b: {  	[sflag:s16] =	ssyncset.done $0x0  }
0x2c: {  	[sflag:s16] =	ssyncadd.s32 $0xFFFFC000  }
0x2d: {  	[spmem:s10] =	stream.linear.scatter [tilespmem:s18], [sflag:$0x3], $0x4000, $0x38;
	v63 =	vld [tilespmem:$0x0]  }
0x2e: {  	_ =	swait.ge [sflag:s16], $0x4000  }
0x2f: {  	[sflag:s16] =	ssyncset.done $0x0  }
0x30: {  	[sflag:s16] =	ssyncadd.s32 $0xFFFFC000  }
0x31: {  	[spmem:s11] =	stream.linear.scatter [tilespmem:s18], [sflag:$0x3], $0x4000, $0x38;
	v63 =	vld [tilespmem:$0x0]  }
0x32: {  	_ =	swait.ge [sflag:s16], $0x4000  }
0x33: {  	[sflag:s16] =	ssyncset.done $0x0  }
0x34: {  	[sflag:s16] =	ssyncadd.s32 $0xFFFFC000  }
0x35: {  	[spmem:s12] =	stream.linear.scatter [tilespmem:s18], [sflag:$0x3], $0x4000, $0x38;
	v63 =	vld [tilespmem:$0x0]  }
0x36: {  	_ =	swait.ge [sflag:s16], $0x4000  }
0x37: {  	[sflag:s16] =	ssyncset.done $0x0  }
0x38: {  	[sflag:s16] =	ssyncadd.s32 $0xFFFFC000  }
0x39: {  	[spmem:s13] =	stream.linear.scatter [tilespmem:s18], [sflag:$0x3], $0x4000, $0x38;
	v63 =	vld [tilespmem:$0x0]  }
0x3a: {  	_ =	swait.ge [sflag:s16], $0x4000  }
0x3b: {  	[sflag:s16] =	ssyncset.done $0x0  }
0x3c: {  	[sflag:s16] =	ssyncadd.s32 $0xFFFFC000  }
0x3d: {  	s17 =	simm.s32 $0x0;
	[bflag:$0x0] =	sbarrier.arrive $0xFFFF  }
0x3e: {  	[tilespmem:s18], [sflag:$0x1] =	stream.indirect.gather [hbm4b:s4+s19], $0x80, s17, s19, $0xb8;
	v63 =	vld [tilespmem:$0x0]  }
0x3f: {  	_ =	swait.ge [sflag:s20], $0x4000  }
0x40: {  	[sflag:s20] =	ssyncset.done $0x0  }
0x41: {  	s30 =	simm.s32 $0x80;
	[sflag:s20] =	ssyncadd.s32 $0xFFFFC000  }
0x42: {  	[tilespmem:s21], [sflag:$0x2] =	stream.indirect.gather [hbm4b:s4+s19], $0x80, s30, s19, $0xb8;
	v63 =	vld [tilespmem:$0x0]  }
0x43: {  	s31 =	simm.s32 $0x2000  }
0x44: {  	[spmem:s1] =	stream.indirect.scatter.add.f32 [tilespmem:s18], [sflag:$0x3], $0x80, s31, s19, $0xb8;
	v63 =	vld [tilespmem:$0x0]  }
0x45: {  	_ =	swait.ge [sflag:s16], $0x4000  }
0x46: {  	[sflag:s16] =	ssyncset.done $0x0  }
0x47: {  	[sflag:s16] =	ssyncadd.s32 $0xFFFFC000  }
0x48: {  	_ =	swait.ge [sflag:s22], $0x4000  }
0x49: {  	s26 =	simm.s32 $0x100;
	p0 =	sle.s32 s14, $0x0;
	[sflag:s22] =	ssyncset.done $0x0  }
0x4a: {  	s28 =	simm.s32 @!p0 $0x80;
	s29 =	simm.s32 @!p0 $0x4000;
	[sflag:s22] =	ssyncadd.s32 $0xFFFFC000  }
0x4b: {  	[tilespmem:s29], [sflag:$0x1] =	stream.indirect.gather @!p0 [hbm4b:s4+s28], $0x80, s26, s28, $0xb8;
	v63 =	vld [tilespmem:$0x0]  }
0x4c: {  	p0 =	sne.s32 s7, $0x1  }
.Ltmp1:
0x4d: {  	_ = 	snop;
	(pc) =	sbr.rel @!p0 .LBB2_5-.Ltmp1, $4  }
0x4e: {  	s28 =	simm.s32 $0x2080  }
0x4f: {  	[spmem:s1] =	stream.indirect.scatter.add.f32 [tilespmem:s21], [sflag:$0x3], $0x80, s28, s19, $0xb8;
	v63 =	vld [tilespmem:$0x0]  }
0x50: {  	_ =	swait.ge [sflag:s16], $0x4000  }
0x51: {  	s29 =	simm.s32 $0x2100;
	s28 =	simm.s32 $0x1;
	[sflag:s16] =	ssyncset.done $0x0  }
.LBB2_4:
0x52: {  	[sflag:s16] =	ssyncadd.s32 $0xFFFFC000  }
0x53: {  	s26 =	sadd.s32 $0x100, s26;
	s30 =	smov.u32 s28;
	s28 =	sadd.s32 $0x1, s28  }
0x54: {  	p0 =	sne.s32 s7, s28  }
0x55: {  	_ =	swait.ge [sflag:s20], $0x4000  }
0x56: {  	[sflag:s20] =	ssyncset.done $0x0  }
0x57: {  	s31 =	sadd.s32 $0xFFFFFF80, s26;
	[sflag:s20] =	ssyncadd.s32 $0xFFFFC000  }
0x58: {  	[tilespmem:s21], [sflag:$0x2] =	stream.indirect.gather [hbm4b:s4+s19], $0x80, s31, s19, $0xb8;
	v63 =	vld [tilespmem:$0x0]  }
0x59: {  	_ = 	snop  }
0x5a: {  	[spmem:s1] =	stream.indirect.scatter.add.f32 [tilespmem:s18], [sflag:$0x3], $0x80, s29, s19, $0xb8;
	v63 =	vld [tilespmem:$0x0]  }
0x5b: {  	_ =	swait.ge [sflag:s16], $0x4000  }
0x5c: {  	[sflag:s16] =	ssyncset.done $0x0  }
0x5d: {  	[sflag:s16] =	ssyncadd.s32 $0xFFFFC000  }
0x5e: {  	_ =	swait.ge [sflag:s22], $0x4000  }
0x5f: {  	p1 =	sge.s32 s30, s14;
	[sflag:s22] =	ssyncset.done $0x0  }
0x60: {  	s30 =	simm.s32 @!p1 $0x80;
	s31 =	simm.s32 @!p1 $0x4000;
	[sflag:s22] =	ssyncadd.s32 $0xFFFFC000  }
0x61: {  	[tilespmem:s31], [sflag:$0x1] =	stream.indirect.gather @!p1 [hbm4b:s4+s30], $0x80, s26, s30, $0xb8;
	v63 =	vld [tilespmem:$0x0]  }
.Ltmp2:
0x62: {  	_ = 	snop;
	(pc) =	sbr.rel @p0 .LBB2_4-.Ltmp2, $4  }
0x63: {  	s30 =	sadd.s32 $0x80, s29  }
0x64: {  	[spmem:s1] =	stream.indirect.scatter.add.f32 [tilespmem:s21], [sflag:$0x3], $0x80, s30, s19, $0xb8;
	v63 =	vld [tilespmem:$0x0]  }
0x65: {  	_ =	swait.ge [sflag:s16], $0x4000  }
0x66: {  	s29 =	sadd.s32 $0x100, s29;
	[sflag:s16] =	ssyncset.done $0x0  }
.LBB2_5:
0x67: {  	[sflag:s16] =	ssyncadd.s32 $0xFFFFC000;
	s26 =	sshll.u32 s2, $0x6  }
0x68: {  	s28 =	sshrl.u32 s8, $0x3;
	[bflag:$0x0] =	sbarrier.arrive $0xFFFF;
	s26 =	sor.u32 $0x1C03, s26  }
0x69: {  	[hbm:s23], [sflag:s26] =	dma.local [spmem:s28], $0x2800  }
0x6a: {  	_ =	swait.ge [sflag:s16], $0x2800  }
0x6b: {  	[sflag:s16] =	ssyncset.done $0x0  }
0x6c: {  	s29 =	simm.s32 $0x0;
	s30 =	simm.s32 $0x200;
	[sflag:s16] =	ssyncadd.s32 $0xFFFFD800  }
.LBB2_6:
0x6d: {  	p0 =	sne.s32 s30, $0xFE00;
	[tilespmem:s29+$0x4070] =	vst v0  }
0x6e: {  	[tilespmem:s29+$0x4000] =	vst v0  }
0x6f: {  	[tilespmem:s29+$0x4010] =	vst v0  }
.Ltmp3:
0x70: {  	[tilespmem:s29+$0x4020] =	vst v0;
	(pc) =	sbr.rel @p0 .LBB2_6-.Ltmp3, $4  }
0x71: {  	[tilespmem:s29+$0x4030] =	vst v0  }
0x72: {  	[tilespmem:s29+$0x4040] =	vst v0  }
0x73: {  	[tilespmem:s29+$0x4050] =	vst v0  }
0x74: {  	[tilespmem:s29+$0x4060] =	vst v0;
	s29 =	sshra.s32 s30, $0x2;
	s30 =	sadd.s32 $0x200, s30  }
0x75: {  	[tilespmem:s29+$0x4070] =	vst v0  }
0x76: {  	[tilespmem:s29+$0x4000] =	vst v0  }
0x77: {  	[tilespmem:s29+$0x4010] =	vst v0  }
0x78: {  	[tilespmem:s29+$0x4020] =	vst v0  }
0x79: {  	[tilespmem:s29+$0x4030] =	vst v0  }
0x7a: {  	[tilespmem:s29+$0x4040] =	vst v0  }
0x7b: {  	[tilespmem:s29+$0x4050] =	vst v0  }
0x7c: {  	[tilespmem:s29+$0x4060] =	vst v0  }
0x7d: {  	[spmem:s8] =	stream.linear.scatter [tilespmem:s18], [sflag:$0x3], $0x4000, $0x38;
	v63 =	vld [tilespmem:$0x0]  }
0x7e: {  	_ =	swait.ge [sflag:s16], $0x4000  }
0x7f: {  	[sflag:s16] =	ssyncset.done $0x0  }
0x80: {  	[sflag:s16] =	ssyncadd.s32 $0xFFFFC000  }
0x81: {  	[spmem:s10] =	stream.linear.scatter [tilespmem:s18], [sflag:$0x3], $0x4000, $0x38;
	v63 =	vld [tilespmem:$0x0]  }
0x82: {  	_ =	swait.ge [sflag:s16], $0x4000  }
0x83: {  	[sflag:s16] =	ssyncset.done $0x0  }
0x84: {  	[sflag:s16] =	ssyncadd.s32 $0xFFFFC000  }
0x85: {  	[spmem:s11] =	stream.linear.scatter [tilespmem:s18], [sflag:$0x3], $0x4000, $0x38;
	v63 =	vld [tilespmem:$0x0]  }
0x86: {  	_ =	swait.ge [sflag:s16], $0x4000  }
0x87: {  	[sflag:s16] =	ssyncset.done $0x0  }
0x88: {  	[sflag:s16] =	ssyncadd.s32 $0xFFFFC000  }
0x89: {  	[spmem:s12] =	stream.linear.scatter [tilespmem:s18], [sflag:$0x3], $0x4000, $0x38;
	v63 =	vld [tilespmem:$0x0]  }
0x8a: {  	_ =	swait.ge [sflag:s16], $0x4000  }
0x8b: {  	[sflag:s16] =	ssyncset.done $0x0  }
0x8c: {  	[sflag:s16] =	ssyncadd.s32 $0xFFFFC000  }
0x8d: {  	[spmem:s13] =	stream.linear.scatter [tilespmem:s18], [sflag:$0x3], $0x4000, $0x38;
	v63 =	vld [tilespmem:$0x0]  }
0x8e: {  	_ =	swait.ge [sflag:s16], $0x4000  }
0x8f: {  	[sflag:s16] =	ssyncset.done $0x0  }
0x90: {  	[sflag:s16] =	ssyncadd.s32 $0xFFFFC000  }
0x91: {  	s29 =	simm.s32 $0x0;
	[bflag:$0x0] =	sbarrier.arrive $0xFFFF  }
0x92: {  	[tilespmem:s18], [sflag:$0x1] =	stream.indirect.gather [hbm4b:s5+s19], $0x80, s29, s19, $0xb8;
	v63 =	vld [tilespmem:$0x0]  }
0x93: {  	_ =	swait.ge [sflag:s20], $0x4000  }
0x94: {  	[sflag:s20] =	ssyncset.done $0x0  }
0x95: {  	s29 =	simm.s32 $0x80;
	[sflag:s20] =	ssyncadd.s32 $0xFFFFC000  }
0x96: {  	[tilespmem:s21], [sflag:$0x2] =	stream.indirect.gather [hbm4b:s5+s19], $0x80, s29, s19, $0xb8;
	v63 =	vld [tilespmem:$0x0]  }
0x97: {  	s29 =	simm.s32 $0x2000  }
0x98: {  	[spmem:s1] =	stream.indirect.scatter.add.f32 [tilespmem:s18], [sflag:$0x3], $0x80, s29, s19, $0xb8;
	v63 =	vld [tilespmem:$0x0]  }
0x99: {  	_ =	swait.ge [sflag:s16], $0x4000  }
0x9a: {  	[sflag:s16] =	ssyncset.done $0x0  }
0x9b: {  	[sflag:s16] =	ssyncadd.s32 $0xFFFFC000  }
0x9c: {  	p0 =	sle.s32 s14, $0x0;
	_ =	swait.ge [sflag:s22], $0x4000  }
0x9d: {  	s30 =	simm.s32 @!p0 $0x80;
	[sflag:s22] =	ssyncset.done $0x0  }
0x9e: {  	s31 =	simm.s32 @!p0 $0x4000;
	s29 =	simm.s32 $0x100;
	[sflag:s22] =	ssyncadd.s32 $0xFFFFC000  }
0x9f: {  	[tilespmem:s31], [sflag:$0x1] =	stream.indirect.gather @!p0 [hbm4b:s5+s30], $0x80, s29, s30, $0xb8;
	v63 =	vld [tilespmem:$0x0]  }
0xa0: {  	p0 =	sne.s32 s7, $0x1  }
.Ltmp4:
0xa1: {  	_ = 	snop;
	(pc) =	sbr.rel @!p0 .LBB2_9-.Ltmp4, $4  }
0xa2: {  	s30 =	simm.s32 $0x2080  }
0xa3: {  	[spmem:s1] =	stream.indirect.scatter.add.f32 [tilespmem:s21], [sflag:$0x3], $0x80, s30, s19, $0xb8;
	v63 =	vld [tilespmem:$0x0]  }
0xa4: {  	_ =	swait.ge [sflag:s16], $0x4000  }
0xa5: {  	s31 =	simm.s32 $0x2100;
	s30 =	simm.s32 $0x1;
	[sflag:s16] =	ssyncset.done $0x0  }
.LBB2_8:
0xa6: {  	[sflag:s16] =	ssyncadd.s32 $0xFFFFC000  }
0xa7: {  	s29 =	sadd.s32 $0x100, s29;
	s0 =	smov.u32 s30;
	s30 =	sadd.s32 $0x1, s30  }
0xa8: {  	p0 =	sne.s32 s7, s30  }
0xa9: {  	_ =	swait.ge [sflag:s20], $0x4000  }
0xaa: {  	[sflag:s20] =	ssyncset.done $0x0  }
0xab: {  	s17 =	sadd.s32 $0xFFFFFF80, s29;
	[sflag:s20] =	ssyncadd.s32 $0xFFFFC000  }
0xac: {  	[tilespmem:s21], [sflag:$0x2] =	stream.indirect.gather [hbm4b:s5+s19], $0x80, s17, s19, $0xb8;
	v63 =	vld [tilespmem:$0x0]  }
0xad: {  	_ = 	snop  }
0xae: {  	[spmem:s1] =	stream.indirect.scatter.add.f32 [tilespmem:s18], [sflag:$0x3], $0x80, s31, s19, $0xb8;
	v63 =	vld [tilespmem:$0x0]  }
0xaf: {  	_ =	swait.ge [sflag:s16], $0x4000  }
0xb0: {  	[sflag:s16] =	ssyncset.done $0x0  }
0xb1: {  	[sflag:s16] =	ssyncadd.s32 $0xFFFFC000  }
0xb2: {  	_ =	swait.ge [sflag:s22], $0x4000  }
0xb3: {  	p1 =	sge.s32 s0, s14;
	[sflag:s22] =	ssyncset.done $0x0  }
0xb4: {  	s0 =	simm.s32 @!p1 $0x80;
	s17 =	simm.s32 @!p1 $0x4000;
	[sflag:s22] =	ssyncadd.s32 $0xFFFFC000  }
0xb5: {  	[tilespmem:s17], [sflag:$0x1] =	stream.indirect.gather @!p1 [hbm4b:s5+s0], $0x80, s29, s0, $0xb8;
	v63 =	vld [tilespmem:$0x0]  }
.Ltmp5:
0xb6: {  	_ = 	snop;
	(pc) =	sbr.rel @p0 .LBB2_8-.Ltmp5, $4  }
0xb7: {  	s0 =	sadd.s32 $0x80, s31  }
0xb8: {  	[spmem:s1] =	stream.indirect.scatter.add.f32 [tilespmem:s21], [sflag:$0x3], $0x80, s0, s19, $0xb8;
	v63 =	vld [tilespmem:$0x0]  }
0xb9: {  	_ =	swait.ge [sflag:s16], $0x4000  }
0xba: {  	s31 =	sadd.s32 $0x100, s31;
	[sflag:s16] =	ssyncset.done $0x0  }
.LBB2_9:
0xbb: {  	s25 =	sadd.s32 $0x1, s25  }
0xbc: {  	[sflag:s16] =	ssyncadd.s32 $0xFFFFC000;
	p0 =	sne.s32 s25, s15  }
.Ltmp6:
0xbd: {  	[bflag:$0x0] =	sbarrier.arrive $0xFFFF;
	(pc) =	sbr.rel @p0 .LBB2_1-.Ltmp6, $4  }
0xbe: {  	[hbm:s24], [sflag:s26] =	dma.local [spmem:s28], $0x2800  }
0xbf: {  	_ =	swait.ge [sflag:s16], $0x2800  }
0xc0: {  	[sflag:s16] =	ssyncset.done $0x0  }
0xc1: {  	[sflag:s16] =	ssyncadd.s32 $0xFFFFD800  }
0xc2: {  	_ =	sfence.sel $0x180000  }
0xc3: {  	[bflag:$0x0] =	sbarrier.arrive $0xFFFF  }
0xc4: {  	_ =	strace $0x9000004A  }
0xc5: {  	[bflag:$0x2] =	sbarrier.arrive $0xFFFF  }
0xc6: {  	p0 =	sne.s32 s2, $0x0;
	s0 =	rddreg [dreg:$0x2]  }
0xc7: {  	s0 =	sadd.s32 @!p0 $0x100000, s0  }
0xc8: {  	[sflag:s0] =	ssyncadd.tile.s32 @!p0 $0x1;
	_ =	shalt  }
.Lfunc_end2:
_tile_overlayer_lowered:
.L_overlay_start_2:
0xc9: {  	(tag) =	ssettag $0x2  }
0xca: {  	s0 =	rddreg [dreg:$0x0];
	s2 =	stileid.u32  }
0xcb: {  	s1 =	rddreg [dreg:$0x1];
	p0 =	sne.s32 s2, $0x0  }
0xcc: {  	s3 =	rddreg [dreg:$0x2];
	[bflag:$0x3] =	sbarrier.arrive $0xFFFF;
	s2 =	simm.s32 @!p0 $0x1C03  }
0xcd: {  	[timem:s3], [sflag:s2] =	dma.local @!p0 [hbm:s0], s1  }
0xce: {  	s0 =	simm.s32 @!p0 $0x3  }
0xcf: {  	_ =	swait.ge @!p0 [sflag:s0], s1  }
0xd0: {  	s1 =	ssub.s32 @!p0 $0x0, s1;
	[sflag:s0] =	ssyncset.done @!p0 $0x0  }
0xd1: {  	[sflag:s0] =	ssyncadd.s32 @!p0 s1  }
0xd2: {  	[bflag:$0x3] =	sbarrier.arrive $0xFFFF  }
0xd3: {  	_ =	shalt  }

// kernel: kernel.14.cloned.1.call-start
scs
__scs_entry_jumppad:
0x0: {  	(pc) =	sbr.rel $0x88, $3  }
0x1: {  	(tag) =	ssettag $0x0;
	lr =	simm.s32 $0x1  }
0x2: {  	[smem:$0x3F9A] =	sst lr;
	_ =	strace $0xD0000000  }
0x3: {  	_ = 	snop  }
0x4: {  	_ = 	snop  }
0x5: {  	_ = 	snop  }
0x6: {  	_ = 	snop  }
0x7: {  	_ = 	snop  }
__scs_overlays_trampoline_lowered:
0x8: {  	[smem:$0x3FA9] =	sst s0  }
0x9: {  	[smem:$0x3FAA] =	sst s1  }
0xa: {  	[smem:$0x3FAB] =	sst s2  }
0xb: {  	[smem:$0x3FAC] =	sst s3  }
0xc: {  	[smem:$0x3FAD] =	sst s4  }
0xd: {  	[smem:$0x3FAE] =	sst s5  }
0xe: {  	[smem:$0x3FAF] =	sst s6  }
0xf: {  	[smem:$0x3FB0] =	sst s7  }
0x10: {  	[smem:$0x3FB1] =	sst s8  }
0x11: {  	[smem:$0x3FB2] =	sst s9;
	s0 =	simm.s32 @!p0 $0x0  }
0x12: {  	s1 =	sld [smem:$0x3F98];
	s0 =	simm.s32 @p0 $0x1  }
0x13: {  	[smem:$0x3FB3] =	sst s0;
	s0 =	simm.s32 @!p1 $0x0  }
0x14: {  	s2 =	sld [smem:$0x3F97];
	s0 =	simm.s32 @p1 $0x1  }
0x15: {  	[smem:$0x3FB4] =	sst s0;
	s0 =	simm.s32 @!p2 $0x0  }
0x16: {  	s3 =	sld [smem:$0x3FDB];
	s0 =	simm.s32 @p2 $0x1  }
0x17: {  	s4 =	simm.s32 $0x1BF5;
	[smem:$0x3FB6] =	sst s0  }
0x18: {  	s0 =	sld [smem:$0x3F99];
	_ =	swait.ge [sflag:s4], $0x0  }
0x19: {  	s7 =	sld [smem:$0x3F9A]  }
0x1a: {  	s8 =	sadd.s32 $0xFFFFE003, lr  }
0x1b: {  	s9 =	sadd.s32 $0xFFFFFEF7, lr;
	s5 =	simm.s32 $0xFFFFFFFF;
	p2 =	slt.u32 s8, $0xFFFFF086  }
0x1c: {  	p1 =	slt.u32 s9, $0xF7A;
	s5 =	simm.s32 @!p2 $0x0  }
0x1d: {  	s5 =	simm.s32 @p1 $0x1;
	p0 =	seq.s32 s7, s2  }
0x1e: {  	s7 =	smul.u32 @!p0 $0xF7A, s2;
	p2 =	seq.s32 @!p0 s5, $0x0  }
0x1f: {  	s9 =	smul.u32 $0xF7A, s1;
	s8 =	simm.s32 @!p0 $0x1BF5;
	p2 =	por !p2, p0  }
0x20: {  	[sflag:s8] =	ssyncset.s32 @!p0 $0xFFFFF086;
	s6 =	sadd.s32 @!p0 s3, s7;
	s7 =	simm.s32 @!p0 $0x108  }
0x21: {  	s3 =	sadd.s32 s3, s9;
	s6 =	sadd.s32 @!p0 $0x88, s6;
	s7 =	simm.s32 @p2 $0x1082  }
0x22: {  	[simem:s7], [sflag:s8] =	dma.local @!p0 [hbm:s6], $0xF7A  }
0x23: {  	s9 =	sor.u32 $0xD0000000, s2;
	s6 =	simm.s32 $0x108;
	_ =	swait.ge @!p0 [sflag:s8], $0x0  }
0x24: {  	s3 =	sadd.s32 $0x88, s3;
	s6 =	simm.s32 @!p1 $0x1082;
	[sflag:s4] =	ssyncset.s32 $0xFFFFF086  }
0x25: {  	[simem:s6], [sflag:s4] =	dma.local [hbm:s3], $0xF7A  }
0x26: {  	[smem:$0x3F9A] =	sst s1;
	(tag) =	ssettag s2;
	_ =	strace s9  }
0x27: {  	s1 =	sld [smem:$0x3FAA]  }
0x28: {  	s2 =	sld [smem:$0x3FAB]  }
0x29: {  	s4 =	sld [smem:$0x3FAD]  }
0x2a: {  	p0 =	seq.s32 s5, $0x0;
	s5 =	sld [smem:$0x3FAE]  }
0x2b: {  	s6 =	sld [smem:$0x3FAF]  }
0x2c: {  	s7 =	sld [smem:$0x3FB0]  }
0x2d: {  	s3 =	simm.s32 $0x108;
	s8 =	sld [smem:$0x3FB1]  }
0x2e: {  	s3 =	simm.s32 @!p0 $0x1082;
	s9 =	sld [smem:$0x3FB2]  }
0x2f: {  	lr =	sadd.s32 s0, s3;
	s0 =	sld [smem:$0x3FA9]  }
0x30: {  	s3 =	sld [smem:$0x3FAC]  }
0x31: {  	[smem:$0x3FB5] =	sst s10  }
0x32: {  	s10 =	sld [smem:$0x3FB3];
	_ =	sdelay $0x3  }
0x33: {  	p0 =	seq.s32 s10, $0x1;
	s10 =	sld [smem:$0x3FB5];
	_ =	sdelay $0x3  }
0x34: {  	[smem:$0x3FB5] =	sst s10  }
0x35: {  	s10 =	sld [smem:$0x3FB4];
	_ =	sdelay $0x3  }
0x36: {  	p1 =	seq.s32 s10, $0x1;
	s10 =	sld [smem:$0x3FB5];
	_ =	sdelay $0x3  }
0x37: {  	[smem:$0x3FB5] =	sst s10  }
0x38: {  	s10 =	sld [smem:$0x3FB6]  }
0x39: {  	_ = 	snop;
	(pc) =	sbr.ind lr, $3  }
0x3a: {  	_ = 	snop  }
0x3b: {  	_ = 	snop  }
0x3c: {  	p2 =	seq.s32 s10, $0x1;
	s10 =	sld [smem:$0x3FB5]  }
0x3d: {  	_ =	shalt  }
0x3e: {  	_ =	shalt  }
0x3f: {  	_ =	shalt  }
0x40: {  	_ =	shalt  }
0x41: {  	_ =	shalt  }
0x42: {  	_ =	shalt  }
0x43: {  	_ =	shalt  }
0x44: {  	_ =	shalt  }
0x45: {  	_ =	shalt  }
0x46: {  	_ =	shalt  }
0x47: {  	_ =	shalt  }
0x48: {  	_ =	shalt  }
0x49: {  	_ =	shalt  }
0x4a: {  	_ =	shalt  }
0x4b: {  	_ =	shalt  }
0x4c: {  	_ =	shalt  }
0x4d: {  	_ =	shalt  }
0x4e: {  	_ =	shalt  }
0x4f: {  	_ =	shalt  }
0x50: {  	_ =	shalt  }
0x51: {  	_ =	shalt  }
0x52: {  	_ =	shalt  }
0x53: {  	_ =	shalt  }
0x54: {  	_ =	shalt  }
0x55: {  	_ =	shalt  }
0x56: {  	_ =	shalt  }
0x57: {  	_ =	shalt  }
0x58: {  	_ =	shalt  }
0x59: {  	_ =	shalt  }
0x5a: {  	_ =	shalt  }
0x5b: {  	_ =	shalt  }
0x5c: {  	_ =	shalt  }
0x5d: {  	_ =	shalt  }
0x5e: {  	_ =	shalt  }
0x5f: {  	_ =	shalt  }
0x60: {  	_ =	shalt  }
0x61: {  	_ =	shalt  }
0x62: {  	_ =	shalt  }
0x63: {  	_ =	shalt  }
0x64: {  	_ =	shalt  }
0x65: {  	_ =	shalt  }
0x66: {  	_ =	shalt  }
0x67: {  	_ =	shalt  }
0x68: {  	_ =	shalt  }
0x69: {  	_ =	shalt  }
0x6a: {  	_ =	shalt  }
0x6b: {  	_ =	shalt  }
0x6c: {  	_ =	shalt  }
0x6d: {  	_ =	shalt  }
0x6e: {  	_ =	shalt  }
0x6f: {  	_ =	shalt  }
0x70: {  	_ =	shalt  }
0x71: {  	_ =	shalt  }
0x72: {  	_ =	shalt  }
0x73: {  	_ =	shalt  }
0x74: {  	_ =	shalt  }
0x75: {  	_ =	shalt  }
0x76: {  	_ =	shalt  }
0x77: {  	_ =	shalt  }
0x78: {  	_ =	shalt  }
0x79: {  	_ =	shalt  }
0x7a: {  	_ =	shalt  }
0x7b: {  	_ =	shalt  }
0x7c: {  	_ =	shalt  }
0x7d: {  	_ =	shalt  }
0x7e: {  	_ =	shalt  }
0x7f: {  	_ =	shalt  }
0x80: {  	_ =	shalt  }
0x81: {  	_ =	shalt  }
0x82: {  	_ =	shalt  }
0x83: {  	_ =	shalt  }
0x84: {  	_ =	shalt  }
0x85: {  	_ =	shalt  }
0x86: {  	_ =	shalt  }
0x87: {  	_ =	shalt  }
.Lfunc_end0:
.L_simem_size_0:
called_computation.2_lowered:
.L_overlay_start_0:
0x88: {  	s2 =	sld [smem:$0x3FD9]  }
0x89: {  	s3 =	sld [smem:$0x3FFE];
	_ =	sdelay $0x1  }
0x8a: {  	s1 =	srdreg.scid  }
0x8b: {  	s0 =	sand.u32 $0x1, s1  }
0x8c: {  	s16 =	sshll.u32 s0, $0xA;
	s2 =	sadd.s32 s3, s2  }
0x8d: {  	s2 =	sadd.s32 s2, s16  }
0x8e: {  	[smem:$0x3FC1] =	sst s2  }
0x8f: {  	_ = 	snop  }
0x90: {  	(tm) =	ssettm $0x1  }
0x91: {  	s17 =	sld [smem:$0x3FFB];
	_ =	sdelay $0x3  }
0x92: {  	_ =	strace s17  }
0x93: {  	s2 =	sld [smem:$0x3FFC];
	_ =	sdelay $0x3  }
0x94: {  	_ =	strace s2  }
0x95: {  	s2 =	sld [smem:$0x3FFD];
	_ =	sdelay $0x3  }
0x96: {  	_ =	strace s2  }
0x97: {  	_ =	strace $0x8FFFFFFF  }
0x98: {  	s18 =	sld [smem:$0x3FDB];
	_ =	sdelay $0x1  }
0x99: {  	s19 =	simm.s32 $_scs_section_size  }
0x9a: {  	s4 =	simm.s32 $_size__tile_overlayer_lowered;
	s5 =	simm.s32 $_tile_overlayer_lowered  }
0x9b: {  	s22 =	simm.s32 $0x1BFF;
	s21 =	sshll.u32 s5, $0x1;
	s2 =	sadd.s32 s19, s18  }
0x9c: {  	s6 =	simm.s32 $0x0;
	s20 =	sshll.u32 s4, $0x1;
	s4 =	sadd.s32 s21, s2  }
0x9d: {  	[timem:s6], [sflag:s22] =	dma.local [hbm:s4], s20  }
0x9e: {  	_ =	swait.ge [sflag:s22], s20  }
0x9f: {  	s3 =	ssub.s32 $0x0, s20;
	[sflag:s22] =	ssyncset.done $0x0  }
0xa0: {  	[sflag:s22] =	ssyncadd.s32 s3;
	_ =	sdelay $0x1  }
0xa1: {  	s23 =	simm.s32 $0x1B8B  }
0xa2: {  	_ =	swait.ge [sflag:s23], $0x1  }
0xa3: {  	[sflag:s23] =	ssyncset.done $0x0  }
0xa4: {  	s25 =	simm.s32 $0x1B8E;
	s24 =	sld [smem:$0x3FFE];
	[sflag:s23] =	ssyncadd.s32 $0xFFFFFFFF  }
0xa5: {  	s26 =	simm.s32 $execute0_lowered;
	[smem:$0x3FD2] =	sst s25  }
0xa6: {  	s4 =	sshll.u32 s26, $0x1;
	_ =	strace $0x8000004C;
	[dreg:$0x1] =	wrdreg $0xFFFFFFFF  }
0xa7: {  	s28 =	simm.s32 $_size_execute0_lowered;
	s2 =	sadd.s32 s2, s4;
	[dreg:$0x0] =	wrdreg $0x0  }
0xa8: {  	s4 =	sshll.u32 s28, $0x1;
	[dreg:$0x2] =	wrdreg s2  }
0xa9: {  	[dreg:$0x3] =	wrdreg s4  }
0xaa: {  	[dreg:$0x4] =	wrdreg $0xC0  }
0xab: {  	_ =	task [dreg:s6], $0x5FFFF  }
0xac: {  	[dreg:$0x1] =	wrdreg $0xFFFFFFFF  }
0xad: {  	[dreg:$0x0] =	wrdreg $0x60  }
0xae: {  	[dreg:$0x2] =	wrdreg s24  }
0xaf: {  	[dreg:$0x3] =	wrdreg $0xC0000  }
0xb0: {  	[dreg:$0x4] =	wrdreg $0x9  }
0xb1: {  	_ =	task.clear_ibuf [dreg:s6], $0x5FFFF;
	_ =	strace $0x9000004C  }
0xb2: {  	s29 =	simm.s32 $0x9;
	_ =	strace $0x8000004E  }
0xb3: {  	_ =	swait.ge [sflag:s29], $0x1  }
0xb4: {  	[sflag:s29] =	ssyncadd.s32 $0xFFFFFFFF  }
0xb5: {  	_ =	strace $0x9000004E  }
0xb6: {  	_ =	sfence  }
0xb7: {  	s30 =	sld [smem:$0x0];
	_ =	sdelay $0x2  }
0xb8: {  	s31 =	sshll.u32 s1, $0xD;
	s1 =	sshrl.u32 s1, $0x2  }
0xb9: {  	s3 =	sand.u32 $0x4000, s31;
	s1 =	sadd.s32 s1, s30  }
0xba: {  	s0 =	sor.u32 s3, s0;
	s1 =	sshll.u32 s1, $0x11  }
0xbb: {  	s0 =	sor.u32 s1, s0  }
0xbc: {  	s0 =	sadd.s32 $0x8F2B, s0  }
0xbd: {  	[sflag:s0] =	ssyncadd.remote.s32 $0x1  }
0xbe: {  	_ =	sfence.sel $0xFFFF  }
0xbf: {  	[dreg:$0x0] =	wrdreg $0xFFFFFFFF;
	(pc) =	sbr.abs _section_cstart, $3  }
0xc0: {  	[dreg:$0x1] =	wrdreg $0xFFFFFFFF  }
0xc1: {  	_ =	task.clear_ibuf [dreg:s6], $0x2FFFF;
	_ =	strace $0x9FFFFFFF  }
0xc2: {  	(tm) =	ssettm $0x7FFFFFFF  }
0xc3: {  	_ =	shalt  }
tec
execute0_lowered:
.L_overlay_start_1:
0x0: {  	(tag) =	ssettag $0x1  }
0x1: {  	s5 =	rddreg [dreg:$0x0]  }
0x2: {  	s1 =	rddreg [dreg:$0x1]  }
0x3: {  	s0 =	rddreg [dreg:$0x2];
	s2 =	simm.s32 $0x0;
	s3 =	srdreg.scid  }
0x4: {  	s16 =	simm.s32 $0x2000;
	s17 =	simm.s32 $0x4000;
	s18 =	simm.s32 $0x80  }
0x5: {  	s19 =	simm.s32 $0x1;
	s20 =	simm.s32 $0x8000;
	s21 =	simm.s32 $0x2  }
0x6: {  	[smem:$0x7FF] =	sst s2;
	s7 =	sand.u32 $0x1, s3;
	s4 =	sadd.s32 $0x18C00, s5  }
0x7: {  	s3 =	stileid.u32;
	_ =	strace $0x8000004D;
	s6 =	sshll.u32 s7, $0xE  }
0x8: {  	s8 =	sshll.u32 s3, $0xA;
	s9 =	smul.u32 $0x28000, s7;
	s10 =	ssub.s32 $0x2, s7  }
0x9: {  	s11 =	smul.u32 $0x50000, s3;
	p0 =	seq.s32 s7, $0x0;
	s7 =	simm.s32 $0x20  }
0xa: {  	s23 =	smul.u32 $0x2800, s3;
	s6 =	sor.u32 s8, s6;
	s30 =	sshrl.u32 s10, $0x1  }
0xb: {  	s7 =	simm.s32 @!p0 $0x8;
	s6 =	sadd.s32 s6, s5;
	s14 =	sadd.s32 s9, s5  }
0xc: {  	s15 =	ssub.s32 s10, s30;
	s31 =	sshrl.u32 s11, $0x2;
	s13 =	sadd.s32 $0xFFFFFFFF, s7  }
0xd: {  	s5 =	sadd.s32 $0x10C00, s6;
	s6 =	sadd.s32 $0x8C00, s6;
	s8 =	sadd.s32 s31, s1  }
0xe: {  	s22 =	sadd.s32 $0x3FE00, s14;
	s14 =	smax.u32 s15, $0x1;
	s15 =	simm.s32 $0x3  }
0xf: {  	s9 =	sadd.s32 $0x4000, s8;
	s10 =	sadd.s32 $0x8000, s8;
	s11 =	sadd.s32 $0xC000, s8  }
0x10: {  	v0 =	vimm.f32 $0.0e+00;
	s12 =	sadd.s32 $0x10000, s8;
	s22 =	sadd.s32 s23, s22;
	s23 =	simm.s32 $0x0  }
.LBB2_1:
0x11: {  	[tilespmem:s2], [sflag:$0x3] =	stream.linear.gather [hbm4b:s5+s2], $0x2000, $0x38;
	v63 =	vld [tilespmem:$0x0]  }
0x12: {  	_ =	swait.ge [sflag:s15], $0x2000  }
0x13: {  	[sflag:s15] =	ssyncset.done $0x0  }
0x14: {  	[sflag:s15] =	ssyncadd.s32 $0xFFFFE000  }
0x15: {  	[tilespmem:s16], [sflag:$0x3] =	stream.linear.gather [hbm4b:s6+s2], $0x2000, $0x38;
	v63 =	vld [tilespmem:$0x0]  }
0x16: {  	_ =	swait.ge [sflag:s15], $0x2000  }
0x17: {  	[sflag:s15] =	ssyncset.done $0x0  }
0x18: {  	s24 =	simm.s32 $0x0;
	s25 =	simm.s32 $0x200;
	[sflag:s15] =	ssyncadd.s32 $0xFFFFE000  }
.LBB2_2:
0x19: {  	p0 =	sne.s32 s25, $0xFE00;
	[tilespmem:s24+$0x4070] =	vst v0  }
0x1a: {  	[tilespmem:s24+$0x4000] =	vst v0  }
0x1b: {  	[tilespmem:s24+$0x4010] =	vst v0  }
.Ltmp0:
0x1c: {  	[tilespmem:s24+$0x4020] =	vst v0;
	(pc) =	sbr.rel @p0 .LBB2_2-.Ltmp0, $4  }
0x1d: {  	[tilespmem:s24+$0x4030] =	vst v0  }
0x1e: {  	[tilespmem:s24+$0x4040] =	vst v0  }
0x1f: {  	[tilespmem:s24+$0x4050] =	vst v0  }
0x20: {  	[tilespmem:s24+$0x4060] =	vst v0;
	s24 =	sshra.s32 s25, $0x2;
	s25 =	sadd.s32 $0x200, s25  }
0x21: {  	[tilespmem:s24+$0x4070] =	vst v0  }
0x22: {  	[tilespmem:s24+$0x4000] =	vst v0  }
0x23: {  	[tilespmem:s24+$0x4010] =	vst v0  }
0x24: {  	[tilespmem:s24+$0x4020] =	vst v0  }
0x25: {  	[tilespmem:s24+$0x4030] =	vst v0  }
0x26: {  	[tilespmem:s24+$0x4040] =	vst v0  }
0x27: {  	[tilespmem:s24+$0x4050] =	vst v0  }
0x28: {  	[tilespmem:s24+$0x4060] =	vst v0  }
0x29: {  	[spmem:s8] =	stream.linear.scatter [tilespmem:s17], [sflag:$0x3], $0x4000, $0x38;
	v63 =	vld [tilespmem:$0x0]  }
0x2a: {  	_ =	swait.ge [sflag:s15], $0x4000  }
0x2b: {  	[sflag:s15] =	ssyncset.done $0x0  }
0x2c: {  	[sflag:s15] =	ssyncadd.s32 $0xFFFFC000  }
0x2d: {  	[spmem:s9] =	stream.linear.scatter [tilespmem:s17], [sflag:$0x3], $0x4000, $0x38;
	v63 =	vld [tilespmem:$0x0]  }
0x2e: {  	_ =	swait.ge [sflag:s15], $0x4000  }
0x2f: {  	[sflag:s15] =	ssyncset.done $0x0  }
0x30: {  	[sflag:s15] =	ssyncadd.s32 $0xFFFFC000  }
0x31: {  	[spmem:s10] =	stream.linear.scatter [tilespmem:s17], [sflag:$0x3], $0x4000, $0x38;
	v63 =	vld [tilespmem:$0x0]  }
0x32: {  	_ =	swait.ge [sflag:s15], $0x4000  }
0x33: {  	[sflag:s15] =	ssyncset.done $0x0  }
0x34: {  	[sflag:s15] =	ssyncadd.s32 $0xFFFFC000  }
0x35: {  	[spmem:s11] =	stream.linear.scatter [tilespmem:s17], [sflag:$0x3], $0x4000, $0x38;
	v63 =	vld [tilespmem:$0x0]  }
0x36: {  	_ =	swait.ge [sflag:s15], $0x4000  }
0x37: {  	[sflag:s15] =	ssyncset.done $0x0  }
0x38: {  	[sflag:s15] =	ssyncadd.s32 $0xFFFFC000  }
0x39: {  	[spmem:s12] =	stream.linear.scatter [tilespmem:s17], [sflag:$0x3], $0x4000, $0x38;
	v63 =	vld [tilespmem:$0x0]  }
0x3a: {  	_ =	swait.ge [sflag:s15], $0x4000  }
0x3b: {  	[sflag:s15] =	ssyncset.done $0x0  }
0x3c: {  	[sflag:s15] =	ssyncadd.s32 $0xFFFFC000  }
0x3d: {  	s28 =	simm.s32 $0x0;
	[bflag:$0x0] =	sbarrier.arrive $0xFFFF  }
0x3e: {  	[tilespmem:s17], [sflag:$0x1] =	stream.indirect.gather [hbm4b:s4+s18], $0x80, s28, s18, $0xb8;
	v63 =	vld [tilespmem:$0x0]  }
0x3f: {  	_ =	swait.ge [sflag:s19], $0x4000  }
0x40: {  	[sflag:s19] =	ssyncset.done $0x0  }
0x41: {  	s29 =	simm.s32 $0x80;
	[sflag:s19] =	ssyncadd.s32 $0xFFFFC000  }
0x42: {  	[tilespmem:s20], [sflag:$0x2] =	stream.indirect.gather [hbm4b:s4+s18], $0x80, s29, s18, $0xb8;
	v63 =	vld [tilespmem:$0x0]  }
0x43: {  	s30 =	simm.s32 $0x2000  }
0x44: {  	[spmem:s1] =	stream.indirect.scatter.add.f32 [tilespmem:s17], [sflag:$0x3], $0x80, s30, s18, $0xb8;
	v63 =	vld [tilespmem:$0x0]  }
0x45: {  	_ =	swait.ge [sflag:s15], $0x4000  }
0x46: {  	[sflag:s15] =	ssyncset.done $0x0  }
0x47: {  	[sflag:s15] =	ssyncadd.s32 $0xFFFFC000  }
0x48: {  	_ =	swait.ge [sflag:s21], $0x4000  }
0x49: {  	s24 =	simm.s32 $0x100;
	p0 =	sle.s32 s13, $0x0;
	[sflag:s21] =	ssyncset.done $0x0  }
0x4a: {  	s25 =	simm.s32 @!p0 $0x80;
	s26 =	simm.s32 @!p0 $0x4000;
	[sflag:s21] =	ssyncadd.s32 $0xFFFFC000  }
0x4b: {  	[tilespmem:s26], [sflag:$0x1] =	stream.indirect.gather @!p0 [hbm4b:s4+s25], $0x80, s24, s25, $0xb8;
	v63 =	vld [tilespmem:$0x0]  }
0x4c: {  	p0 =	sne.s32 s7, $0x1  }
.Ltmp1:
0x4d: {  	_ = 	snop;
	(pc) =	sbr.rel @!p0 .LBB2_5-.Ltmp1, $4  }
0x4e: {  	s31 =	simm.s32 $0x2080  }
0x4f: {  	[spmem:s1] =	stream.indirect.scatter.add.f32 [tilespmem:s20], [sflag:$0x3], $0x80, s31, s18, $0xb8;
	v63 =	vld [tilespmem:$0x0]  }
0x50: {  	_ =	swait.ge [sflag:s15], $0x4000  }
0x51: {  	s25 =	simm.s32 $0x1;
	s26 =	simm.s32 $0x2100;
	[sflag:s15] =	ssyncset.done $0x0  }
.LBB2_4:
0x52: {  	[sflag:s15] =	ssyncadd.s32 $0xFFFFC000  }
0x53: {  	s24 =	sadd.s32 $0x100, s24;
	s28 =	smov.u32 s25;
	s25 =	sadd.s32 $0x1, s25  }
0x54: {  	p0 =	sne.s32 s7, s25  }
0x55: {  	_ =	swait.ge [sflag:s19], $0x4000  }
0x56: {  	[sflag:s19] =	ssyncset.done $0x0  }
0x57: {  	s29 =	sadd.s32 $0xFFFFFF80, s24;
	[sflag:s19] =	ssyncadd.s32 $0xFFFFC000  }
0x58: {  	[tilespmem:s20], [sflag:$0x2] =	stream.indirect.gather [hbm4b:s4+s18], $0x80, s29, s18, $0xb8;
	v63 =	vld [tilespmem:$0x0]  }
0x59: {  	_ = 	snop  }
0x5a: {  	[spmem:s1] =	stream.indirect.scatter.add.f32 [tilespmem:s17], [sflag:$0x3], $0x80, s26, s18, $0xb8;
	v63 =	vld [tilespmem:$0x0]  }
0x5b: {  	_ =	swait.ge [sflag:s15], $0x4000  }
0x5c: {  	[sflag:s15] =	ssyncset.done $0x0  }
0x5d: {  	[sflag:s15] =	ssyncadd.s32 $0xFFFFC000  }
0x5e: {  	_ =	swait.ge [sflag:s21], $0x4000  }
0x5f: {  	p1 =	sge.s32 s28, s13;
	[sflag:s21] =	ssyncset.done $0x0  }
0x60: {  	s28 =	simm.s32 @!p1 $0x80;
	s29 =	simm.s32 @!p1 $0x4000;
	[sflag:s21] =	ssyncadd.s32 $0xFFFFC000  }
0x61: {  	[tilespmem:s29], [sflag:$0x1] =	stream.indirect.gather @!p1 [hbm4b:s4+s28], $0x80, s24, s28, $0xb8;
	v63 =	vld [tilespmem:$0x0]  }
.Ltmp2:
0x62: {  	_ = 	snop;
	(pc) =	sbr.rel @p0 .LBB2_4-.Ltmp2, $4  }
0x63: {  	s28 =	sadd.s32 $0x80, s26  }
0x64: {  	[spmem:s1] =	stream.indirect.scatter.add.f32 [tilespmem:s20], [sflag:$0x3], $0x80, s28, s18, $0xb8;
	v63 =	vld [tilespmem:$0x0]  }
0x65: {  	_ =	swait.ge [sflag:s15], $0x4000  }
0x66: {  	s26 =	sadd.s32 $0x100, s26;
	[sflag:s15] =	ssyncset.done $0x0  }
.LBB2_5:
0x67: {  	[sflag:s15] =	ssyncadd.s32 $0xFFFFC000;
	s23 =	sadd.s32 $0x1, s23  }
0x68: {  	s24 =	sshll.u32 s3, $0x6;
	s25 =	sshrl.u32 s8, $0x3;
	p0 =	sne.s32 s23, s14  }
.Ltmp3:
0x69: {  	[bflag:$0x0] =	sbarrier.arrive $0xFFFF;
	s24 =	sor.u32 $0x1C03, s24;
	(pc) =	sbr.rel @p0 .LBB2_1-.Ltmp3, $4  }
0x6a: {  	[hbm:s22], [sflag:s24] =	dma.local [spmem:s25], $0x2800  }
0x6b: {  	_ =	swait.ge [sflag:s15], $0x2800  }
0x6c: {  	[sflag:s15] =	ssyncset.done $0x0  }
0x6d: {  	[sflag:s15] =	ssyncadd.s32 $0xFFFFD800  }
0x6e: {  	_ =	sfence.sel $0x180000  }
0x6f: {  	[bflag:$0x0] =	sbarrier.arrive $0xFFFF  }
0x70: {  	p0 =	sne.s32 s3, $0x0;
	_ =	strace $0x9000004D  }
0x71: {  	s0 =	sadd.s32 @!p0 $0x100000, s0;
	[bflag:$0x2] =	sbarrier.arrive $0xFFFF  }
0x72: {  	[sflag:s0] =	ssyncadd.tile.s32 @!p0 $0x1;
	_ =	shalt  }
.Lfunc_end2:
_tile_overlayer_lowered:
.L_overlay_start_2:
0x73: {  	(tag) =	ssettag $0x2  }
0x74: {  	s0 =	rddreg [dreg:$0x0];
	s2 =	stileid.u32  }
0x75: {  	s1 =	rddreg [dreg:$0x1];
	p0 =	sne.s32 s2, $0x0  }
0x76: {  	s3 =	rddreg [dreg:$0x2];
	[bflag:$0x3] =	sbarrier.arrive $0xFFFF;
	s2 =	simm.s32 @!p0 $0x1C03  }
0x77: {  	[timem:s3], [sflag:s2] =	dma.local @!p0 [hbm:s0], s1  }
0x78: {  	s0 =	simm.s32 @!p0 $0x3  }
0x79: {  	_ =	swait.ge @!p0 [sflag:s0], s1  }
0x7a: {  	s1 =	ssub.s32 @!p0 $0x0, s1;
	[sflag:s0] =	ssyncset.done @!p0 $0x0  }
0x7b: {  	[sflag:s0] =	ssyncadd.s32 @!p0 s1  }
0x7c: {  	[bflag:$0x3] =	sbarrier.arrive $0xFFFF  }
0x7d: {  	_ =	shalt  }

// kernel: kernel.8.cloned.1.call-start
scs
__scs_entry_jumppad:
0x0: {  	(pc) =	sbr.rel $0x88, $3  }
0x1: {  	(tag) =	ssettag $0x0;
	lr =	simm.s32 $0x1  }
0x2: {  	[smem:$0x3F9A] =	sst lr;
	_ =	strace $0xD0000000  }
0x3: {  	_ = 	snop  }
0x4: {  	_ = 	snop  }
0x5: {  	_ = 	snop  }
0x6: {  	_ = 	snop  }
0x7: {  	_ = 	snop  }
__scs_overlays_trampoline_lowered:
0x8: {  	[smem:$0x3FA9] =	sst s0  }
0x9: {  	[smem:$0x3FAA] =	sst s1  }
0xa: {  	[smem:$0x3FAB] =	sst s2  }
0xb: {  	[smem:$0x3FAC] =	sst s3  }
0xc: {  	[smem:$0x3FAD] =	sst s4  }
0xd: {  	[smem:$0x3FAE] =	sst s5  }
0xe: {  	[smem:$0x3FAF] =	sst s6  }
0xf: {  	[smem:$0x3FB0] =	sst s7  }
0x10: {  	[smem:$0x3FB1] =	sst s8  }
0x11: {  	[smem:$0x3FB2] =	sst s9;
	s0 =	simm.s32 @!p0 $0x0  }
0x12: {  	s1 =	sld [smem:$0x3F98];
	s0 =	simm.s32 @p0 $0x1  }
0x13: {  	[smem:$0x3FB3] =	sst s0;
	s0 =	simm.s32 @!p1 $0x0  }
0x14: {  	s2 =	sld [smem:$0x3F97];
	s0 =	simm.s32 @p1 $0x1  }
0x15: {  	[smem:$0x3FB4] =	sst s0;
	s0 =	simm.s32 @!p2 $0x0  }
0x16: {  	s3 =	sld [smem:$0x3FDB];
	s0 =	simm.s32 @p2 $0x1  }
0x17: {  	s4 =	simm.s32 $0x1BF5;
	[smem:$0x3FB6] =	sst s0  }
0x18: {  	s0 =	sld [smem:$0x3F99];
	_ =	swait.ge [sflag:s4], $0x0  }
0x19: {  	s7 =	sld [smem:$0x3F9A]  }
0x1a: {  	s8 =	sadd.s32 $0xFFFFE003, lr  }
0x1b: {  	s9 =	sadd.s32 $0xFFFFFEF7, lr;
	s5 =	simm.s32 $0xFFFFFFFF;
	p2 =	slt.u32 s8, $0xFFFFF086  }
0x1c: {  	p1 =	slt.u32 s9, $0xF7A;
	s5 =	simm.s32 @!p2 $0x0  }
0x1d: {  	s5 =	simm.s32 @p1 $0x1;
	p0 =	seq.s32 s7, s2  }
0x1e: {  	s7 =	smul.u32 @!p0 $0xF7A, s2;
	p2 =	seq.s32 @!p0 s5, $0x0  }
0x1f: {  	s9 =	smul.u32 $0xF7A, s1;
	s8 =	simm.s32 @!p0 $0x1BF5;
	p2 =	por !p2, p0  }
0x20: {  	[sflag:s8] =	ssyncset.s32 @!p0 $0xFFFFF086;
	s6 =	sadd.s32 @!p0 s3, s7;
	s7 =	simm.s32 @!p0 $0x108  }
0x21: {  	s3 =	sadd.s32 s3, s9;
	s6 =	sadd.s32 @!p0 $0x88, s6;
	s7 =	simm.s32 @p2 $0x1082  }
0x22: {  	[simem:s7], [sflag:s8] =	dma.local @!p0 [hbm:s6], $0xF7A  }
0x23: {  	s9 =	sor.u32 $0xD0000000, s2;
	s6 =	simm.s32 $0x108;
	_ =	swait.ge @!p0 [sflag:s8], $0x0  }
0x24: {  	s3 =	sadd.s32 $0x88, s3;
	s6 =	simm.s32 @!p1 $0x1082;
	[sflag:s4] =	ssyncset.s32 $0xFFFFF086  }
0x25: {  	[simem:s6], [sflag:s4] =	dma.local [hbm:s3], $0xF7A  }
0x26: {  	[smem:$0x3F9A] =	sst s1;
	(tag) =	ssettag s2;
	_ =	strace s9  }
0x27: {  	s1 =	sld [smem:$0x3FAA]  }
0x28: {  	s2 =	sld [smem:$0x3FAB]  }
0x29: {  	s4 =	sld [smem:$0x3FAD]  }
0x2a: {  	p0 =	seq.s32 s5, $0x0;
	s5 =	sld [smem:$0x3FAE]  }
0x2b: {  	s6 =	sld [smem:$0x3FAF]  }
0x2c: {  	s7 =	sld [smem:$0x3FB0]  }
0x2d: {  	s3 =	simm.s32 $0x108;
	s8 =	sld [smem:$0x3FB1]  }
0x2e: {  	s3 =	simm.s32 @!p0 $0x1082;
	s9 =	sld [smem:$0x3FB2]  }
0x2f: {  	lr =	sadd.s32 s0, s3;
	s0 =	sld [smem:$0x3FA9]  }
0x30: {  	s3 =	sld [smem:$0x3FAC]  }
0x31: {  	[smem:$0x3FB5] =	sst s10  }
0x32: {  	s10 =	sld [smem:$0x3FB3];
	_ =	sdelay $0x3  }
0x33: {  	p0 =	seq.s32 s10, $0x1;
	s10 =	sld [smem:$0x3FB5];
	_ =	sdelay $0x3  }
0x34: {  	[smem:$0x3FB5] =	sst s10  }
0x35: {  	s10 =	sld [smem:$0x3FB4];
	_ =	sdelay $0x3  }
0x36: {  	p1 =	seq.s32 s10, $0x1;
	s10 =	sld [smem:$0x3FB5];
	_ =	sdelay $0x3  }
0x37: {  	[smem:$0x3FB5] =	sst s10  }
0x38: {  	s10 =	sld [smem:$0x3FB6]  }
0x39: {  	_ = 	snop;
	(pc) =	sbr.ind lr, $3  }
0x3a: {  	_ = 	snop  }
0x3b: {  	_ = 	snop  }
0x3c: {  	p2 =	seq.s32 s10, $0x1;
	s10 =	sld [smem:$0x3FB5]  }
0x3d: {  	_ =	shalt  }
0x3e: {  	_ =	shalt  }
0x3f: {  	_ =	shalt  }
0x40: {  	_ =	shalt  }
0x41: {  	_ =	shalt  }
0x42: {  	_ =	shalt  }
0x43: {  	_ =	shalt  }
0x44: {  	_ =	shalt  }
0x45: {  	_ =	shalt  }
0x46: {  	_ =	shalt  }
0x47: {  	_ =	shalt  }
0x48: {  	_ =	shalt  }
0x49: {  	_ =	shalt  }
0x4a: {  	_ =	shalt  }
0x4b: {  	_ =	shalt  }
0x4c: {  	_ =	shalt  }
0x4d: {  	_ =	shalt  }
0x4e: {  	_ =	shalt  }
0x4f: {  	_ =	shalt  }
0x50: {  	_ =	shalt  }
0x51: {  	_ =	shalt  }
0x52: {  	_ =	shalt  }
0x53: {  	_ =	shalt  }
0x54: {  	_ =	shalt  }
0x55: {  	_ =	shalt  }
0x56: {  	_ =	shalt  }
0x57: {  	_ =	shalt  }
0x58: {  	_ =	shalt  }
0x59: {  	_ =	shalt  }
0x5a: {  	_ =	shalt  }
0x5b: {  	_ =	shalt  }
0x5c: {  	_ =	shalt  }
0x5d: {  	_ =	shalt  }
0x5e: {  	_ =	shalt  }
0x5f: {  	_ =	shalt  }
0x60: {  	_ =	shalt  }
0x61: {  	_ =	shalt  }
0x62: {  	_ =	shalt  }
0x63: {  	_ =	shalt  }
0x64: {  	_ =	shalt  }
0x65: {  	_ =	shalt  }
0x66: {  	_ =	shalt  }
0x67: {  	_ =	shalt  }
0x68: {  	_ =	shalt  }
0x69: {  	_ =	shalt  }
0x6a: {  	_ =	shalt  }
0x6b: {  	_ =	shalt  }
0x6c: {  	_ =	shalt  }
0x6d: {  	_ =	shalt  }
0x6e: {  	_ =	shalt  }
0x6f: {  	_ =	shalt  }
0x70: {  	_ =	shalt  }
0x71: {  	_ =	shalt  }
0x72: {  	_ =	shalt  }
0x73: {  	_ =	shalt  }
0x74: {  	_ =	shalt  }
0x75: {  	_ =	shalt  }
0x76: {  	_ =	shalt  }
0x77: {  	_ =	shalt  }
0x78: {  	_ =	shalt  }
0x79: {  	_ =	shalt  }
0x7a: {  	_ =	shalt  }
0x7b: {  	_ =	shalt  }
0x7c: {  	_ =	shalt  }
0x7d: {  	_ =	shalt  }
0x7e: {  	_ =	shalt  }
0x7f: {  	_ =	shalt  }
0x80: {  	_ =	shalt  }
0x81: {  	_ =	shalt  }
0x82: {  	_ =	shalt  }
0x83: {  	_ =	shalt  }
0x84: {  	_ =	shalt  }
0x85: {  	_ =	shalt  }
0x86: {  	_ =	shalt  }
0x87: {  	_ =	shalt  }
.Lfunc_end0:
.L_simem_size_0:
called_computation_lowered:
.L_overlay_start_0:
0x88: {  	s2 =	sld [smem:$0x3FD9]  }
0x89: {  	s3 =	sld [smem:$0x3FFE];
	_ =	sdelay $0x1  }
0x8a: {  	s1 =	srdreg.scid  }
0x8b: {  	s0 =	sand.u32 $0x1, s1  }
0x8c: {  	s16 =	sshll.u32 s0, $0xA;
	s2 =	sadd.s32 s3, s2  }
0x8d: {  	s2 =	sadd.s32 s2, s16  }
0x8e: {  	[smem:$0x3FC1] =	sst s2  }
0x8f: {  	_ = 	snop  }
0x90: {  	(tm) =	ssettm $0x1  }
0x91: {  	s17 =	sld [smem:$0x3FFB];
	_ =	sdelay $0x3  }
0x92: {  	_ =	strace s17  }
0x93: {  	s2 =	sld [smem:$0x3FFC];
	_ =	sdelay $0x3  }
0x94: {  	_ =	strace s2  }
0x95: {  	s2 =	sld [smem:$0x3FFD];
	_ =	sdelay $0x3  }
0x96: {  	_ =	strace s2  }
0x97: {  	_ =	strace $0x8FFFFFFF  }
0x98: {  	s18 =	sld [smem:$0x3FDB];
	_ =	sdelay $0x1  }
0x99: {  	s19 =	simm.s32 $_scs_section_size  }
0x9a: {  	s4 =	simm.s32 $_size__tile_overlayer_lowered;
	s5 =	simm.s32 $_tile_overlayer_lowered  }
0x9b: {  	s22 =	simm.s32 $0x1BFF;
	s21 =	sshll.u32 s5, $0x1;
	s2 =	sadd.s32 s19, s18  }
0x9c: {  	s6 =	simm.s32 $0x0;
	s20 =	sshll.u32 s4, $0x1;
	s4 =	sadd.s32 s21, s2  }
0x9d: {  	[timem:s6], [sflag:s22] =	dma.local [hbm:s4], s20  }
0x9e: {  	_ =	swait.ge [sflag:s22], s20  }
0x9f: {  	s3 =	ssub.s32 $0x0, s20;
	[sflag:s22] =	ssyncset.done $0x0  }
0xa0: {  	[sflag:s22] =	ssyncadd.s32 s3;
	_ =	sdelay $0x1  }
0xa1: {  	s23 =	simm.s32 $0x1B8B  }
0xa2: {  	_ =	swait.ge [sflag:s23], $0x1  }
0xa3: {  	[sflag:s23] =	ssyncset.done $0x0  }
0xa4: {  	s25 =	simm.s32 $0x1B8E;
	s24 =	sld [smem:$0x3FFE];
	[sflag:s23] =	ssyncadd.s32 $0xFFFFFFFF  }
0xa5: {  	s26 =	simm.s32 $execute0_lowered;
	[smem:$0x3FD2] =	sst s25  }
0xa6: {  	s4 =	sshll.u32 s26, $0x1;
	_ =	strace $0x80000046;
	[dreg:$0x1] =	wrdreg $0xFFFFFFFF  }
0xa7: {  	s28 =	simm.s32 $_size_execute0_lowered;
	s2 =	sadd.s32 s2, s4;
	[dreg:$0x0] =	wrdreg $0x0  }
0xa8: {  	s4 =	sshll.u32 s28, $0x1;
	[dreg:$0x2] =	wrdreg s2  }
0xa9: {  	[dreg:$0x3] =	wrdreg s4  }
0xaa: {  	[dreg:$0x4] =	wrdreg $0xC0  }
0xab: {  	_ =	task [dreg:s6], $0x5FFFF  }
0xac: {  	[dreg:$0x1] =	wrdreg $0xFFFFFFFF  }
0xad: {  	[dreg:$0x0] =	wrdreg $0x60  }
0xae: {  	[dreg:$0x2] =	wrdreg s24  }
0xaf: {  	[dreg:$0x3] =	wrdreg $0x17000  }
0xb0: {  	[dreg:$0x4] =	wrdreg $0x9  }
0xb1: {  	_ =	task.clear_ibuf [dreg:s6], $0x5FFFF;
	_ =	strace $0x90000046  }
0xb2: {  	s29 =	simm.s32 $0x9;
	_ =	strace $0x80000048  }
0xb3: {  	_ =	swait.ge [sflag:s29], $0x1  }
0xb4: {  	[sflag:s29] =	ssyncadd.s32 $0xFFFFFFFF  }
0xb5: {  	_ =	strace $0x90000048  }
0xb6: {  	_ =	sfence  }
0xb7: {  	s30 =	sld [smem:$0x0];
	_ =	sdelay $0x2  }
0xb8: {  	s31 =	sshll.u32 s1, $0xD;
	s1 =	sshrl.u32 s1, $0x2  }
0xb9: {  	s3 =	sand.u32 $0x4000, s31;
	s1 =	sadd.s32 s1, s30  }
0xba: {  	s0 =	sor.u32 s3, s0;
	s1 =	sshll.u32 s1, $0x11  }
0xbb: {  	s0 =	sor.u32 s1, s0  }
0xbc: {  	s0 =	sadd.s32 $0x8F2B, s0  }
0xbd: {  	[sflag:s0] =	ssyncadd.remote.s32 $0x1  }
0xbe: {  	_ =	sfence.sel $0xFFFF  }
0xbf: {  	[dreg:$0x0] =	wrdreg $0xFFFFFFFF;
	(pc) =	sbr.abs _section_cstart, $3  }
0xc0: {  	[dreg:$0x1] =	wrdreg $0xFFFFFFFF  }
0xc1: {  	_ =	task.clear_ibuf [dreg:s6], $0x2FFFF;
	_ =	strace $0x9FFFFFFF  }
0xc2: {  	(tm) =	ssettm $0x7FFFFFFF  }
0xc3: {  	_ =	shalt  }
tec
execute0_lowered:
.L_overlay_start_1:
0x0: {  	(tag) =	ssettag $0x1  }
0x1: {  	s4 =	rddreg [dreg:$0x0]  }
0x2: {  	s2 =	rddreg [dreg:$0x1];
	s3 =	srdreg.scid  }
0x3: {  	s1 =	stileid.u32;
	s0 =	rddreg [dreg:$0x2];
	s10 =	simm.s32 $0x80  }
0x4: {  	s11 =	simm.s32 $0x1400;
	s14 =	simm.s32 $0x0;
	s5 =	sand.u32 $0x1, s3  }
0x5: {  	s6 =	smul.u32 $0x280, s1;
	s3 =	simm.s32 $0x0;
	s7 =	sshll.u32 s1, $0x1  }
0x6: {  	s12 =	sshll.u32 s1, $0x6;
	s8 =	smul.u32 $0x2800, s5;
	[smem:$0x7FF] =	sst s3  }
0x7: {  	s7 =	sor.u32 s5, s7;
	s5 =	ssub.s32 $0x2, s5;
	s12 =	sor.u32 $0x1C01, s12  }
0x8: {  	s7 =	smul.u32 $0x280, s7;
	_ =	strace $0x80000047;
	s9 =	sshrl.u32 s5, $0x1  }
0x9: {  	s8 =	sadd.s32 s6, s8;
	s9 =	ssub.s32 s5, s9;
	s5 =	sadd.s32 s6, s2  }
0xa: {  	s8 =	sshrl.u32 s8, $0x3;
	s7 =	sadd.s32 s7, s4;
	s13 =	sshrl.u32 s5, $0x3  }
0xb: {  	s8 =	sadd.s32 s8, s4;
	s4 =	sadd.s32 $0x3200, s7;
	s7 =	smax.u32 s9, $0x1  }
0xc: {  	v0 =	vimm.f32 $1.000000000e+00;
	v1 =	vimm.f32 $0.0e+00;
	s9 =	simm.s32 $0x1480;
	s6 =	sadd.s32 $0x8200, s8;
	s8 =	simm.s32 $0x1  }
.LBB2_1:
0xd: {  	[tilespmem:s3], [sflag:$0x1] =	stream.linear.gather [hbm4b:s4+s3], $0x1400, $0x38;
	[tilespmem:$0x1980] =	vst v63  }
0xe: {  	_ =	swait.ge [sflag:s8], $0x1400  }
0xf: {  	[sflag:s8] =	ssyncset.done $0x0  }
0x10: {  	[sflag:s8] =	ssyncadd.s32 $0xFFFFEC00  }
0x11: {  	[tilespmem:$0x1400] =	vst v0  }
0x12: {  	[tilespmem:$0x1410] =	vst v0  }
0x13: {  	[tilespmem:$0x1420] =	vst v0  }
0x14: {  	[tilespmem:$0x1430] =	vst v0  }
0x15: {  	[tilespmem:$0x1440] =	vst v0  }
0x16: {  	[tilespmem:$0x1450] =	vst v0  }
0x17: {  	[tilespmem:$0x1460] =	vst v0  }
0x18: {  	[tilespmem:$0x1470] =	vst v0  }
0x19: {  	[tilespmem:$0x1480] =	vst v1  }
0x1a: {  	[tilespmem:$0x1490] =	vst v1  }
0x1b: {  	[tilespmem:$0x14A0] =	vst v1  }
0x1c: {  	[tilespmem:$0x14B0] =	vst v1  }
0x1d: {  	[tilespmem:$0x14C0] =	vst v1  }
0x1e: {  	[tilespmem:$0x14D0] =	vst v1  }
0x1f: {  	[tilespmem:$0x14E0] =	vst v1  }
0x20: {  	[tilespmem:$0x14F0] =	vst v1  }
0x21: {  	[tilespmem:$0x1500] =	vst v1  }
0x22: {  	[tilespmem:$0x1510] =	vst v1  }
0x23: {  	[tilespmem:$0x1520] =	vst v1  }
0x24: {  	[tilespmem:$0x1530] =	vst v1  }
0x25: {  	[tilespmem:$0x1540] =	vst v1  }
0x26: {  	[tilespmem:$0x1550] =	vst v1  }
0x27: {  	[tilespmem:$0x1560] =	vst v1  }
0x28: {  	[tilespmem:$0x1570] =	vst v1  }
0x29: {  	[tilespmem:$0x1580] =	vst v1  }
0x2a: {  	[tilespmem:$0x1590] =	vst v1  }
0x2b: {  	[tilespmem:$0x15A0] =	vst v1  }
0x2c: {  	[tilespmem:$0x15B0] =	vst v1  }
0x2d: {  	[tilespmem:$0x15C0] =	vst v1  }
0x2e: {  	[tilespmem:$0x15D0] =	vst v1  }
0x2f: {  	[tilespmem:$0x15E0] =	vst v1  }
0x30: {  	[tilespmem:$0x15F0] =	vst v1  }
0x31: {  	[tilespmem:$0x1600] =	vst v1  }
0x32: {  	[tilespmem:$0x1610] =	vst v1  }
0x33: {  	[tilespmem:$0x1620] =	vst v1  }
0x34: {  	[tilespmem:$0x1630] =	vst v1  }
0x35: {  	[tilespmem:$0x1640] =	vst v1  }
0x36: {  	[tilespmem:$0x1650] =	vst v1  }
0x37: {  	[tilespmem:$0x1660] =	vst v1  }
0x38: {  	[tilespmem:$0x1670] =	vst v1  }
0x39: {  	[tilespmem:$0x1680] =	vst v1  }
0x3a: {  	[tilespmem:$0x1690] =	vst v1  }
0x3b: {  	[tilespmem:$0x16A0] =	vst v1  }
0x3c: {  	[tilespmem:$0x16B0] =	vst v1  }
0x3d: {  	[tilespmem:$0x16C0] =	vst v1  }
0x3e: {  	[tilespmem:$0x16D0] =	vst v1  }
0x3f: {  	[tilespmem:$0x16E0] =	vst v1  }
0x40: {  	[tilespmem:$0x16F0] =	vst v1  }
0x41: {  	[spmem:s5] =	stream.linear.scatter [tilespmem:s9], [sflag:$0x1], $0x280, $0x38;
	[tilespmem:$0x1980] =	vst v63  }
0x42: {  	_ =	swait.ge [sflag:s8], $0x280  }
0x43: {  	[sflag:s8] =	ssyncset.done $0x0  }
0x44: {  	[sflag:s8] =	ssyncadd.s32 $0xFFFFFD80  }
0x45: {  	s15 =	simm.s32 $0x0;
	[bflag:$0x0] =	sbarrier.arrive $0xFFFF  }
0x46: {  	[spmem:s2] =	stream.indirect.scatter.add.f32 [tilespmem:s11], [sflag:$0x1], $0x1, s15, s10, $0xb8;
	[tilespmem:$0x1980] =	vst v63  }
0x47: {  	_ =	swait.ge [sflag:s8], $0x80  }
0x48: {  	s15 =	simm.s32 $0x200;
	[sflag:s8] =	ssyncset.done $0x0  }
.LBB2_2:
0x49: {  	s16 =	sshra.s32 s15, $0x2;
	[sflag:s8] =	ssyncadd.s32 $0xFFFFFF80;
	p0 =	sne.s32 s15, $0x4E00  }
0x4a: {  	[spmem:s2] =	stream.indirect.scatter.add.f32 [tilespmem:s11], [sflag:$0x1], $0x1, s16, s10, $0xb8;
	[tilespmem:$0x1980] =	vst v63  }
.Ltmp0:
0x4b: {  	_ = 	snop;
	(pc) =	sbr.rel @p0 .LBB2_2-.Ltmp0, $4  }
0x4c: {  	_ = 	snop  }
0x4d: {  	s15 =	sadd.s32 $0x200, s15  }
0x4e: {  	_ =	swait.ge [sflag:s8], $0x80  }
0x4f: {  	[sflag:s8] =	ssyncset.done $0x0  }
0x50: {  	s14 =	sadd.s32 $0x1, s14  }
0x51: {  	[sflag:s8] =	ssyncadd.s32 $0xFFFFFF80;
	p0 =	sne.s32 s14, s7  }
.Ltmp1:
0x52: {  	[bflag:$0x0] =	sbarrier.arrive $0xFFFF;
	(pc) =	sbr.rel @p0 .LBB2_1-.Ltmp1, $4  }
0x53: {  	[hbm:s6], [sflag:s12] =	dma.local [spmem:s13], $0x50  }
0x54: {  	_ =	swait.ge [sflag:s8], $0x50  }
0x55: {  	[sflag:s8] =	ssyncset.done $0x0  }
0x56: {  	[sflag:s8] =	ssyncadd.s32 $0xFFFFFFB0  }
0x57: {  	_ =	sfence.sel $0x180000  }
0x58: {  	[bflag:$0x0] =	sbarrier.arrive $0xFFFF  }
0x59: {  	p0 =	sne.s32 s1, $0x0;
	_ =	strace $0x90000047  }
0x5a: {  	s0 =	sadd.s32 @!p0 $0x100000, s0;
	[bflag:$0x2] =	sbarrier.arrive $0xFFFF  }
0x5b: {  	[sflag:s0] =	ssyncadd.tile.s32 @!p0 $0x1;
	_ =	shalt  }
.Lfunc_end2:
_tile_overlayer_lowered:
.L_overlay_start_2:
0x5c: {  	(tag) =	ssettag $0x2  }
0x5d: {  	s0 =	rddreg [dreg:$0x0];
	s2 =	stileid.u32  }
0x5e: {  	s1 =	rddreg [dreg:$0x1];
	p0 =	sne.s32 s2, $0x0  }
0x5f: {  	s3 =	rddreg [dreg:$0x2];
	[bflag:$0x3] =	sbarrier.arrive $0xFFFF;
	s2 =	simm.s32 @!p0 $0x1C01  }
0x60: {  	[timem:s3], [sflag:s2] =	dma.local @!p0 [hbm:s0], s1  }
0x61: {  	s0 =	simm.s32 @!p0 $0x1  }
0x62: {  	_ =	swait.ge @!p0 [sflag:s0], s1  }
0x63: {  	s1 =	ssub.s32 @!p0 $0x0, s1;
	[sflag:s0] =	ssyncset.done @!p0 $0x0  }
0x64: {  	[sflag:s0] =	ssyncadd.s32 @!p0 s1  }
0x65: {  	[bflag:$0x3] =	sbarrier.arrive $0xFFFF  }
0x66: {  	_ =	shalt  }

</sc_bundles>
